<compile_context>
chip_gen: v7x
topology: tpu7x:2x2x1
jax: 0.10.2.dev20260603
libtpu: 0.0.44.dev20260713+nightly
codegen_flags: <defaults>
</compile_context>

<pallas_src>
import functools

import jax
import jax.numpy as jnp
from jax import lax
from jax.experimental import pallas as pl
from jax.experimental.pallas import tpu as pltpu
from jax.experimental.pallas import tpu_sc as plsc

N = 10000
E = 320000
NG = 64
D = 128
BN_EPS = 1e-5

NC = 2
NS = 16
NW = NC * NS
CH = 128
EPAD = 327680
EPW = EPAD // NW
NCH = EPW // CH
NPAD = 10240
RPS = NPAD // NS


def _sc_aggregate(h, eidx3, zeros):
    mesh = plsc.VectorSubcoreMesh(
        core_axis_name="c", subcore_axis_name="s", num_cores=NC, num_subcores=NS
    )

    @functools.partial(
        pl.kernel,
        out_type=jax.ShapeDtypeStruct((NC, NPAD, D), jnp.float32),
        mesh=mesh,
        scratch_types=[
            pltpu.VMEM((32, CH), jnp.int32),
            pltpu.VMEM((CH, D), jnp.float32),
            pltpu.VMEM((CH, D), jnp.float32),
            pltpu.VMEM_SHARED((NPAD, D), jnp.float32),
        ]
        + [pltpu.SemaphoreType.DMA] * 8,
    )
    def agg_kernel(h_hbm, e_hbm, z_hbm, out_hbm,
                   eidx, rows0, rows1, acc, *sems):
        qs = sems[:4]
        gsem = sems[4:6]
        ssem = sems[6:]
        rows = (rows0, rows1)
        c = lax.axis_index("c")
        s = lax.axis_index("s")
        w = c * NS + s

        pltpu.sync_copy(z_hbm.at[pl.ds(s * RPS, RPS)],
                        acc.at[pl.ds(s * RPS, RPS)])
        plsc.subcore_barrier()

        def fire_idx(j, b):
            pltpu.async_copy(e_hbm.at[w * NCH + j],
                             eidx.at[pl.ds(8 * b, 2)], qs[b])

        def wait_idx(b):
            pltpu.make_async_copy(e_hbm.at[0], eidx.at[pl.ds(8 * b, 2)],
                                  qs[b]).wait()

        def fire_gather(j, q, r):
            pltpu.async_copy(h_hbm.at[eidx.at[8 * q]], rows[r], gsem[r])

        def wait_gather(r):
            pltpu.make_async_copy(h_hbm.at[eidx.at[0]], rows[r],
                                  gsem[r]).wait()

        def fire_scatter(q, r):
            pltpu.async_copy(rows[r], acc.at[eidx.at[8 * q + 1]], ssem[r],
                             add=True)

        def wait_scatter(r):
            pltpu.make_async_copy(rows[r], acc.at[eidx.at[1]], ssem[r]).wait()

        def body(j, r, q, first=False, last=False, more=True):
            wait_gather(r)
            fire_scatter(q, r)
            if not first:
                wait_scatter(1 - r)
            if more:
                fire_idx(j + 2, (q + 2) % 4)
            if not last:
                wait_idx((q + 1) % 4)
                fire_gather(j + 1, (q + 1) % 4, 1 - r)

        fire_idx(0, 0)
        fire_idx(1, 1)
        wait_idx(0)
        fire_gather(0, 0, 0)

        body(0, 0, 0, first=True)
        body(1, 1, 1)

        @pl.loop(2, NCH - 2, step=4)
        def _(g):
            for u in range(4):
                body(g + u, u % 2, (2 + u) % 4)

        body(NCH - 2, 0, 2, more=False)
        body(NCH - 1, 1, 3, last=True, more=False)
        wait_scatter(1)

        plsc.subcore_barrier()
        pltpu.sync_copy(acc.at[pl.ds(s * RPS, RPS)],
                        out_hbm.at[c].at[pl.ds(s * RPS, RPS)])

    return agg_kernel(h, eidx3, zeros)


def _tc_layer_body(h_ref, p_ref, w1_ref, b1_ref, w2_ref, b2_ref,
                   g_ref, be_ref, o_ref):
    hs = h_ref[...] + p_ref[0, :N, :] + p_ref[1, :N, :]
    a = jnp.maximum(
        jnp.dot(hs, w1_ref[...], preferred_element_type=jnp.float32)
        + b1_ref[...], 0.0)
    h2 = (jnp.dot(a, w2_ref[...], preferred_element_type=jnp.float32)
          + b2_ref[...])
    m = jnp.mean(h2, axis=0, keepdims=True)
    v = jnp.mean((h2 - m) * (h2 - m), axis=0, keepdims=True)
    o_ref[...] = jnp.maximum(
        (h2 - m) * jax.lax.rsqrt(v + BN_EPS) * g_ref[...] + be_ref[...], 0.0)


def _tc_layer(h, p, W1, b1, W2, b2, g, be):
    return pl.pallas_call(
        _tc_layer_body,
        out_shape=jax.ShapeDtypeStruct((N, D), jnp.float32),
    )(h, p, W1, b1, W2, b2, g, be)


def _tc_layer_pool_body(h_ref, p_ref, w1_ref, b1_ref, w2_ref, b2_ref,
                        g_ref, be_ref, batch_ref, o_ref):
    hs = h_ref[...] + p_ref[0, :N, :] + p_ref[1, :N, :]
    a = jnp.maximum(
        jnp.dot(hs, w1_ref[...], preferred_element_type=jnp.float32)
        + b1_ref[...], 0.0)
    h2 = (jnp.dot(a, w2_ref[...], preferred_element_type=jnp.float32)
          + b2_ref[...])
    m = jnp.mean(h2, axis=0, keepdims=True)
    v = jnp.mean((h2 - m) * (h2 - m), axis=0, keepdims=True)
    hf = jnp.maximum(
        (h2 - m) * jax.lax.rsqrt(v + BN_EPS) * g_ref[...] + be_ref[...], 0.0)
    gids = lax.broadcasted_iota(jnp.int32, (N, NG), 1)
    onehot = (batch_ref[...] == gids).astype(jnp.float32)
    sums = lax.dot_general(onehot, hf, (((0,), (0,)), ((), ())),
                           preferred_element_type=jnp.float32)
    cnt = lax.dot_general(onehot, jnp.ones((N, 1), jnp.float32),
                          (((0,), (0,)), ((), ())),
                          preferred_element_type=jnp.float32)
    o_ref[...] = sums / jnp.clip(cnt, 1.0, None)


def _tc_layer_pool(h, p, W1, b1, W2, b2, g, be, batch):
    return pl.pallas_call(
        _tc_layer_pool_body,
        out_shape=jax.ShapeDtypeStruct((NG, D), jnp.float32),
    )(h, p, W1, b1, W2, b2, g, be, batch)


def kernel(x, edge_index, batch,
           W1_0, b1_0, W2_0, b2_0, g_0, be_0,
           W1_1, b1_1, W2_1, b2_1, g_1, be_1,
           W1_2, b1_2, W2_2, b2_2, g_2, be_2):
    pad = EPAD - E
    psrc = jnp.arange(pad, dtype=jnp.int32) % N
    pdst = N + jnp.arange(pad, dtype=jnp.int32) % (NPAD - N)
    src1 = jnp.concatenate([edge_index[0], psrc])
    dst1 = jnp.concatenate([edge_index[1], pdst])
    eidx3 = jnp.stack([src1.reshape(NW * NCH, CH),
                       dst1.reshape(NW * NCH, CH)], axis=1)
    zeros = jnp.zeros((NPAD, D), jnp.float32)
    batch2d = batch.reshape(N, 1)
    params = [(W1_0, b1_0, W2_0, b2_0, g_0, be_0),
              (W1_1, b1_1, W2_1, b2_1, g_1, be_1),
              (W1_2, b1_2, W2_2, b2_2, g_2, be_2)]

    h = x
    for i, (W1, b1, W2, b2, g, be) in enumerate(params):
        p = _sc_aggregate(h, eidx3, zeros)
        b1r = b1.reshape(1, D)
        b2r = b2.reshape(1, D)
        gr = g.reshape(1, D)
        ber = be.reshape(1, D)
        if i < 2:
            h = _tc_layer(h, p, W1, b1r, W2, b2r, gr, ber)
        else:
            h = _tc_layer_pool(h, p, W1, b1r, W2, b2r, gr, ber, batch2d)
    return h

# --- scband reference (transcript-rebuilt; emitter-appended) ---
"""Pipeline reference for scband-ginencoder-73572789781169 (READ-ONLY COPY).

The authoritative reference and input builder live on the scoring server;
editing this copy changes nothing except your own understanding.
"""

import jax, jax.numpy as jnp
import numpy as np

N = 10000
E = 320000
NG = 64
D = 128  # in_dim = hidden_dim = out_dim = 128
N_LAYERS = 3
BN_EPS = 1e-5


def setup_inputs(seed: int = 0) -> dict:
    key = jax.random.key(seed)
    ks = jax.random.split(key, 40)
    inp = {}
    inp["x"] = jax.random.normal(ks[0], (N, D), dtype=jnp.float32)
    inp["edge_index"] = jax.random.randint(ks[1], (2, E), 0, N, dtype=jnp.int32)
    inp["batch"] = jnp.sort(jax.random.randint(ks[2], (N,), 0, NG, dtype=jnp.int32))
    k = 3
    for i in range(N_LAYERS):
        s = 1.0 / np.sqrt(D)
        inp[f"W1_{i}"] = jax.random.uniform(ks[k], (D, D), jnp.float32, -s, s); k += 1
        inp[f"b1_{i}"] = jax.random.uniform(ks[k], (D,), jnp.float32, -s, s); k += 1
        inp[f"W2_{i}"] = jax.random.uniform(ks[k], (D, D), jnp.float32, -s, s); k += 1
        inp[f"b2_{i}"] = jax.random.uniform(ks[k], (D,), jnp.float32, -s, s); k += 1
        inp[f"g_{i}"] = jnp.ones((D,), jnp.float32)
        inp[f"be_{i}"] = jnp.zeros((D,), jnp.float32)
    return inp


def _bn(h, g, b):
    m = h.mean(axis=0)
    v = h.var(axis=0)
    return (h - m) / jnp.sqrt(v + BN_EPS) * g + b


def _gin_conv(x, src, dst, W1, b1, W2, b2):
    # GINConv with eps=0: MLP(x + sum_{j in N(i)} x_j), aggregate messages at dst
    agg = jax.ops.segment_sum(x[src], dst, num_segments=N)
    h = x + agg
    h = jnp.maximum(h @ W1 + b1, 0.0)
    h = h @ W2 + b2
    return h


def reference(x, edge_index, batch,
              W1_0, b1_0, W2_0, b2_0, g_0, be_0,
              W1_1, b1_1, W2_1, b2_1, g_1, be_1,
              W1_2, b1_2, W2_2, b2_2, g_2, be_2):
    src = edge_index[0]
    dst = edge_index[1]
    params = [(W1_0, b1_0, W2_0, b2_0, g_0, be_0),
              (W1_1, b1_1, W2_1, b2_1, g_1, be_1),
              (W1_2, b1_2, W2_2, b2_2, g_2, be_2)]
    h = x
    for (W1, b1, W2, b2, g, be) in params:
        h = _gin_conv(h, src, dst, W1, b1, W2, b2)
        h = _bn(h, g, be)
        h = jnp.maximum(h, 0.0)
        # dropout is identity in eval mode
    # global_mean_pool over graph ids
    sums = jax.ops.segment_sum(h, batch, num_segments=NG)
    cnt = jax.ops.segment_sum(jnp.ones((N, 1), jnp.float32), batch, num_segments=NG)
    return sums / jnp.clip(cnt, 1.0, None)

if __name__ == "__main__":
    import jax
    _d = setup_inputs()
    print(jax.jit(kernel)(*tuple(_d.values())))

</pallas_src>

<mosaic_0001>
#map = affine_map<(d0, d1) -> (0, 0)>
#map1 = affine_map<(d0, d1) -> (0, 0, 0)>
module attributes {stable_mosaic.version = 14 : i64} {
  func.func @agg_kernel(%arg0: i32, %arg1: i32, %arg2: memref<10000x128xf32, #tpu.memory_space<hbm>>, %arg3: memref<2560x2x128xi32, #tpu.memory_space<hbm>>, %arg4: memref<10240x128xf32, #tpu.memory_space<hbm>>, %arg5: memref<2x10240x128xf32, #tpu.memory_space<hbm>>, %arg6: memref<32x128xi32, #tpu.memory_space<vmem>>, %arg7: memref<128x128xf32, #tpu.memory_space<vmem>>, %arg8: memref<128x128xf32, #tpu.memory_space<vmem>>, %arg9: memref<10240x128xf32, #tpu.memory_space<vmem_shared>>, %arg10: memref<!tpu.dma_semaphore, #tpu.memory_space<semaphore_mem>>, %arg11: memref<!tpu.dma_semaphore, #tpu.memory_space<semaphore_mem>>, %arg12: memref<!tpu.dma_semaphore, #tpu.memory_space<semaphore_mem>>, %arg13: memref<!tpu.dma_semaphore, #tpu.memory_space<semaphore_mem>>, %arg14: memref<!tpu.dma_semaphore, #tpu.memory_space<semaphore_mem>>, %arg15: memref<!tpu.dma_semaphore, #tpu.memory_space<semaphore_mem>>, %arg16: memref<!tpu.dma_semaphore, #tpu.memory_space<semaphore_mem>>, %arg17: memref<!tpu.dma_semaphore, #tpu.memory_space<semaphore_mem>>) attributes {dimension_semantics = [#tpu.dimension_semantics<core_parallel>, #tpu.dimension_semantics<subcore_parallel>], iteration_bounds = array<i64: 2, 16>, scalar_prefetch = 0 : i64, scratch_operands = 12 : i64, tpu.core_type = #tpu.core_type<sc_vector_subcore>, window_params = [{transform_indices = #map}, {transform_indices = #map1}, {transform_indices = #map}, {transform_indices = #map1}]} {
    %mul3A = arith.constant 16 : i32
    %mul3A_0 = arith.muli %arg0, %mul3A : i32
    %add3A = arith.addi %mul3A_0, %arg1 : i32
    %mul3A_1 = arith.constant 640 : i32
    %mul3A_2 = arith.muli %arg1, %mul3A_1 : i32
    %mul3A_3 = arith.constant 640 : i32
    %mul3A_4 = arith.muli %arg1, %mul3A_3 : i32
    "tpu.region"() ({
      %run_scoped3A = tpu.sem_alloc : memref<!tpu.dma_semaphore, #tpu.memory_space<semaphore_mem>>
      %dma_start3A_256 = arith.constant 0 : i32
      %dma_start3A_257 = tpu.memref_slice %arg9[%mul3A_4, %dma_start3A_256] : memref<10240x128xf32, #tpu.memory_space<vmem_shared>> -> memref<640x128xf32, #tpu.memory_space<vmem_shared>>
      %dma_start3A_258 = arith.constant 0 : i32
      %dma_start3A_259 = tpu.memref_slice %arg4[%mul3A_2, %dma_start3A_258] : memref<10240x128xf32, #tpu.memory_space<hbm>> -> memref<640x128xf32, #tpu.memory_space<hbm>>
      tpu.enqueue_dma source(%dma_start3A_259 : memref<640x128xf32, #tpu.memory_space<hbm>>) target(%dma_start3A_257 : memref<640x128xf32, #tpu.memory_space<vmem_shared>>) target_semaphore(%run_scoped3A : memref<!tpu.dma_semaphore, #tpu.memory_space<semaphore_mem>>)
      %dma_wait3A_260 = arith.constant 0 : i32
      %dma_wait3A_261 = tpu.memref_slice %arg9[%mul3A_4, %dma_wait3A_260] : memref<10240x128xf32, #tpu.memory_space<vmem_shared>> -> memref<640x128xf32, #tpu.memory_space<vmem_shared>>
      %dma_wait3A_262 = arith.constant 0 : i32
      %dma_wait3A_263 = tpu.memref_slice %arg4[%mul3A_2, %dma_wait3A_262] : memref<10240x128xf32, #tpu.memory_space<hbm>> -> memref<640x128xf32, #tpu.memory_space<hbm>>
      tpu.wait_dma2 semaphore(%run_scoped3A : memref<!tpu.dma_semaphore, #tpu.memory_space<semaphore_mem>>) src(%dma_wait3A_263 : memref<640x128xf32, #tpu.memory_space<hbm>>) dst(%dma_wait3A_261 : memref<640x128xf32, #tpu.memory_space<vmem_shared>>)
      tpu.yield
    }) : () -> ()
    %barrier3A = arith.constant 0 : index
    tpu.barrier barrier_id(%barrier3A)
    %mul3A_5 = arith.constant 80 : i32
    %mul3A_6 = arith.muli %add3A, %mul3A_5 : i32
    %add3A_7 = arith.constant 0 : i32
    %add3A_8 = arith.addi %mul3A_6, %add3A_7 : i32
    %dma_start3A = arith.constant 0 : i32
    %dma_start3A_9 = arith.constant 0 : i32
    %dma_start3A_10 = tpu.memref_slice %arg6[%dma_start3A, %dma_start3A_9] : memref<32x128xi32, #tpu.memory_space<vmem>> -> memref<2x128xi32, #tpu.memory_space<vmem>>
    %dma_start3A_11 = arith.constant 0 : i32
    %dma_start3A_12 = arith.constant 0 : i32
    %dma_start3A_13 = tpu.memref_slice %arg3[%add3A_8, %dma_start3A_11, %dma_start3A_12] : memref<2560x2x128xi32, #tpu.memory_space<hbm>> -> memref<1x2x128xi32, #tpu.memory_space<hbm>>
    %dma_start3A_14 = tpu.memref_squeeze %dma_start3A_13 : memref<1x2x128xi32, #tpu.memory_space<hbm>> -> memref<2x128xi32, #tpu.memory_space<hbm>>
    %dma_start3A_15 = arith.constant 0 : i32
    %dma_start3A_16 = arith.constant 0 : i32
    %dma_start3A_17 = tpu.memref_slice %arg6[%dma_start3A_15, %dma_start3A_16] : memref<32x128xi32, #tpu.memory_space<vmem>> -> memref<2x128xi32, #tpu.memory_space<vmem>>
    %dma_start3A_18 = arith.constant 0 : i32
    %dma_start3A_19 = arith.constant 0 : i32
    %dma_start3A_20 = tpu.memref_slice %arg3[%add3A_8, %dma_start3A_18, %dma_start3A_19] : memref<2560x2x128xi32, #tpu.memory_space<hbm>> -> memref<1x2x128xi32, #tpu.memory_space<hbm>>
    %dma_start3A_21 = tpu.memref_squeeze %dma_start3A_20 : memref<1x2x128xi32, #tpu.memory_space<hbm>> -> memref<2x128xi32, #tpu.memory_space<hbm>>
    tpu.enqueue_dma source(%dma_start3A_21 : memref<2x128xi32, #tpu.memory_space<hbm>>) target(%dma_start3A_17 : memref<2x128xi32, #tpu.memory_space<vmem>>) target_semaphore(%arg10 : memref<!tpu.dma_semaphore, #tpu.memory_space<semaphore_mem>>)
    %mul3A_22 = arith.constant 80 : i32
    %mul3A_23 = arith.muli %add3A, %mul3A_22 : i32
    %add3A_24 = arith.constant 1 : i32
    %add3A_25 = arith.addi %mul3A_23, %add3A_24 : i32
    %dma_start3A_26 = arith.constant 8 : i32
    %dma_start3A_27 = arith.constant 0 : i32
    %dma_start3A_28 = tpu.memref_slice %arg6[%dma_start3A_26, %dma_start3A_27] : memref<32x128xi32, #tpu.memory_space<vmem>> -> memref<2x128xi32, #tpu.memory_space<vmem>>
    %dma_start3A_29 = arith.constant 0 : i32
    %dma_start3A_30 = arith.constant 0 : i32
    %dma_start3A_31 = tpu.memref_slice %arg3[%add3A_25, %dma_start3A_29, %dma_start3A_30] : memref<2560x2x128xi32, #tpu.memory_space<hbm>> -> memref<1x2x128xi32, #tpu.memory_space<hbm>>
    %dma_start3A_32 = tpu.memref_squeeze %dma_start3A_31 : memref<1x2x128xi32, #tpu.memory_space<hbm>> -> memref<2x128xi32, #tpu.memory_space<hbm>>
    %dma_start3A_33 = arith.constant 8 : i32
    %dma_start3A_34 = arith.constant 0 : i32
    %dma_start3A_35 = tpu.memref_slice %arg6[%dma_start3A_33, %dma_start3A_34] : memref<32x128xi32, #tpu.memory_space<vmem>> -> memref<2x128xi32, #tpu.memory_space<vmem>>
    %dma_start3A_36 = arith.constant 0 : i32
    %dma_start3A_37 = arith.constant 0 : i32
    %dma_start3A_38 = tpu.memref_slice %arg3[%add3A_25, %dma_start3A_36, %dma_start3A_37] : memref<2560x2x128xi32, #tpu.memory_space<hbm>> -> memref<1x2x128xi32, #tpu.memory_space<hbm>>
    %dma_start3A_39 = tpu.memref_squeeze %dma_start3A_38 : memref<1x2x128xi32, #tpu.memory_space<hbm>> -> memref<2x128xi32, #tpu.memory_space<hbm>>
    tpu.enqueue_dma source(%dma_start3A_39 : memref<2x128xi32, #tpu.memory_space<hbm>>) target(%dma_start3A_35 : memref<2x128xi32, #tpu.memory_space<vmem>>) target_semaphore(%arg11 : memref<!tpu.dma_semaphore, #tpu.memory_space<semaphore_mem>>)
    %dma_wait3A = arith.constant 0 : i32
    %dma_wait3A_40 = arith.constant 0 : i32
    %dma_wait3A_41 = arith.constant 0 : i32
    %dma_wait3A_42 = tpu.memref_slice %arg6[%dma_wait3A_40, %dma_wait3A_41] : memref<32x128xi32, #tpu.memory_space<vmem>> -> memref<2x128xi32, #tpu.memory_space<vmem>>
    %dma_wait3A_43 = arith.constant 0 : i32
    %dma_wait3A_44 = arith.constant 0 : i32
    %dma_wait3A_45 = tpu.memref_slice %arg3[%dma_wait3A, %dma_wait3A_43, %dma_wait3A_44] : memref<2560x2x128xi32, #tpu.memory_space<hbm>> -> memref<1x2x128xi32, #tpu.memory_space<hbm>>
    %dma_wait3A_46 = tpu.memref_squeeze %dma_wait3A_45 : memref<1x2x128xi32, #tpu.memory_space<hbm>> -> memref<2x128xi32, #tpu.memory_space<hbm>>
    %dma_wait3A_47 = arith.constant 0 : i32
    %dma_wait3A_48 = arith.constant 0 : i32
    %dma_wait3A_49 = tpu.memref_slice %arg6[%dma_wait3A_47, %dma_wait3A_48] : memref<32x128xi32, #tpu.memory_space<vmem>> -> memref<2x128xi32, #tpu.memory_space<vmem>>
    %dma_wait3A_50 = arith.constant 0 : i32
    %dma_wait3A_51 = arith.constant 0 : i32
    %dma_wait3A_52 = tpu.memref_slice %arg3[%dma_wait3A, %dma_wait3A_50, %dma_wait3A_51] : memref<2560x2x128xi32, #tpu.memory_space<hbm>> -> memref<1x2x128xi32, #tpu.memory_space<hbm>>
    %dma_wait3A_53 = tpu.memref_squeeze %dma_wait3A_52 : memref<1x2x128xi32, #tpu.memory_space<hbm>> -> memref<2x128xi32, #tpu.memory_space<hbm>>
    tpu.wait_dma2 semaphore(%arg10 : memref<!tpu.dma_semaphore, #tpu.memory_space<semaphore_mem>>) src(%dma_wait3A_53 : memref<2x128xi32, #tpu.memory_space<hbm>>) dst(%dma_wait3A_49 : memref<2x128xi32, #tpu.memory_space<vmem>>)
    %dma_start3A_54 = arith.constant 0 : i32
    %dma_start3A_55 = arith.constant 0 : i32
    %dma_start3A_56 = tpu.memref_slice %arg6[%dma_start3A_54, %dma_start3A_55] : memref<32x128xi32, #tpu.memory_space<vmem>> -> memref<1x128xi32, #tpu.memory_space<vmem>>
    %dma_start3A_57 = tpu.memref_squeeze %dma_start3A_56 : memref<1x128xi32, #tpu.memory_space<vmem>> -> memref<128xi32, #tpu.memory_space<vmem>>
    %dma_start3A_58 = arith.constant 0 : i32
    %dma_start3A_59 = arith.constant 0 : i32
    %dma_start3A_60 = tpu.memref_slice %arg2[%dma_start3A_58, %dma_start3A_59] : memref<10000x128xf32, #tpu.memory_space<hbm>> -> memref<10000x128xf32, #tpu.memory_space<hbm>>
    tpu.enqueue_indirect_dma source(%dma_start3A_60 : memref<10000x128xf32, #tpu.memory_space<hbm>>) target(%arg7 : memref<128x128xf32, #tpu.memory_space<vmem>>) offsets(%dma_start3A_57 : memref<128xi32, #tpu.memory_space<vmem>>) semaphore(%arg14 : memref<!tpu.dma_semaphore, #tpu.memory_space<semaphore_mem>>)
    %dma_wait3A_61 = arith.constant 0 : i32
    %dma_wait3A_62 = arith.constant 0 : i32
    %dma_wait3A_63 = tpu.memref_slice %arg6[%dma_wait3A_61, %dma_wait3A_62] : memref<32x128xi32, #tpu.memory_space<vmem>> -> memref<1x128xi32, #tpu.memory_space<vmem>>
    %dma_wait3A_64 = tpu.memref_squeeze %dma_wait3A_63 : memref<1x128xi32, #tpu.memory_space<vmem>> -> memref<128xi32, #tpu.memory_space<vmem>>
    %dma_wait3A_65 = arith.constant 0 : i32
    %dma_wait3A_66 = arith.constant 0 : i32
    %dma_wait3A_67 = tpu.memref_slice %arg2[%dma_wait3A_65, %dma_wait3A_66] : memref<10000x128xf32, #tpu.memory_space<hbm>> -> memref<10000x128xf32, #tpu.memory_space<hbm>>
    tpu.wait_indirect_dma semaphore(%arg14 : memref<!tpu.dma_semaphore, #tpu.memory_space<semaphore_mem>>) src(%dma_wait3A_67 : memref<10000x128xf32, #tpu.memory_space<hbm>>) dst(%arg7 : memref<128x128xf32, #tpu.memory_space<vmem>>)
    %dma_start3A_68 = arith.constant 1 : i32
    %dma_start3A_69 = arith.constant 0 : i32
    %dma_start3A_70 = tpu.memref_slice %arg6[%dma_start3A_68, %dma_start3A_69] : memref<32x128xi32, #tpu.memory_space<vmem>> -> memref<1x128xi32, #tpu.memory_space<vmem>>
    %dma_start3A_71 = tpu.memref_squeeze %dma_start3A_70 : memref<1x128xi32, #tpu.memory_space<vmem>> -> memref<128xi32, #tpu.memory_space<vmem>>
    %dma_start3A_72 = arith.constant 0 : i32
    %dma_start3A_73 = arith.constant 0 : i32
    %dma_start3A_74 = tpu.memref_slice %arg9[%dma_start3A_72, %dma_start3A_73] : memref<10240x128xf32, #tpu.memory_space<vmem_shared>> -> memref<10240x128xf32, #tpu.memory_space<vmem_shared>>
    tpu.enqueue_indirect_dma source(%arg7 : memref<128x128xf32, #tpu.memory_space<vmem>>) target(%dma_start3A_74 : memref<10240x128xf32, #tpu.memory_space<vmem_shared>>) offsets(%dma_start3A_71 : memref<128xi32, #tpu.memory_space<vmem>>) semaphore(%arg16 : memref<!tpu.dma_semaphore, #tpu.memory_space<semaphore_mem>>) {add = true}
    %mul3A_75 = arith.constant 80 : i32
    %mul3A_76 = arith.muli %add3A, %mul3A_75 : i32
    %add3A_77 = arith.constant 2 : i32
    %add3A_78 = arith.addi %mul3A_76, %add3A_77 : i32
    %dma_start3A_79 = arith.constant 16 : i32
    %dma_start3A_80 = arith.constant 0 : i32
    %dma_start3A_81 = tpu.memref_slice %arg6[%dma_start3A_79, %dma_start3A_80] : memref<32x128xi32, #tpu.memory_space<vmem>> -> memref<2x128xi32, #tpu.memory_space<vmem>>
    %dma_start3A_82 = arith.constant 0 : i32
    %dma_start3A_83 = arith.constant 0 : i32
    %dma_start3A_84 = tpu.memref_slice %arg3[%add3A_78, %dma_start3A_82, %dma_start3A_83] : memref<2560x2x128xi32, #tpu.memory_space<hbm>> -> memref<1x2x128xi32, #tpu.memory_space<hbm>>
    %dma_start3A_85 = tpu.memref_squeeze %dma_start3A_84 : memref<1x2x128xi32, #tpu.memory_space<hbm>> -> memref<2x128xi32, #tpu.memory_space<hbm>>
    %dma_start3A_86 = arith.constant 16 : i32
    %dma_start3A_87 = arith.constant 0 : i32
    %dma_start3A_88 = tpu.memref_slice %arg6[%dma_start3A_86, %dma_start3A_87] : memref<32x128xi32, #tpu.memory_space<vmem>> -> memref<2x128xi32, #tpu.memory_space<vmem>>
    %dma_start3A_89 = arith.constant 0 : i32
    %dma_start3A_90 = arith.constant 0 : i32
    %dma_start3A_91 = tpu.memref_slice %arg3[%add3A_78, %dma_start3A_89, %dma_start3A_90] : memref<2560x2x128xi32, #tpu.memory_space<hbm>> -> memref<1x2x128xi32, #tpu.memory_space<hbm>>
    %dma_start3A_92 = tpu.memref_squeeze %dma_start3A_91 : memref<1x2x128xi32, #tpu.memory_space<hbm>> -> memref<2x128xi32, #tpu.memory_space<hbm>>
    tpu.enqueue_dma source(%dma_start3A_92 : memref<2x128xi32, #tpu.memory_space<hbm>>) target(%dma_start3A_88 : memref<2x128xi32, #tpu.memory_space<vmem>>) target_semaphore(%arg12 : memref<!tpu.dma_semaphore, #tpu.memory_space<semaphore_mem>>)
    %dma_wait3A_93 = arith.constant 0 : i32
    %dma_wait3A_94 = arith.constant 8 : i32
    %dma_wait3A_95 = arith.constant 0 : i32
    %dma_wait3A_96 = tpu.memref_slice %arg6[%dma_wait3A_94, %dma_wait3A_95] : memref<32x128xi32, #tpu.memory_space<vmem>> -> memref<2x128xi32, #tpu.memory_space<vmem>>
    %dma_wait3A_97 = arith.constant 0 : i32
    %dma_wait3A_98 = arith.constant 0 : i32
    %dma_wait3A_99 = tpu.memref_slice %arg3[%dma_wait3A_93, %dma_wait3A_97, %dma_wait3A_98] : memref<2560x2x128xi32, #tpu.memory_space<hbm>> -> memref<1x2x128xi32, #tpu.memory_space<hbm>>
    %dma_wait3A_100 = tpu.memref_squeeze %dma_wait3A_99 : memref<1x2x128xi32, #tpu.memory_space<hbm>> -> memref<2x128xi32, #tpu.memory_space<hbm>>
    %dma_wait3A_101 = arith.constant 8 : i32
    %dma_wait3A_102 = arith.constant 0 : i32
    %dma_wait3A_103 = tpu.memref_slice %arg6[%dma_wait3A_101, %dma_wait3A_102] : memref<32x128xi32, #tpu.memory_space<vmem>> -> memref<2x128xi32, #tpu.memory_space<vmem>>
    %dma_wait3A_104 = arith.constant 0 : i32
    %dma_wait3A_105 = arith.constant 0 : i32
    %dma_wait3A_106 = tpu.memref_slice %arg3[%dma_wait3A_93, %dma_wait3A_104, %dma_wait3A_105] : memref<2560x2x128xi32, #tpu.memory_space<hbm>> -> memref<1x2x128xi32, #tpu.memory_space<hbm>>
    %dma_wait3A_107 = tpu.memref_squeeze %dma_wait3A_106 : memref<1x2x128xi32, #tpu.memory_space<hbm>> -> memref<2x128xi32, #tpu.memory_space<hbm>>
    tpu.wait_dma2 semaphore(%arg11 : memref<!tpu.dma_semaphore, #tpu.memory_space<semaphore_mem>>) src(%dma_wait3A_107 : memref<2x128xi32, #tpu.memory_space<hbm>>) dst(%dma_wait3A_103 : memref<2x128xi32, #tpu.memory_space<vmem>>)
    %dma_start3A_108 = arith.constant 8 : i32
    %dma_start3A_109 = arith.constant 0 : i32
    %dma_start3A_110 = tpu.memref_slice %arg6[%dma_start3A_108, %dma_start3A_109] : memref<32x128xi32, #tpu.memory_space<vmem>> -> memref<1x128xi32, #tpu.memory_space<vmem>>
    %dma_start3A_111 = tpu.memref_squeeze %dma_start3A_110 : memref<1x128xi32, #tpu.memory_space<vmem>> -> memref<128xi32, #tpu.memory_space<vmem>>
    %dma_start3A_112 = arith.constant 0 : i32
    %dma_start3A_113 = arith.constant 0 : i32
    %dma_start3A_114 = tpu.memref_slice %arg2[%dma_start3A_112, %dma_start3A_113] : memref<10000x128xf32, #tpu.memory_space<hbm>> -> memref<10000x128xf32, #tpu.memory_space<hbm>>
    tpu.enqueue_indirect_dma source(%dma_start3A_114 : memref<10000x128xf32, #tpu.memory_space<hbm>>) target(%arg8 : memref<128x128xf32, #tpu.memory_space<vmem>>) offsets(%dma_start3A_111 : memref<128xi32, #tpu.memory_space<vmem>>) semaphore(%arg15 : memref<!tpu.dma_semaphore, #tpu.memory_space<semaphore_mem>>)
    %dma_wait3A_115 = arith.constant 0 : i32
    %dma_wait3A_116 = arith.constant 0 : i32
    %dma_wait3A_117 = tpu.memref_slice %arg6[%dma_wait3A_115, %dma_wait3A_116] : memref<32x128xi32, #tpu.memory_space<vmem>> -> memref<1x128xi32, #tpu.memory_space<vmem>>
    %dma_wait3A_118 = tpu.memref_squeeze %dma_wait3A_117 : memref<1x128xi32, #tpu.memory_space<vmem>> -> memref<128xi32, #tpu.memory_space<vmem>>
    %dma_wait3A_119 = arith.constant 0 : i32
    %dma_wait3A_120 = arith.constant 0 : i32
    %dma_wait3A_121 = tpu.memref_slice %arg2[%dma_wait3A_119, %dma_wait3A_120] : memref<10000x128xf32, #tpu.memory_space<hbm>> -> memref<10000x128xf32, #tpu.memory_space<hbm>>
    tpu.wait_indirect_dma semaphore(%arg15 : memref<!tpu.dma_semaphore, #tpu.memory_space<semaphore_mem>>) src(%dma_wait3A_121 : memref<10000x128xf32, #tpu.memory_space<hbm>>) dst(%arg8 : memref<128x128xf32, #tpu.memory_space<vmem>>)
    %dma_start3A_122 = arith.constant 9 : i32
    %dma_start3A_123 = arith.constant 0 : i32
    %dma_start3A_124 = tpu.memref_slice %arg6[%dma_start3A_122, %dma_start3A_123] : memref<32x128xi32, #tpu.memory_space<vmem>> -> memref<1x128xi32, #tpu.memory_space<vmem>>
    %dma_start3A_125 = tpu.memref_squeeze %dma_start3A_124 : memref<1x128xi32, #tpu.memory_space<vmem>> -> memref<128xi32, #tpu.memory_space<vmem>>
    %dma_start3A_126 = arith.constant 0 : i32
    %dma_start3A_127 = arith.constant 0 : i32
    %dma_start3A_128 = tpu.memref_slice %arg9[%dma_start3A_126, %dma_start3A_127] : memref<10240x128xf32, #tpu.memory_space<vmem_shared>> -> memref<10240x128xf32, #tpu.memory_space<vmem_shared>>
    tpu.enqueue_indirect_dma source(%arg8 : memref<128x128xf32, #tpu.memory_space<vmem>>) target(%dma_start3A_128 : memref<10240x128xf32, #tpu.memory_space<vmem_shared>>) offsets(%dma_start3A_125 : memref<128xi32, #tpu.memory_space<vmem>>) semaphore(%arg17 : memref<!tpu.dma_semaphore, #tpu.memory_space<semaphore_mem>>) {add = true}
    %dma_wait3A_129 = arith.constant 1 : i32
    %dma_wait3A_130 = arith.constant 0 : i32
    %dma_wait3A_131 = tpu.memref_slice %arg6[%dma_wait3A_129, %dma_wait3A_130] : memref<32x128xi32, #tpu.memory_space<vmem>> -> memref<1x128xi32, #tpu.memory_space<vmem>>
    %dma_wait3A_132 = tpu.memref_squeeze %dma_wait3A_131 : memref<1x128xi32, #tpu.memory_space<vmem>> -> memref<128xi32, #tpu.memory_space<vmem>>
    %dma_wait3A_133 = arith.constant 0 : i32
    %dma_wait3A_134 = arith.constant 0 : i32
    %dma_wait3A_135 = tpu.memref_slice %arg9[%dma_wait3A_133, %dma_wait3A_134] : memref<10240x128xf32, #tpu.memory_space<vmem_shared>> -> memref<10240x128xf32, #tpu.memory_space<vmem_shared>>
    tpu.wait_indirect_dma semaphore(%arg16 : memref<!tpu.dma_semaphore, #tpu.memory_space<semaphore_mem>>) src(%arg7 : memref<128x128xf32, #tpu.memory_space<vmem>>) dst(%dma_wait3A_135 : memref<10240x128xf32, #tpu.memory_space<vmem_shared>>)
    %mul3A_136 = arith.constant 80 : i32
    %mul3A_137 = arith.muli %add3A, %mul3A_136 : i32
    %add3A_138 = arith.constant 3 : i32
    %add3A_139 = arith.addi %mul3A_137, %add3A_138 : i32
    %dma_start3A_140 = arith.constant 24 : i32
    %dma_start3A_141 = arith.constant 0 : i32
    %dma_start3A_142 = tpu.memref_slice %arg6[%dma_start3A_140, %dma_start3A_141] : memref<32x128xi32, #tpu.memory_space<vmem>> -> memref<2x128xi32, #tpu.memory_space<vmem>>
    %dma_start3A_143 = arith.constant 0 : i32
    %dma_start3A_144 = arith.constant 0 : i32
    %dma_start3A_145 = tpu.memref_slice %arg3[%add3A_139, %dma_start3A_143, %dma_start3A_144] : memref<2560x2x128xi32, #tpu.memory_space<hbm>> -> memref<1x2x128xi32, #tpu.memory_space<hbm>>
    %dma_start3A_146 = tpu.memref_squeeze %dma_start3A_145 : memref<1x2x128xi32, #tpu.memory_space<hbm>> -> memref<2x128xi32, #tpu.memory_space<hbm>>
    %dma_start3A_147 = arith.constant 24 : i32
    %dma_start3A_148 = arith.constant 0 : i32
    %dma_start3A_149 = tpu.memref_slice %arg6[%dma_start3A_147, %dma_start3A_148] : memref<32x128xi32, #tpu.memory_space<vmem>> -> memref<2x128xi32, #tpu.memory_space<vmem>>
    %dma_start3A_150 = arith.constant 0 : i32
    %dma_start3A_151 = arith.constant 0 : i32
    %dma_start3A_152 = tpu.memref_slice %arg3[%add3A_139, %dma_start3A_150, %dma_start3A_151] : memref<2560x2x128xi32, #tpu.memory_space<hbm>> -> memref<1x2x128xi32, #tpu.memory_space<hbm>>
    %dma_start3A_153 = tpu.memref_squeeze %dma_start3A_152 : memref<1x2x128xi32, #tpu.memory_space<hbm>> -> memref<2x128xi32, #tpu.memory_space<hbm>>
    tpu.enqueue_dma source(%dma_start3A_153 : memref<2x128xi32, #tpu.memory_space<hbm>>) target(%dma_start3A_149 : memref<2x128xi32, #tpu.memory_space<vmem>>) target_semaphore(%arg13 : memref<!tpu.dma_semaphore, #tpu.memory_space<semaphore_mem>>)
    %dma_wait3A_154 = arith.constant 0 : i32
    %dma_wait3A_155 = arith.constant 16 : i32
    %dma_wait3A_156 = arith.constant 0 : i32
    %dma_wait3A_157 = tpu.memref_slice %arg6[%dma_wait3A_155, %dma_wait3A_156] : memref<32x128xi32, #tpu.memory_space<vmem>> -> memref<2x128xi32, #tpu.memory_space<vmem>>
    %dma_wait3A_158 = arith.constant 0 : i32
    %dma_wait3A_159 = arith.constant 0 : i32
    %dma_wait3A_160 = tpu.memref_slice %arg3[%dma_wait3A_154, %dma_wait3A_158, %dma_wait3A_159] : memref<2560x2x128xi32, #tpu.memory_space<hbm>> -> memref<1x2x128xi32, #tpu.memory_space<hbm>>
    %dma_wait3A_161 = tpu.memref_squeeze %dma_wait3A_160 : memref<1x2x128xi32, #tpu.memory_space<hbm>> -> memref<2x128xi32, #tpu.memory_space<hbm>>
    %dma_wait3A_162 = arith.constant 16 : i32
    %dma_wait3A_163 = arith.constant 0 : i32
    %dma_wait3A_164 = tpu.memref_slice %arg6[%dma_wait3A_162, %dma_wait3A_163] : memref<32x128xi32, #tpu.memory_space<vmem>> -> memref<2x128xi32, #tpu.memory_space<vmem>>
    %dma_wait3A_165 = arith.constant 0 : i32
    %dma_wait3A_166 = arith.constant 0 : i32
    %dma_wait3A_167 = tpu.memref_slice %arg3[%dma_wait3A_154, %dma_wait3A_165, %dma_wait3A_166] : memref<2560x2x128xi32, #tpu.memory_space<hbm>> -> memref<1x2x128xi32, #tpu.memory_space<hbm>>
    %dma_wait3A_168 = tpu.memref_squeeze %dma_wait3A_167 : memref<1x2x128xi32, #tpu.memory_space<hbm>> -> memref<2x128xi32, #tpu.memory_space<hbm>>
    tpu.wait_dma2 semaphore(%arg12 : memref<!tpu.dma_semaphore, #tpu.memory_space<semaphore_mem>>) src(%dma_wait3A_168 : memref<2x128xi32, #tpu.memory_space<hbm>>) dst(%dma_wait3A_164 : memref<2x128xi32, #tpu.memory_space<vmem>>)
    %dma_start3A_169 = arith.constant 16 : i32
    %dma_start3A_170 = arith.constant 0 : i32
    %dma_start3A_171 = tpu.memref_slice %arg6[%dma_start3A_169, %dma_start3A_170] : memref<32x128xi32, #tpu.memory_space<vmem>> -> memref<1x128xi32, #tpu.memory_space<vmem>>
    %dma_start3A_172 = tpu.memref_squeeze %dma_start3A_171 : memref<1x128xi32, #tpu.memory_space<vmem>> -> memref<128xi32, #tpu.memory_space<vmem>>
    %dma_start3A_173 = arith.constant 0 : i32
    %dma_start3A_174 = arith.constant 0 : i32
    %dma_start3A_175 = tpu.memref_slice %arg2[%dma_start3A_173, %dma_start3A_174] : memref<10000x128xf32, #tpu.memory_space<hbm>> -> memref<10000x128xf32, #tpu.memory_space<hbm>>
    tpu.enqueue_indirect_dma source(%dma_start3A_175 : memref<10000x128xf32, #tpu.memory_space<hbm>>) target(%arg7 : memref<128x128xf32, #tpu.memory_space<vmem>>) offsets(%dma_start3A_172 : memref<128xi32, #tpu.memory_space<vmem>>) semaphore(%arg14 : memref<!tpu.dma_semaphore, #tpu.memory_space<semaphore_mem>>)
    %scan3A = arith.constant 0 : i32
    %scan3A_176 = arith.constant 19 : i32
    %scan3A_177 = arith.addi %scan3A, %scan3A_176 : i32
    %scan3A_178 = arith.constant 1 : i32
    scf.for %scan3A_256 = %scan3A to %scan3A_177 step %scan3A_178  : i32 {
      %mul3A_257 = arith.constant 4 : i32
      %mul3A_258 = arith.muli %scan3A_256, %mul3A_257 : i32
      %add3A_259 = arith.constant 2 : i32
      %add3A_260 = arith.addi %add3A_259, %mul3A_258 : i32
      %add3A_261 = arith.constant 0 : i32
      %add3A_262 = arith.addi %add3A_260, %add3A_261 : i32
      %dma_wait3A_263 = arith.constant 0 : i32
      %dma_wait3A_264 = arith.constant 0 : i32
      %dma_wait3A_265 = tpu.memref_slice %arg6[%dma_wait3A_263, %dma_wait3A_264] : memref<32x128xi32, #tpu.memory_space<vmem>> -> memref<1x128xi32, #tpu.memory_space<vmem>>
      %dma_wait3A_266 = tpu.memref_squeeze %dma_wait3A_265 : memref<1x128xi32, #tpu.memory_space<vmem>> -> memref<128xi32, #tpu.memory_space<vmem>>
      %dma_wait3A_267 = arith.constant 0 : i32
      %dma_wait3A_268 = arith.constant 0 : i32
      %dma_wait3A_269 = tpu.memref_slice %arg2[%dma_wait3A_267, %dma_wait3A_268] : memref<10000x128xf32, #tpu.memory_space<hbm>> -> memref<10000x128xf32, #tpu.memory_space<hbm>>
      tpu.wait_indirect_dma semaphore(%arg14 : memref<!tpu.dma_semaphore, #tpu.memory_space<semaphore_mem>>) src(%dma_wait3A_269 : memref<10000x128xf32, #tpu.memory_space<hbm>>) dst(%arg7 : memref<128x128xf32, #tpu.memory_space<vmem>>)
      %dma_start3A_270 = arith.constant 17 : i32
      %dma_start3A_271 = arith.constant 0 : i32
      %dma_start3A_272 = tpu.memref_slice %arg6[%dma_start3A_270, %dma_start3A_271] : memref<32x128xi32, #tpu.memory_space<vmem>> -> memref<1x128xi32, #tpu.memory_space<vmem>>
      %dma_start3A_273 = tpu.memref_squeeze %dma_start3A_272 : memref<1x128xi32, #tpu.memory_space<vmem>> -> memref<128xi32, #tpu.memory_space<vmem>>
      %dma_start3A_274 = arith.constant 0 : i32
      %dma_start3A_275 = arith.constant 0 : i32
      %dma_start3A_276 = tpu.memref_slice %arg9[%dma_start3A_274, %dma_start3A_275] : memref<10240x128xf32, #tpu.memory_space<vmem_shared>> -> memref<10240x128xf32, #tpu.memory_space<vmem_shared>>
      tpu.enqueue_indirect_dma source(%arg7 : memref<128x128xf32, #tpu.memory_space<vmem>>) target(%dma_start3A_276 : memref<10240x128xf32, #tpu.memory_space<vmem_shared>>) offsets(%dma_start3A_273 : memref<128xi32, #tpu.memory_space<vmem>>) semaphore(%arg16 : memref<!tpu.dma_semaphore, #tpu.memory_space<semaphore_mem>>) {add = true}
      %dma_wait3A_277 = arith.constant 1 : i32
      %dma_wait3A_278 = arith.constant 0 : i32
      %dma_wait3A_279 = tpu.memref_slice %arg6[%dma_wait3A_277, %dma_wait3A_278] : memref<32x128xi32, #tpu.memory_space<vmem>> -> memref<1x128xi32, #tpu.memory_space<vmem>>
      %dma_wait3A_280 = tpu.memref_squeeze %dma_wait3A_279 : memref<1x128xi32, #tpu.memory_space<vmem>> -> memref<128xi32, #tpu.memory_space<vmem>>
      %dma_wait3A_281 = arith.constant 0 : i32
      %dma_wait3A_282 = arith.constant 0 : i32
      %dma_wait3A_283 = tpu.memref_slice %arg9[%dma_wait3A_281, %dma_wait3A_282] : memref<10240x128xf32, #tpu.memory_space<vmem_shared>> -> memref<10240x128xf32, #tpu.memory_space<vmem_shared>>
      tpu.wait_indirect_dma semaphore(%arg17 : memref<!tpu.dma_semaphore, #tpu.memory_space<semaphore_mem>>) src(%arg8 : memref<128x128xf32, #tpu.memory_space<vmem>>) dst(%dma_wait3A_283 : memref<10240x128xf32, #tpu.memory_space<vmem_shared>>)
      %add3A_284 = arith.constant 2 : i32
      %add3A_285 = arith.addi %add3A_262, %add3A_284 : i32
      %mul3A_286 = arith.constant 80 : i32
      %mul3A_287 = arith.muli %add3A, %mul3A_286 : i32
      %add3A_288 = arith.addi %mul3A_287, %add3A_285 : i32
      %dma_start3A_289 = arith.constant 0 : i32
      %dma_start3A_290 = arith.constant 0 : i32
      %dma_start3A_291 = tpu.memref_slice %arg6[%dma_start3A_289, %dma_start3A_290] : memref<32x128xi32, #tpu.memory_space<vmem>> -> memref<2x128xi32, #tpu.memory_space<vmem>>
      %dma_start3A_292 = arith.constant 0 : i32
      %dma_start3A_293 = arith.constant 0 : i32
      %dma_start3A_294 = tpu.memref_slice %arg3[%add3A_288, %dma_start3A_292, %dma_start3A_293] : memref<2560x2x128xi32, #tpu.memory_space<hbm>> -> memref<1x2x128xi32, #tpu.memory_space<hbm>>
      %dma_start3A_295 = tpu.memref_squeeze %dma_start3A_294 : memref<1x2x128xi32, #tpu.memory_space<hbm>> -> memref<2x128xi32, #tpu.memory_space<hbm>>
      %dma_start3A_296 = arith.constant 0 : i32
      %dma_start3A_297 = arith.constant 0 : i32
      %dma_start3A_298 = tpu.memref_slice %arg6[%dma_start3A_296, %dma_start3A_297] : memref<32x128xi32, #tpu.memory_space<vmem>> -> memref<2x128xi32, #tpu.memory_space<vmem>>
      %dma_start3A_299 = arith.constant 0 : i32
      %dma_start3A_300 = arith.constant 0 : i32
      %dma_start3A_301 = tpu.memref_slice %arg3[%add3A_288, %dma_start3A_299, %dma_start3A_300] : memref<2560x2x128xi32, #tpu.memory_space<hbm>> -> memref<1x2x128xi32, #tpu.memory_space<hbm>>
      %dma_start3A_302 = tpu.memref_squeeze %dma_start3A_301 : memref<1x2x128xi32, #tpu.memory_space<hbm>> -> memref<2x128xi32, #tpu.memory_space<hbm>>
      tpu.enqueue_dma source(%dma_start3A_302 : memref<2x128xi32, #tpu.memory_space<hbm>>) target(%dma_start3A_298 : memref<2x128xi32, #tpu.memory_space<vmem>>) target_semaphore(%arg10 : memref<!tpu.dma_semaphore, #tpu.memory_space<semaphore_mem>>)
      %dma_wait3A_303 = arith.constant 0 : i32
      %dma_wait3A_304 = arith.constant 24 : i32
      %dma_wait3A_305 = arith.constant 0 : i32
      %dma_wait3A_306 = tpu.memref_slice %arg6[%dma_wait3A_304, %dma_wait3A_305] : memref<32x128xi32, #tpu.memory_space<vmem>> -> memref<2x128xi32, #tpu.memory_space<vmem>>
      %dma_wait3A_307 = arith.constant 0 : i32
      %dma_wait3A_308 = arith.constant 0 : i32
      %dma_wait3A_309 = tpu.memref_slice %arg3[%dma_wait3A_303, %dma_wait3A_307, %dma_wait3A_308] : memref<2560x2x128xi32, #tpu.memory_space<hbm>> -> memref<1x2x128xi32, #tpu.memory_space<hbm>>
      %dma_wait3A_310 = tpu.memref_squeeze %dma_wait3A_309 : memref<1x2x128xi32, #tpu.memory_space<hbm>> -> memref<2x128xi32, #tpu.memory_space<hbm>>
      %dma_wait3A_311 = arith.constant 24 : i32
      %dma_wait3A_312 = arith.constant 0 : i32
      %dma_wait3A_313 = tpu.memref_slice %arg6[%dma_wait3A_311, %dma_wait3A_312] : memref<32x128xi32, #tpu.memory_space<vmem>> -> memref<2x128xi32, #tpu.memory_space<vmem>>
      %dma_wait3A_314 = arith.constant 0 : i32
      %dma_wait3A_315 = arith.constant 0 : i32
      %dma_wait3A_316 = tpu.memref_slice %arg3[%dma_wait3A_303, %dma_wait3A_314, %dma_wait3A_315] : memref<2560x2x128xi32, #tpu.memory_space<hbm>> -> memref<1x2x128xi32, #tpu.memory_space<hbm>>
      %dma_wait3A_317 = tpu.memref_squeeze %dma_wait3A_316 : memref<1x2x128xi32, #tpu.memory_space<hbm>> -> memref<2x128xi32, #tpu.memory_space<hbm>>
      tpu.wait_dma2 semaphore(%arg13 : memref<!tpu.dma_semaphore, #tpu.memory_space<semaphore_mem>>) src(%dma_wait3A_317 : memref<2x128xi32, #tpu.memory_space<hbm>>) dst(%dma_wait3A_313 : memref<2x128xi32, #tpu.memory_space<vmem>>)
      %add3A_318 = arith.constant 1 : i32
      %add3A_319 = arith.addi %add3A_262, %add3A_318 : i32
      %dma_start3A_320 = arith.constant 24 : i32
      %dma_start3A_321 = arith.constant 0 : i32
      %dma_start3A_322 = tpu.memref_slice %arg6[%dma_start3A_320, %dma_start3A_321] : memref<32x128xi32, #tpu.memory_space<vmem>> -> memref<1x128xi32, #tpu.memory_space<vmem>>
      %dma_start3A_323 = tpu.memref_squeeze %dma_start3A_322 : memref<1x128xi32, #tpu.memory_space<vmem>> -> memref<128xi32, #tpu.memory_space<vmem>>
      %dma_start3A_324 = arith.constant 0 : i32
      %dma_start3A_325 = arith.constant 0 : i32
      %dma_start3A_326 = tpu.memref_slice %arg2[%dma_start3A_324, %dma_start3A_325] : memref<10000x128xf32, #tpu.memory_space<hbm>> -> memref<10000x128xf32, #tpu.memory_space<hbm>>
      tpu.enqueue_indirect_dma source(%dma_start3A_326 : memref<10000x128xf32, #tpu.memory_space<hbm>>) target(%arg8 : memref<128x128xf32, #tpu.memory_space<vmem>>) offsets(%dma_start3A_323 : memref<128xi32, #tpu.memory_space<vmem>>) semaphore(%arg15 : memref<!tpu.dma_semaphore, #tpu.memory_space<semaphore_mem>>)
      %add3A_327 = arith.constant 1 : i32
      %add3A_328 = arith.addi %add3A_260, %add3A_327 : i32
      %dma_wait3A_329 = arith.constant 0 : i32
      %dma_wait3A_330 = arith.constant 0 : i32
      %dma_wait3A_331 = tpu.memref_slice %arg6[%dma_wait3A_329, %dma_wait3A_330] : memref<32x128xi32, #tpu.memory_space<vmem>> -> memref<1x128xi32, #tpu.memory_space<vmem>>
      %dma_wait3A_332 = tpu.memref_squeeze %dma_wait3A_331 : memref<1x128xi32, #tpu.memory_space<vmem>> -> memref<128xi32, #tpu.memory_space<vmem>>
      %dma_wait3A_333 = arith.constant 0 : i32
      %dma_wait3A_334 = arith.constant 0 : i32
      %dma_wait3A_335 = tpu.memref_slice %arg2[%dma_wait3A_333, %dma_wait3A_334] : memref<10000x128xf32, #tpu.memory_space<hbm>> -> memref<10000x128xf32, #tpu.memory_space<hbm>>
      tpu.wait_indirect_dma semaphore(%arg15 : memref<!tpu.dma_semaphore, #tpu.memory_space<semaphore_mem>>) src(%dma_wait3A_335 : memref<10000x128xf32, #tpu.memory_space<hbm>>) dst(%arg8 : memref<128x128xf32, #tpu.memory_space<vmem>>)
      %dma_start3A_336 = arith.constant 25 : i32
      %dma_start3A_337 = arith.constant 0 : i32
      %dma_start3A_338 = tpu.memref_slice %arg6[%dma_start3A_336, %dma_start3A_337] : memref<32x128xi32, #tpu.memory_space<vmem>> -> memref<1x128xi32, #tpu.memory_space<vmem>>
      %dma_start3A_339 = tpu.memref_squeeze %dma_start3A_338 : memref<1x128xi32, #tpu.memory_space<vmem>> -> memref<128xi32, #tpu.memory_space<vmem>>
      %dma_start3A_340 = arith.constant 0 : i32
      %dma_start3A_341 = arith.constant 0 : i32
      %dma_start3A_342 = tpu.memref_slice %arg9[%dma_start3A_340, %dma_start3A_341] : memref<10240x128xf32, #tpu.memory_space<vmem_shared>> -> memref<10240x128xf32, #tpu.memory_space<vmem_shared>>
      tpu.enqueue_indirect_dma source(%arg8 : memref<128x128xf32, #tpu.memory_space<vmem>>) target(%dma_start3A_342 : memref<10240x128xf32, #tpu.memory_space<vmem_shared>>) offsets(%dma_start3A_339 : memref<128xi32, #tpu.memory_space<vmem>>) semaphore(%arg17 : memref<!tpu.dma_semaphore, #tpu.memory_space<semaphore_mem>>) {add = true}
      %dma_wait3A_343 = arith.constant 1 : i32
      %dma_wait3A_344 = arith.constant 0 : i32
      %dma_wait3A_345 = tpu.memref_slice %arg6[%dma_wait3A_343, %dma_wait3A_344] : memref<32x128xi32, #tpu.memory_space<vmem>> -> memref<1x128xi32, #tpu.memory_space<vmem>>
      %dma_wait3A_346 = tpu.memref_squeeze %dma_wait3A_345 : memref<1x128xi32, #tpu.memory_space<vmem>> -> memref<128xi32, #tpu.memory_space<vmem>>
      %dma_wait3A_347 = arith.constant 0 : i32
      %dma_wait3A_348 = arith.constant 0 : i32
      %dma_wait3A_349 = tpu.memref_slice %arg9[%dma_wait3A_347, %dma_wait3A_348] : memref<10240x128xf32, #tpu.memory_space<vmem_shared>> -> memref<10240x128xf32, #tpu.memory_space<vmem_shared>>
      tpu.wait_indirect_dma semaphore(%arg16 : memref<!tpu.dma_semaphore, #tpu.memory_space<semaphore_mem>>) src(%arg7 : memref<128x128xf32, #tpu.memory_space<vmem>>) dst(%dma_wait3A_349 : memref<10240x128xf32, #tpu.memory_space<vmem_shared>>)
      %add3A_350 = arith.constant 2 : i32
      %add3A_351 = arith.addi %add3A_328, %add3A_350 : i32
      %mul3A_352 = arith.constant 80 : i32
      %mul3A_353 = arith.muli %add3A, %mul3A_352 : i32
      %add3A_354 = arith.addi %mul3A_353, %add3A_351 : i32
      %dma_start3A_355 = arith.constant 8 : i32
      %dma_start3A_356 = arith.constant 0 : i32
      %dma_start3A_357 = tpu.memref_slice %arg6[%dma_start3A_355, %dma_start3A_356] : memref<32x128xi32, #tpu.memory_space<vmem>> -> memref<2x128xi32, #tpu.memory_space<vmem>>
      %dma_start3A_358 = arith.constant 0 : i32
      %dma_start3A_359 = arith.constant 0 : i32
      %dma_start3A_360 = tpu.memref_slice %arg3[%add3A_354, %dma_start3A_358, %dma_start3A_359] : memref<2560x2x128xi32, #tpu.memory_space<hbm>> -> memref<1x2x128xi32, #tpu.memory_space<hbm>>
      %dma_start3A_361 = tpu.memref_squeeze %dma_start3A_360 : memref<1x2x128xi32, #tpu.memory_space<hbm>> -> memref<2x128xi32, #tpu.memory_space<hbm>>
      %dma_start3A_362 = arith.constant 8 : i32
      %dma_start3A_363 = arith.constant 0 : i32
      %dma_start3A_364 = tpu.memref_slice %arg6[%dma_start3A_362, %dma_start3A_363] : memref<32x128xi32, #tpu.memory_space<vmem>> -> memref<2x128xi32, #tpu.memory_space<vmem>>
      %dma_start3A_365 = arith.constant 0 : i32
      %dma_start3A_366 = arith.constant 0 : i32
      %dma_start3A_367 = tpu.memref_slice %arg3[%add3A_354, %dma_start3A_365, %dma_start3A_366] : memref<2560x2x128xi32, #tpu.memory_space<hbm>> -> memref<1x2x128xi32, #tpu.memory_space<hbm>>
      %dma_start3A_368 = tpu.memref_squeeze %dma_start3A_367 : memref<1x2x128xi32, #tpu.memory_space<hbm>> -> memref<2x128xi32, #tpu.memory_space<hbm>>
      tpu.enqueue_dma source(%dma_start3A_368 : memref<2x128xi32, #tpu.memory_space<hbm>>) target(%dma_start3A_364 : memref<2x128xi32, #tpu.memory_space<vmem>>) target_semaphore(%arg11 : memref<!tpu.dma_semaphore, #tpu.memory_space<semaphore_mem>>)
      %dma_wait3A_369 = arith.constant 0 : i32
      %dma_wait3A_370 = arith.constant 0 : i32
      %dma_wait3A_371 = arith.constant 0 : i32
      %dma_wait3A_372 = tpu.memref_slice %arg6[%dma_wait3A_370, %dma_wait3A_371] : memref<32x128xi32, #tpu.memory_space<vmem>> -> memref<2x128xi32, #tpu.memory_space<vmem>>
      %dma_wait3A_373 = arith.constant 0 : i32
      %dma_wait3A_374 = arith.constant 0 : i32
      %dma_wait3A_375 = tpu.memref_slice %arg3[%dma_wait3A_369, %dma_wait3A_373, %dma_wait3A_374] : memref<2560x2x128xi32, #tpu.memory_space<hbm>> -> memref<1x2x128xi32, #tpu.memory_space<hbm>>
      %dma_wait3A_376 = tpu.memref_squeeze %dma_wait3A_375 : memref<1x2x128xi32, #tpu.memory_space<hbm>> -> memref<2x128xi32, #tpu.memory_space<hbm>>
      %dma_wait3A_377 = arith.constant 0 : i32
      %dma_wait3A_378 = arith.constant 0 : i32
      %dma_wait3A_379 = tpu.memref_slice %arg6[%dma_wait3A_377, %dma_wait3A_378] : memref<32x128xi32, #tpu.memory_space<vmem>> -> memref<2x128xi32, #tpu.memory_space<vmem>>
      %dma_wait3A_380 = arith.constant 0 : i32
      %dma_wait3A_381 = arith.constant 0 : i32
      %dma_wait3A_382 = tpu.memref_slice %arg3[%dma_wait3A_369, %dma_wait3A_380, %dma_wait3A_381] : memref<2560x2x128xi32, #tpu.memory_space<hbm>> -> memref<1x2x128xi32, #tpu.memory_space<hbm>>
      %dma_wait3A_383 = tpu.memref_squeeze %dma_wait3A_382 : memref<1x2x128xi32, #tpu.memory_space<hbm>> -> memref<2x128xi32, #tpu.memory_space<hbm>>
      tpu.wait_dma2 semaphore(%arg10 : memref<!tpu.dma_semaphore, #tpu.memory_space<semaphore_mem>>) src(%dma_wait3A_383 : memref<2x128xi32, #tpu.memory_space<hbm>>) dst(%dma_wait3A_379 : memref<2x128xi32, #tpu.memory_space<vmem>>)
      %add3A_384 = arith.constant 1 : i32
      %add3A_385 = arith.addi %add3A_328, %add3A_384 : i32
      %dma_start3A_386 = arith.constant 0 : i32
      %dma_start3A_387 = arith.constant 0 : i32
      %dma_start3A_388 = tpu.memref_slice %arg6[%dma_start3A_386, %dma_start3A_387] : memref<32x128xi32, #tpu.memory_space<vmem>> -> memref<1x128xi32, #tpu.memory_space<vmem>>
      %dma_start3A_389 = tpu.memref_squeeze %dma_start3A_388 : memref<1x128xi32, #tpu.memory_space<vmem>> -> memref<128xi32, #tpu.memory_space<vmem>>
      %dma_start3A_390 = arith.constant 0 : i32
      %dma_start3A_391 = arith.constant 0 : i32
      %dma_start3A_392 = tpu.memref_slice %arg2[%dma_start3A_390, %dma_start3A_391] : memref<10000x128xf32, #tpu.memory_space<hbm>> -> memref<10000x128xf32, #tpu.memory_space<hbm>>
      tpu.enqueue_indirect_dma source(%dma_start3A_392 : memref<10000x128xf32, #tpu.memory_space<hbm>>) target(%arg7 : memref<128x128xf32, #tpu.memory_space<vmem>>) offsets(%dma_start3A_389 : memref<128xi32, #tpu.memory_space<vmem>>) semaphore(%arg14 : memref<!tpu.dma_semaphore, #tpu.memory_space<semaphore_mem>>)
      %add3A_393 = arith.constant 2 : i32
      %add3A_394 = arith.addi %add3A_260, %add3A_393 : i32
      %dma_wait3A_395 = arith.constant 0 : i32
      %dma_wait3A_396 = arith.constant 0 : i32
      %dma_wait3A_397 = tpu.memref_slice %arg6[%dma_wait3A_395, %dma_wait3A_396] : memref<32x128xi32, #tpu.memory_space<vmem>> -> memref<1x128xi32, #tpu.memory_space<vmem>>
      %dma_wait3A_398 = tpu.memref_squeeze %dma_wait3A_397 : memref<1x128xi32, #tpu.memory_space<vmem>> -> memref<128xi32, #tpu.memory_space<vmem>>
      %dma_wait3A_399 = arith.constant 0 : i32
      %dma_wait3A_400 = arith.constant 0 : i32
      %dma_wait3A_401 = tpu.memref_slice %arg2[%dma_wait3A_399, %dma_wait3A_400] : memref<10000x128xf32, #tpu.memory_space<hbm>> -> memref<10000x128xf32, #tpu.memory_space<hbm>>
      tpu.wait_indirect_dma semaphore(%arg14 : memref<!tpu.dma_semaphore, #tpu.memory_space<semaphore_mem>>) src(%dma_wait3A_401 : memref<10000x128xf32, #tpu.memory_space<hbm>>) dst(%arg7 : memref<128x128xf32, #tpu.memory_space<vmem>>)
      %dma_start3A_402 = arith.constant 1 : i32
      %dma_start3A_403 = arith.constant 0 : i32
      %dma_start3A_404 = tpu.memref_slice %arg6[%dma_start3A_402, %dma_start3A_403] : memref<32x128xi32, #tpu.memory_space<vmem>> -> memref<1x128xi32, #tpu.memory_space<vmem>>
      %dma_start3A_405 = tpu.memref_squeeze %dma_start3A_404 : memref<1x128xi32, #tpu.memory_space<vmem>> -> memref<128xi32, #tpu.memory_space<vmem>>
      %dma_start3A_406 = arith.constant 0 : i32
      %dma_start3A_407 = arith.constant 0 : i32
      %dma_start3A_408 = tpu.memref_slice %arg9[%dma_start3A_406, %dma_start3A_407] : memref<10240x128xf32, #tpu.memory_space<vmem_shared>> -> memref<10240x128xf32, #tpu.memory_space<vmem_shared>>
      tpu.enqueue_indirect_dma source(%arg7 : memref<128x128xf32, #tpu.memory_space<vmem>>) target(%dma_start3A_408 : memref<10240x128xf32, #tpu.memory_space<vmem_shared>>) offsets(%dma_start3A_405 : memref<128xi32, #tpu.memory_space<vmem>>) semaphore(%arg16 : memref<!tpu.dma_semaphore, #tpu.memory_space<semaphore_mem>>) {add = true}
      %dma_wait3A_409 = arith.constant 1 : i32
      %dma_wait3A_410 = arith.constant 0 : i32
      %dma_wait3A_411 = tpu.memref_slice %arg6[%dma_wait3A_409, %dma_wait3A_410] : memref<32x128xi32, #tpu.memory_space<vmem>> -> memref<1x128xi32, #tpu.memory_space<vmem>>
      %dma_wait3A_412 = tpu.memref_squeeze %dma_wait3A_411 : memref<1x128xi32, #tpu.memory_space<vmem>> -> memref<128xi32, #tpu.memory_space<vmem>>
      %dma_wait3A_413 = arith.constant 0 : i32
      %dma_wait3A_414 = arith.constant 0 : i32
      %dma_wait3A_415 = tpu.memref_slice %arg9[%dma_wait3A_413, %dma_wait3A_414] : memref<10240x128xf32, #tpu.memory_space<vmem_shared>> -> memref<10240x128xf32, #tpu.memory_space<vmem_shared>>
      tpu.wait_indirect_dma semaphore(%arg17 : memref<!tpu.dma_semaphore, #tpu.memory_space<semaphore_mem>>) src(%arg8 : memref<128x128xf32, #tpu.memory_space<vmem>>) dst(%dma_wait3A_415 : memref<10240x128xf32, #tpu.memory_space<vmem_shared>>)
      %add3A_416 = arith.constant 2 : i32
      %add3A_417 = arith.addi %add3A_394, %add3A_416 : i32
      %mul3A_418 = arith.constant 80 : i32
      %mul3A_419 = arith.muli %add3A, %mul3A_418 : i32
      %add3A_420 = arith.addi %mul3A_419, %add3A_417 : i32
      %dma_start3A_421 = arith.constant 16 : i32
      %dma_start3A_422 = arith.constant 0 : i32
      %dma_start3A_423 = tpu.memref_slice %arg6[%dma_start3A_421, %dma_start3A_422] : memref<32x128xi32, #tpu.memory_space<vmem>> -> memref<2x128xi32, #tpu.memory_space<vmem>>
      %dma_start3A_424 = arith.constant 0 : i32
      %dma_start3A_425 = arith.constant 0 : i32
      %dma_start3A_426 = tpu.memref_slice %arg3[%add3A_420, %dma_start3A_424, %dma_start3A_425] : memref<2560x2x128xi32, #tpu.memory_space<hbm>> -> memref<1x2x128xi32, #tpu.memory_space<hbm>>
      %dma_start3A_427 = tpu.memref_squeeze %dma_start3A_426 : memref<1x2x128xi32, #tpu.memory_space<hbm>> -> memref<2x128xi32, #tpu.memory_space<hbm>>
      %dma_start3A_428 = arith.constant 16 : i32
      %dma_start3A_429 = arith.constant 0 : i32
      %dma_start3A_430 = tpu.memref_slice %arg6[%dma_start3A_428, %dma_start3A_429] : memref<32x128xi32, #tpu.memory_space<vmem>> -> memref<2x128xi32, #tpu.memory_space<vmem>>
      %dma_start3A_431 = arith.constant 0 : i32
      %dma_start3A_432 = arith.constant 0 : i32
      %dma_start3A_433 = tpu.memref_slice %arg3[%add3A_420, %dma_start3A_431, %dma_start3A_432] : memref<2560x2x128xi32, #tpu.memory_space<hbm>> -> memref<1x2x128xi32, #tpu.memory_space<hbm>>
      %dma_start3A_434 = tpu.memref_squeeze %dma_start3A_433 : memref<1x2x128xi32, #tpu.memory_space<hbm>> -> memref<2x128xi32, #tpu.memory_space<hbm>>
      tpu.enqueue_dma source(%dma_start3A_434 : memref<2x128xi32, #tpu.memory_space<hbm>>) target(%dma_start3A_430 : memref<2x128xi32, #tpu.memory_space<vmem>>) target_semaphore(%arg12 : memref<!tpu.dma_semaphore, #tpu.memory_space<semaphore_mem>>)
      %dma_wait3A_435 = arith.constant 0 : i32
      %dma_wait3A_436 = arith.constant 8 : i32
      %dma_wait3A_437 = arith.constant 0 : i32
      %dma_wait3A_438 = tpu.memref_slice %arg6[%dma_wait3A_436, %dma_wait3A_437] : memref<32x128xi32, #tpu.memory_space<vmem>> -> memref<2x128xi32, #tpu.memory_space<vmem>>
      %dma_wait3A_439 = arith.constant 0 : i32
      %dma_wait3A_440 = arith.constant 0 : i32
      %dma_wait3A_441 = tpu.memref_slice %arg3[%dma_wait3A_435, %dma_wait3A_439, %dma_wait3A_440] : memref<2560x2x128xi32, #tpu.memory_space<hbm>> -> memref<1x2x128xi32, #tpu.memory_space<hbm>>
      %dma_wait3A_442 = tpu.memref_squeeze %dma_wait3A_441 : memref<1x2x128xi32, #tpu.memory_space<hbm>> -> memref<2x128xi32, #tpu.memory_space<hbm>>
      %dma_wait3A_443 = arith.constant 8 : i32
      %dma_wait3A_444 = arith.constant 0 : i32
      %dma_wait3A_445 = tpu.memref_slice %arg6[%dma_wait3A_443, %dma_wait3A_444] : memref<32x128xi32, #tpu.memory_space<vmem>> -> memref<2x128xi32, #tpu.memory_space<vmem>>
      %dma_wait3A_446 = arith.constant 0 : i32
      %dma_wait3A_447 = arith.constant 0 : i32
      %dma_wait3A_448 = tpu.memref_slice %arg3[%dma_wait3A_435, %dma_wait3A_446, %dma_wait3A_447] : memref<2560x2x128xi32, #tpu.memory_space<hbm>> -> memref<1x2x128xi32, #tpu.memory_space<hbm>>
      %dma_wait3A_449 = tpu.memref_squeeze %dma_wait3A_448 : memref<1x2x128xi32, #tpu.memory_space<hbm>> -> memref<2x128xi32, #tpu.memory_space<hbm>>
      tpu.wait_dma2 semaphore(%arg11 : memref<!tpu.dma_semaphore, #tpu.memory_space<semaphore_mem>>) src(%dma_wait3A_449 : memref<2x128xi32, #tpu.memory_space<hbm>>) dst(%dma_wait3A_445 : memref<2x128xi32, #tpu.memory_space<vmem>>)
      %add3A_450 = arith.constant 1 : i32
      %add3A_451 = arith.addi %add3A_394, %add3A_450 : i32
      %dma_start3A_452 = arith.constant 8 : i32
      %dma_start3A_453 = arith.constant 0 : i32
      %dma_start3A_454 = tpu.memref_slice %arg6[%dma_start3A_452, %dma_start3A_453] : memref<32x128xi32, #tpu.memory_space<vmem>> -> memref<1x128xi32, #tpu.memory_space<vmem>>
      %dma_start3A_455 = tpu.memref_squeeze %dma_start3A_454 : memref<1x128xi32, #tpu.memory_space<vmem>> -> memref<128xi32, #tpu.memory_space<vmem>>
      %dma_start3A_456 = arith.constant 0 : i32
      %dma_start3A_457 = arith.constant 0 : i32
      %dma_start3A_458 = tpu.memref_slice %arg2[%dma_start3A_456, %dma_start3A_457] : memref<10000x128xf32, #tpu.memory_space<hbm>> -> memref<10000x128xf32, #tpu.memory_space<hbm>>
      tpu.enqueue_indirect_dma source(%dma_start3A_458 : memref<10000x128xf32, #tpu.memory_space<hbm>>) target(%arg8 : memref<128x128xf32, #tpu.memory_space<vmem>>) offsets(%dma_start3A_455 : memref<128xi32, #tpu.memory_space<vmem>>) semaphore(%arg15 : memref<!tpu.dma_semaphore, #tpu.memory_space<semaphore_mem>>)
      %add3A_459 = arith.constant 3 : i32
      %add3A_460 = arith.addi %add3A_260, %add3A_459 : i32
      %dma_wait3A_461 = arith.constant 0 : i32
      %dma_wait3A_462 = arith.constant 0 : i32
      %dma_wait3A_463 = tpu.memref_slice %arg6[%dma_wait3A_461, %dma_wait3A_462] : memref<32x128xi32, #tpu.memory_space<vmem>> -> memref<1x128xi32, #tpu.memory_space<vmem>>
      %dma_wait3A_464 = tpu.memref_squeeze %dma_wait3A_463 : memref<1x128xi32, #tpu.memory_space<vmem>> -> memref<128xi32, #tpu.memory_space<vmem>>
      %dma_wait3A_465 = arith.constant 0 : i32
      %dma_wait3A_466 = arith.constant 0 : i32
      %dma_wait3A_467 = tpu.memref_slice %arg2[%dma_wait3A_465, %dma_wait3A_466] : memref<10000x128xf32, #tpu.memory_space<hbm>> -> memref<10000x128xf32, #tpu.memory_space<hbm>>
      tpu.wait_indirect_dma semaphore(%arg15 : memref<!tpu.dma_semaphore, #tpu.memory_space<semaphore_mem>>) src(%dma_wait3A_467 : memref<10000x128xf32, #tpu.memory_space<hbm>>) dst(%arg8 : memref<128x128xf32, #tpu.memory_space<vmem>>)
      %dma_start3A_468 = arith.constant 9 : i32
      %dma_start3A_469 = arith.constant 0 : i32
      %dma_start3A_470 = tpu.memref_slice %arg6[%dma_start3A_468, %dma_start3A_469] : memref<32x128xi32, #tpu.memory_space<vmem>> -> memref<1x128xi32, #tpu.memory_space<vmem>>
      %dma_start3A_471 = tpu.memref_squeeze %dma_start3A_470 : memref<1x128xi32, #tpu.memory_space<vmem>> -> memref<128xi32, #tpu.memory_space<vmem>>
      %dma_start3A_472 = arith.constant 0 : i32
      %dma_start3A_473 = arith.constant 0 : i32
      %dma_start3A_474 = tpu.memref_slice %arg9[%dma_start3A_472, %dma_start3A_473] : memref<10240x128xf32, #tpu.memory_space<vmem_shared>> -> memref<10240x128xf32, #tpu.memory_space<vmem_shared>>
      tpu.enqueue_indirect_dma source(%arg8 : memref<128x128xf32, #tpu.memory_space<vmem>>) target(%dma_start3A_474 : memref<10240x128xf32, #tpu.memory_space<vmem_shared>>) offsets(%dma_start3A_471 : memref<128xi32, #tpu.memory_space<vmem>>) semaphore(%arg17 : memref<!tpu.dma_semaphore, #tpu.memory_space<semaphore_mem>>) {add = true}
      %dma_wait3A_475 = arith.constant 1 : i32
      %dma_wait3A_476 = arith.constant 0 : i32
      %dma_wait3A_477 = tpu.memref_slice %arg6[%dma_wait3A_475, %dma_wait3A_476] : memref<32x128xi32, #tpu.memory_space<vmem>> -> memref<1x128xi32, #tpu.memory_space<vmem>>
      %dma_wait3A_478 = tpu.memref_squeeze %dma_wait3A_477 : memref<1x128xi32, #tpu.memory_space<vmem>> -> memref<128xi32, #tpu.memory_space<vmem>>
      %dma_wait3A_479 = arith.constant 0 : i32
      %dma_wait3A_480 = arith.constant 0 : i32
      %dma_wait3A_481 = tpu.memref_slice %arg9[%dma_wait3A_479, %dma_wait3A_480] : memref<10240x128xf32, #tpu.memory_space<vmem_shared>> -> memref<10240x128xf32, #tpu.memory_space<vmem_shared>>
      tpu.wait_indirect_dma semaphore(%arg16 : memref<!tpu.dma_semaphore, #tpu.memory_space<semaphore_mem>>) src(%arg7 : memref<128x128xf32, #tpu.memory_space<vmem>>) dst(%dma_wait3A_481 : memref<10240x128xf32, #tpu.memory_space<vmem_shared>>)
      %add3A_482 = arith.constant 2 : i32
      %add3A_483 = arith.addi %add3A_460, %add3A_482 : i32
      %mul3A_484 = arith.constant 80 : i32
      %mul3A_485 = arith.muli %add3A, %mul3A_484 : i32
      %add3A_486 = arith.addi %mul3A_485, %add3A_483 : i32
      %dma_start3A_487 = arith.constant 24 : i32
      %dma_start3A_488 = arith.constant 0 : i32
      %dma_start3A_489 = tpu.memref_slice %arg6[%dma_start3A_487, %dma_start3A_488] : memref<32x128xi32, #tpu.memory_space<vmem>> -> memref<2x128xi32, #tpu.memory_space<vmem>>
      %dma_start3A_490 = arith.constant 0 : i32
      %dma_start3A_491 = arith.constant 0 : i32
      %dma_start3A_492 = tpu.memref_slice %arg3[%add3A_486, %dma_start3A_490, %dma_start3A_491] : memref<2560x2x128xi32, #tpu.memory_space<hbm>> -> memref<1x2x128xi32, #tpu.memory_space<hbm>>
      %dma_start3A_493 = tpu.memref_squeeze %dma_start3A_492 : memref<1x2x128xi32, #tpu.memory_space<hbm>> -> memref<2x128xi32, #tpu.memory_space<hbm>>
      %dma_start3A_494 = arith.constant 24 : i32
      %dma_start3A_495 = arith.constant 0 : i32
      %dma_start3A_496 = tpu.memref_slice %arg6[%dma_start3A_494, %dma_start3A_495] : memref<32x128xi32, #tpu.memory_space<vmem>> -> memref<2x128xi32, #tpu.memory_space<vmem>>
      %dma_start3A_497 = arith.constant 0 : i32
      %dma_start3A_498 = arith.constant 0 : i32
      %dma_start3A_499 = tpu.memref_slice %arg3[%add3A_486, %dma_start3A_497, %dma_start3A_498] : memref<2560x2x128xi32, #tpu.memory_space<hbm>> -> memref<1x2x128xi32, #tpu.memory_space<hbm>>
      %dma_start3A_500 = tpu.memref_squeeze %dma_start3A_499 : memref<1x2x128xi32, #tpu.memory_space<hbm>> -> memref<2x128xi32, #tpu.memory_space<hbm>>
      tpu.enqueue_dma source(%dma_start3A_500 : memref<2x128xi32, #tpu.memory_space<hbm>>) target(%dma_start3A_496 : memref<2x128xi32, #tpu.memory_space<vmem>>) target_semaphore(%arg13 : memref<!tpu.dma_semaphore, #tpu.memory_space<semaphore_mem>>)
      %dma_wait3A_501 = arith.constant 0 : i32
      %dma_wait3A_502 = arith.constant 16 : i32
      %dma_wait3A_503 = arith.constant 0 : i32
      %dma_wait3A_504 = tpu.memref_slice %arg6[%dma_wait3A_502, %dma_wait3A_503] : memref<32x128xi32, #tpu.memory_space<vmem>> -> memref<2x128xi32, #tpu.memory_space<vmem>>
      %dma_wait3A_505 = arith.constant 0 : i32
      %dma_wait3A_506 = arith.constant 0 : i32
      %dma_wait3A_507 = tpu.memref_slice %arg3[%dma_wait3A_501, %dma_wait3A_505, %dma_wait3A_506] : memref<2560x2x128xi32, #tpu.memory_space<hbm>> -> memref<1x2x128xi32, #tpu.memory_space<hbm>>
      %dma_wait3A_508 = tpu.memref_squeeze %dma_wait3A_507 : memref<1x2x128xi32, #tpu.memory_space<hbm>> -> memref<2x128xi32, #tpu.memory_space<hbm>>
      %dma_wait3A_509 = arith.constant 16 : i32
      %dma_wait3A_510 = arith.constant 0 : i32
      %dma_wait3A_511 = tpu.memref_slice %arg6[%dma_wait3A_509, %dma_wait3A_510] : memref<32x128xi32, #tpu.memory_space<vmem>> -> memref<2x128xi32, #tpu.memory_space<vmem>>
      %dma_wait3A_512 = arith.constant 0 : i32
      %dma_wait3A_513 = arith.constant 0 : i32
      %dma_wait3A_514 = tpu.memref_slice %arg3[%dma_wait3A_501, %dma_wait3A_512, %dma_wait3A_513] : memref<2560x2x128xi32, #tpu.memory_space<hbm>> -> memref<1x2x128xi32, #tpu.memory_space<hbm>>
      %dma_wait3A_515 = tpu.memref_squeeze %dma_wait3A_514 : memref<1x2x128xi32, #tpu.memory_space<hbm>> -> memref<2x128xi32, #tpu.memory_space<hbm>>
      tpu.wait_dma2 semaphore(%arg12 : memref<!tpu.dma_semaphore, #tpu.memory_space<semaphore_mem>>) src(%dma_wait3A_515 : memref<2x128xi32, #tpu.memory_space<hbm>>) dst(%dma_wait3A_511 : memref<2x128xi32, #tpu.memory_space<vmem>>)
      %add3A_516 = arith.constant 1 : i32
      %add3A_517 = arith.addi %add3A_460, %add3A_516 : i32
      %dma_start3A_518 = arith.constant 16 : i32
      %dma_start3A_519 = arith.constant 0 : i32
      %dma_start3A_520 = tpu.memref_slice %arg6[%dma_start3A_518, %dma_start3A_519] : memref<32x128xi32, #tpu.memory_space<vmem>> -> memref<1x128xi32, #tpu.memory_space<vmem>>
      %dma_start3A_521 = tpu.memref_squeeze %dma_start3A_520 : memref<1x128xi32, #tpu.memory_space<vmem>> -> memref<128xi32, #tpu.memory_space<vmem>>
      %dma_start3A_522 = arith.constant 0 : i32
      %dma_start3A_523 = arith.constant 0 : i32
      %dma_start3A_524 = tpu.memref_slice %arg2[%dma_start3A_522, %dma_start3A_523] : memref<10000x128xf32, #tpu.memory_space<hbm>> -> memref<10000x128xf32, #tpu.memory_space<hbm>>
      tpu.enqueue_indirect_dma source(%dma_start3A_524 : memref<10000x128xf32, #tpu.memory_space<hbm>>) target(%arg7 : memref<128x128xf32, #tpu.memory_space<vmem>>) offsets(%dma_start3A_521 : memref<128xi32, #tpu.memory_space<vmem>>) semaphore(%arg14 : memref<!tpu.dma_semaphore, #tpu.memory_space<semaphore_mem>>)
    }
    %scan3A_179 = arith.constant 19 : i32
    %dma_wait3A_180 = arith.constant 0 : i32
    %dma_wait3A_181 = arith.constant 0 : i32
    %dma_wait3A_182 = tpu.memref_slice %arg6[%dma_wait3A_180, %dma_wait3A_181] : memref<32x128xi32, #tpu.memory_space<vmem>> -> memref<1x128xi32, #tpu.memory_space<vmem>>
    %dma_wait3A_183 = tpu.memref_squeeze %dma_wait3A_182 : memref<1x128xi32, #tpu.memory_space<vmem>> -> memref<128xi32, #tpu.memory_space<vmem>>
    %dma_wait3A_184 = arith.constant 0 : i32
    %dma_wait3A_185 = arith.constant 0 : i32
    %dma_wait3A_186 = tpu.memref_slice %arg2[%dma_wait3A_184, %dma_wait3A_185] : memref<10000x128xf32, #tpu.memory_space<hbm>> -> memref<10000x128xf32, #tpu.memory_space<hbm>>
    tpu.wait_indirect_dma semaphore(%arg14 : memref<!tpu.dma_semaphore, #tpu.memory_space<semaphore_mem>>) src(%dma_wait3A_186 : memref<10000x128xf32, #tpu.memory_space<hbm>>) dst(%arg7 : memref<128x128xf32, #tpu.memory_space<vmem>>)
    %dma_start3A_187 = arith.constant 17 : i32
    %dma_start3A_188 = arith.constant 0 : i32
    %dma_start3A_189 = tpu.memref_slice %arg6[%dma_start3A_187, %dma_start3A_188] : memref<32x128xi32, #tpu.memory_space<vmem>> -> memref<1x128xi32, #tpu.memory_space<vmem>>
    %dma_start3A_190 = tpu.memref_squeeze %dma_start3A_189 : memref<1x128xi32, #tpu.memory_space<vmem>> -> memref<128xi32, #tpu.memory_space<vmem>>
    %dma_start3A_191 = arith.constant 0 : i32
    %dma_start3A_192 = arith.constant 0 : i32
    %dma_start3A_193 = tpu.memref_slice %arg9[%dma_start3A_191, %dma_start3A_192] : memref<10240x128xf32, #tpu.memory_space<vmem_shared>> -> memref<10240x128xf32, #tpu.memory_space<vmem_shared>>
    tpu.enqueue_indirect_dma source(%arg7 : memref<128x128xf32, #tpu.memory_space<vmem>>) target(%dma_start3A_193 : memref<10240x128xf32, #tpu.memory_space<vmem_shared>>) offsets(%dma_start3A_190 : memref<128xi32, #tpu.memory_space<vmem>>) semaphore(%arg16 : memref<!tpu.dma_semaphore, #tpu.memory_space<semaphore_mem>>) {add = true}
    %dma_wait3A_194 = arith.constant 1 : i32
    %dma_wait3A_195 = arith.constant 0 : i32
    %dma_wait3A_196 = tpu.memref_slice %arg6[%dma_wait3A_194, %dma_wait3A_195] : memref<32x128xi32, #tpu.memory_space<vmem>> -> memref<1x128xi32, #tpu.memory_space<vmem>>
    %dma_wait3A_197 = tpu.memref_squeeze %dma_wait3A_196 : memref<1x128xi32, #tpu.memory_space<vmem>> -> memref<128xi32, #tpu.memory_space<vmem>>
    %dma_wait3A_198 = arith.constant 0 : i32
    %dma_wait3A_199 = arith.constant 0 : i32
    %dma_wait3A_200 = tpu.memref_slice %arg9[%dma_wait3A_198, %dma_wait3A_199] : memref<10240x128xf32, #tpu.memory_space<vmem_shared>> -> memref<10240x128xf32, #tpu.memory_space<vmem_shared>>
    tpu.wait_indirect_dma semaphore(%arg17 : memref<!tpu.dma_semaphore, #tpu.memory_space<semaphore_mem>>) src(%arg8 : memref<128x128xf32, #tpu.memory_space<vmem>>) dst(%dma_wait3A_200 : memref<10240x128xf32, #tpu.memory_space<vmem_shared>>)
    %dma_wait3A_201 = arith.constant 0 : i32
    %dma_wait3A_202 = arith.constant 24 : i32
    %dma_wait3A_203 = arith.constant 0 : i32
    %dma_wait3A_204 = tpu.memref_slice %arg6[%dma_wait3A_202, %dma_wait3A_203] : memref<32x128xi32, #tpu.memory_space<vmem>> -> memref<2x128xi32, #tpu.memory_space<vmem>>
    %dma_wait3A_205 = arith.constant 0 : i32
    %dma_wait3A_206 = arith.constant 0 : i32
    %dma_wait3A_207 = tpu.memref_slice %arg3[%dma_wait3A_201, %dma_wait3A_205, %dma_wait3A_206] : memref<2560x2x128xi32, #tpu.memory_space<hbm>> -> memref<1x2x128xi32, #tpu.memory_space<hbm>>
    %dma_wait3A_208 = tpu.memref_squeeze %dma_wait3A_207 : memref<1x2x128xi32, #tpu.memory_space<hbm>> -> memref<2x128xi32, #tpu.memory_space<hbm>>
    %dma_wait3A_209 = arith.constant 24 : i32
    %dma_wait3A_210 = arith.constant 0 : i32
    %dma_wait3A_211 = tpu.memref_slice %arg6[%dma_wait3A_209, %dma_wait3A_210] : memref<32x128xi32, #tpu.memory_space<vmem>> -> memref<2x128xi32, #tpu.memory_space<vmem>>
    %dma_wait3A_212 = arith.constant 0 : i32
    %dma_wait3A_213 = arith.constant 0 : i32
    %dma_wait3A_214 = tpu.memref_slice %arg3[%dma_wait3A_201, %dma_wait3A_212, %dma_wait3A_213] : memref<2560x2x128xi32, #tpu.memory_space<hbm>> -> memref<1x2x128xi32, #tpu.memory_space<hbm>>
    %dma_wait3A_215 = tpu.memref_squeeze %dma_wait3A_214 : memref<1x2x128xi32, #tpu.memory_space<hbm>> -> memref<2x128xi32, #tpu.memory_space<hbm>>
    tpu.wait_dma2 semaphore(%arg13 : memref<!tpu.dma_semaphore, #tpu.memory_space<semaphore_mem>>) src(%dma_wait3A_215 : memref<2x128xi32, #tpu.memory_space<hbm>>) dst(%dma_wait3A_211 : memref<2x128xi32, #tpu.memory_space<vmem>>)
    %dma_start3A_216 = arith.constant 24 : i32
    %dma_start3A_217 = arith.constant 0 : i32
    %dma_start3A_218 = tpu.memref_slice %arg6[%dma_start3A_216, %dma_start3A_217] : memref<32x128xi32, #tpu.memory_space<vmem>> -> memref<1x128xi32, #tpu.memory_space<vmem>>
    %dma_start3A_219 = tpu.memref_squeeze %dma_start3A_218 : memref<1x128xi32, #tpu.memory_space<vmem>> -> memref<128xi32, #tpu.memory_space<vmem>>
    %dma_start3A_220 = arith.constant 0 : i32
    %dma_start3A_221 = arith.constant 0 : i32
    %dma_start3A_222 = tpu.memref_slice %arg2[%dma_start3A_220, %dma_start3A_221] : memref<10000x128xf32, #tpu.memory_space<hbm>> -> memref<10000x128xf32, #tpu.memory_space<hbm>>
    tpu.enqueue_indirect_dma source(%dma_start3A_222 : memref<10000x128xf32, #tpu.memory_space<hbm>>) target(%arg8 : memref<128x128xf32, #tpu.memory_space<vmem>>) offsets(%dma_start3A_219 : memref<128xi32, #tpu.memory_space<vmem>>) semaphore(%arg15 : memref<!tpu.dma_semaphore, #tpu.memory_space<semaphore_mem>>)
    %dma_wait3A_223 = arith.constant 0 : i32
    %dma_wait3A_224 = arith.constant 0 : i32
    %dma_wait3A_225 = tpu.memref_slice %arg6[%dma_wait3A_223, %dma_wait3A_224] : memref<32x128xi32, #tpu.memory_space<vmem>> -> memref<1x128xi32, #tpu.memory_space<vmem>>
    %dma_wait3A_226 = tpu.memref_squeeze %dma_wait3A_225 : memref<1x128xi32, #tpu.memory_space<vmem>> -> memref<128xi32, #tpu.memory_space<vmem>>
    %dma_wait3A_227 = arith.constant 0 : i32
    %dma_wait3A_228 = arith.constant 0 : i32
    %dma_wait3A_229 = tpu.memref_slice %arg2[%dma_wait3A_227, %dma_wait3A_228] : memref<10000x128xf32, #tpu.memory_space<hbm>> -> memref<10000x128xf32, #tpu.memory_space<hbm>>
    tpu.wait_indirect_dma semaphore(%arg15 : memref<!tpu.dma_semaphore, #tpu.memory_space<semaphore_mem>>) src(%dma_wait3A_229 : memref<10000x128xf32, #tpu.memory_space<hbm>>) dst(%arg8 : memref<128x128xf32, #tpu.memory_space<vmem>>)
    %dma_start3A_230 = arith.constant 25 : i32
    %dma_start3A_231 = arith.constant 0 : i32
    %dma_start3A_232 = tpu.memref_slice %arg6[%dma_start3A_230, %dma_start3A_231] : memref<32x128xi32, #tpu.memory_space<vmem>> -> memref<1x128xi32, #tpu.memory_space<vmem>>
    %dma_start3A_233 = tpu.memref_squeeze %dma_start3A_232 : memref<1x128xi32, #tpu.memory_space<vmem>> -> memref<128xi32, #tpu.memory_space<vmem>>
    %dma_start3A_234 = arith.constant 0 : i32
    %dma_start3A_235 = arith.constant 0 : i32
    %dma_start3A_236 = tpu.memref_slice %arg9[%dma_start3A_234, %dma_start3A_235] : memref<10240x128xf32, #tpu.memory_space<vmem_shared>> -> memref<10240x128xf32, #tpu.memory_space<vmem_shared>>
    tpu.enqueue_indirect_dma source(%arg8 : memref<128x128xf32, #tpu.memory_space<vmem>>) target(%dma_start3A_236 : memref<10240x128xf32, #tpu.memory_space<vmem_shared>>) offsets(%dma_start3A_233 : memref<128xi32, #tpu.memory_space<vmem>>) semaphore(%arg17 : memref<!tpu.dma_semaphore, #tpu.memory_space<semaphore_mem>>) {add = true}
    %dma_wait3A_237 = arith.constant 1 : i32
    %dma_wait3A_238 = arith.constant 0 : i32
    %dma_wait3A_239 = tpu.memref_slice %arg6[%dma_wait3A_237, %dma_wait3A_238] : memref<32x128xi32, #tpu.memory_space<vmem>> -> memref<1x128xi32, #tpu.memory_space<vmem>>
    %dma_wait3A_240 = tpu.memref_squeeze %dma_wait3A_239 : memref<1x128xi32, #tpu.memory_space<vmem>> -> memref<128xi32, #tpu.memory_space<vmem>>
    %dma_wait3A_241 = arith.constant 0 : i32
    %dma_wait3A_242 = arith.constant 0 : i32
    %dma_wait3A_243 = tpu.memref_slice %arg9[%dma_wait3A_241, %dma_wait3A_242] : memref<10240x128xf32, #tpu.memory_space<vmem_shared>> -> memref<10240x128xf32, #tpu.memory_space<vmem_shared>>
    tpu.wait_indirect_dma semaphore(%arg16 : memref<!tpu.dma_semaphore, #tpu.memory_space<semaphore_mem>>) src(%arg7 : memref<128x128xf32, #tpu.memory_space<vmem>>) dst(%dma_wait3A_243 : memref<10240x128xf32, #tpu.memory_space<vmem_shared>>)
    %dma_wait3A_244 = arith.constant 1 : i32
    %dma_wait3A_245 = arith.constant 0 : i32
    %dma_wait3A_246 = tpu.memref_slice %arg6[%dma_wait3A_244, %dma_wait3A_245] : memref<32x128xi32, #tpu.memory_space<vmem>> -> memref<1x128xi32, #tpu.memory_space<vmem>>
    %dma_wait3A_247 = tpu.memref_squeeze %dma_wait3A_246 : memref<1x128xi32, #tpu.memory_space<vmem>> -> memref<128xi32, #tpu.memory_space<vmem>>
    %dma_wait3A_248 = arith.constant 0 : i32
    %dma_wait3A_249 = arith.constant 0 : i32
    %dma_wait3A_250 = tpu.memref_slice %arg9[%dma_wait3A_248, %dma_wait3A_249] : memref<10240x128xf32, #tpu.memory_space<vmem_shared>> -> memref<10240x128xf32, #tpu.memory_space<vmem_shared>>
    tpu.wait_indirect_dma semaphore(%arg17 : memref<!tpu.dma_semaphore, #tpu.memory_space<semaphore_mem>>) src(%arg8 : memref<128x128xf32, #tpu.memory_space<vmem>>) dst(%dma_wait3A_250 : memref<10240x128xf32, #tpu.memory_space<vmem_shared>>)
    %barrier3A_251 = arith.constant 0 : index
    tpu.barrier barrier_id(%barrier3A_251)
    %mul3A_252 = arith.constant 640 : i32
    %mul3A_253 = arith.muli %arg1, %mul3A_252 : i32
    %mul3A_254 = arith.constant 640 : i32
    %mul3A_255 = arith.muli %arg1, %mul3A_254 : i32
    "tpu.region"() ({
      %run_scoped3A = tpu.sem_alloc : memref<!tpu.dma_semaphore, #tpu.memory_space<semaphore_mem>>
      %dma_start3A_256 = arith.constant 0 : i32
      %dma_start3A_257 = arith.constant 0 : i32
      %dma_start3A_258 = tpu.memref_slice %arg5[%arg0, %dma_start3A_256, %dma_start3A_257] : memref<2x10240x128xf32, #tpu.memory_space<hbm>> -> memref<1x10240x128xf32, #tpu.memory_space<hbm>>
      %dma_start3A_259 = tpu.memref_squeeze %dma_start3A_258 : memref<1x10240x128xf32, #tpu.memory_space<hbm>> -> memref<10240x128xf32, #tpu.memory_space<hbm>>
      %dma_start3A_260 = arith.constant 0 : i32
      %dma_start3A_261 = tpu.memref_slice %dma_start3A_259[%mul3A_255, %dma_start3A_260] : memref<10240x128xf32, #tpu.memory_space<hbm>> -> memref<640x128xf32, #tpu.memory_space<hbm>>
      %dma_start3A_262 = arith.constant 0 : i32
      %dma_start3A_263 = tpu.memref_slice %arg9[%mul3A_253, %dma_start3A_262] : memref<10240x128xf32, #tpu.memory_space<vmem_shared>> -> memref<640x128xf32, #tpu.memory_space<vmem_shared>>
      tpu.enqueue_dma source(%dma_start3A_263 : memref<640x128xf32, #tpu.memory_space<vmem_shared>>) target(%dma_start3A_261 : memref<640x128xf32, #tpu.memory_space<hbm>>) target_semaphore(%run_scoped3A : memref<!tpu.dma_semaphore, #tpu.memory_space<semaphore_mem>>)
      %dma_wait3A_264 = arith.constant 0 : i32
      %dma_wait3A_265 = arith.constant 0 : i32
      %dma_wait3A_266 = tpu.memref_slice %arg5[%arg0, %dma_wait3A_264, %dma_wait3A_265] : memref<2x10240x128xf32, #tpu.memory_space<hbm>> -> memref<1x10240x128xf32, #tpu.memory_space<hbm>>
      %dma_wait3A_267 = tpu.memref_squeeze %dma_wait3A_266 : memref<1x10240x128xf32, #tpu.memory_space<hbm>> -> memref<10240x128xf32, #tpu.memory_space<hbm>>
      %dma_wait3A_268 = arith.constant 0 : i32
      %dma_wait3A_269 = tpu.memref_slice %dma_wait3A_267[%mul3A_255, %dma_wait3A_268] : memref<10240x128xf32, #tpu.memory_space<hbm>> -> memref<640x128xf32, #tpu.memory_space<hbm>>
      %dma_wait3A_270 = arith.constant 0 : i32
      %dma_wait3A_271 = tpu.memref_slice %arg9[%mul3A_253, %dma_wait3A_270] : memref<10240x128xf32, #tpu.memory_space<vmem_shared>> -> memref<640x128xf32, #tpu.memory_space<vmem_shared>>
      tpu.wait_dma2 semaphore(%run_scoped3A : memref<!tpu.dma_semaphore, #tpu.memory_space<semaphore_mem>>) src(%dma_wait3A_271 : memref<640x128xf32, #tpu.memory_space<vmem_shared>>) dst(%dma_wait3A_269 : memref<640x128xf32, #tpu.memory_space<hbm>>)
      tpu.yield
    }) : () -> ()
    return
  }
}

#map = affine_map<(d0, d1) -> (0, 0)>
#map1 = affine_map<(d0, d1) -> (0, 0, 0)>
module attributes {stable_mosaic.version = 14 : i64} {
  func.func @agg_kernel(%arg0: i32, %arg1: i32, %arg2: memref<10000x128xf32, #tpu.memory_space<hbm>>, %arg3: memref<2560x2x128xi32, #tpu.memory_space<hbm>>, %arg4: memref<10240x128xf32, #tpu.memory_space<hbm>>, %arg5: memref<2x10240x128xf32, #tpu.memory_space<hbm>>, %arg6: memref<32x128xi32, #tpu.memory_space<vmem>>, %arg7: memref<128x128xf32, #tpu.memory_space<vmem>>, %arg8: memref<128x128xf32, #tpu.memory_space<vmem>>, %arg9: memref<10240x128xf32, #tpu.memory_space<vmem_shared>>, %arg10: memref<!tpu.dma_semaphore, #tpu.memory_space<semaphore_mem>>, %arg11: memref<!tpu.dma_semaphore, #tpu.memory_space<semaphore_mem>>, %arg12: memref<!tpu.dma_semaphore, #tpu.memory_space<semaphore_mem>>, %arg13: memref<!tpu.dma_semaphore, #tpu.memory_space<semaphore_mem>>, %arg14: memref<!tpu.dma_semaphore, #tpu.memory_space<semaphore_mem>>, %arg15: memref<!tpu.dma_semaphore, #tpu.memory_space<semaphore_mem>>, %arg16: memref<!tpu.dma_semaphore, #tpu.memory_space<semaphore_mem>>, %arg17: memref<!tpu.dma_semaphore, #tpu.memory_space<semaphore_mem>>) attributes {dimension_semantics = [#tpu.dimension_semantics<core_parallel>, #tpu.dimension_semantics<subcore_parallel>], iteration_bounds = array<i64: 2, 16>, scalar_prefetch = 0 : i64, scratch_operands = 12 : i64, tpu.core_type = #tpu.core_type<sc_vector_subcore>, window_params = [{transform_indices = #map}, {transform_indices = #map1}, {transform_indices = #map}, {transform_indices = #map1}]} {
    %mul3A = arith.constant 16 : i32
    %mul3A_0 = arith.muli %arg0, %mul3A : i32
    %add3A = arith.addi %mul3A_0, %arg1 : i32
    %mul3A_1 = arith.constant 640 : i32
    %mul3A_2 = arith.muli %arg1, %mul3A_1 : i32
    %mul3A_3 = arith.constant 640 : i32
    %mul3A_4 = arith.muli %arg1, %mul3A_3 : i32
    "tpu.region"() ({
      %run_scoped3A = tpu.sem_alloc : memref<!tpu.dma_semaphore, #tpu.memory_space<semaphore_mem>>
      %dma_start3A_256 = arith.constant 0 : i32
      %dma_start3A_257 = tpu.memref_slice %arg9[%mul3A_4, %dma_start3A_256] : memref<10240x128xf32, #tpu.memory_space<vmem_shared>> -> memref<640x128xf32, #tpu.memory_space<vmem_shared>>
      %dma_start3A_258 = arith.constant 0 : i32
      %dma_start3A_259 = tpu.memref_slice %arg4[%mul3A_2, %dma_start3A_258] : memref<10240x128xf32, #tpu.memory_space<hbm>> -> memref<640x128xf32, #tpu.memory_space<hbm>>
      tpu.enqueue_dma source(%dma_start3A_259 : memref<640x128xf32, #tpu.memory_space<hbm>>) target(%dma_start3A_257 : memref<640x128xf32, #tpu.memory_space<vmem_shared>>) target_semaphore(%run_scoped3A : memref<!tpu.dma_semaphore, #tpu.memory_space<semaphore_mem>>)
      %dma_wait3A_260 = arith.constant 0 : i32
      %dma_wait3A_261 = tpu.memref_slice %arg9[%mul3A_4, %dma_wait3A_260] : memref<10240x128xf32, #tpu.memory_space<vmem_shared>> -> memref<640x128xf32, #tpu.memory_space<vmem_shared>>
      %dma_wait3A_262 = arith.constant 0 : i32
      %dma_wait3A_263 = tpu.memref_slice %arg4[%mul3A_2, %dma_wait3A_262] : memref<10240x128xf32, #tpu.memory_space<hbm>> -> memref<640x128xf32, #tpu.memory_space<hbm>>
      tpu.wait_dma2 semaphore(%run_scoped3A : memref<!tpu.dma_semaphore, #tpu.memory_space<semaphore_mem>>) src(%dma_wait3A_263 : memref<640x128xf32, #tpu.memory_space<hbm>>) dst(%dma_wait3A_261 : memref<640x128xf32, #tpu.memory_space<vmem_shared>>)
      tpu.yield
    }) : () -> ()
    %barrier3A = arith.constant 0 : index
    tpu.barrier barrier_id(%barrier3A)
    %mul3A_5 = arith.constant 80 : i32
    %mul3A_6 = arith.muli %add3A, %mul3A_5 : i32
    %add3A_7 = arith.constant 0 : i32
    %add3A_8 = arith.addi %mul3A_6, %add3A_7 : i32
    %dma_start3A = arith.constant 0 : i32
    %dma_start3A_9 = arith.constant 0 : i32
    %dma_start3A_10 = tpu.memref_slice %arg6[%dma_start3A, %dma_start3A_9] : memref<32x128xi32, #tpu.memory_space<vmem>> -> memref<2x128xi32, #tpu.memory_space<vmem>>
    %dma_start3A_11 = arith.constant 0 : i32
    %dma_start3A_12 = arith.constant 0 : i32
    %dma_start3A_13 = tpu.memref_slice %arg3[%add3A_8, %dma_start3A_11, %dma_start3A_12] : memref<2560x2x128xi32, #tpu.memory_space<hbm>> -> memref<1x2x128xi32, #tpu.memory_space<hbm>>
    %dma_start3A_14 = tpu.memref_squeeze %dma_start3A_13 : memref<1x2x128xi32, #tpu.memory_space<hbm>> -> memref<2x128xi32, #tpu.memory_space<hbm>>
    %dma_start3A_15 = arith.constant 0 : i32
    %dma_start3A_16 = arith.constant 0 : i32
    %dma_start3A_17 = tpu.memref_slice %arg6[%dma_start3A_15, %dma_start3A_16] : memref<32x128xi32, #tpu.memory_space<vmem>> -> memref<2x128xi32, #tpu.memory_space<vmem>>
    %dma_start3A_18 = arith.constant 0 : i32
    %dma_start3A_19 = arith.constant 0 : i32
    %dma_start3A_20 = tpu.memref_slice %arg3[%add3A_8, %dma_start3A_18, %dma_start3A_19] : memref<2560x2x128xi32, #tpu.memory_space<hbm>> -> memref<1x2x128xi32, #tpu.memory_space<hbm>>
    %dma_start3A_21 = tpu.memref_squeeze %dma_start3A_20 : memref<1x2x128xi32, #tpu.memory_space<hbm>> -> memref<2x128xi32, #tpu.memory_space<hbm>>
    tpu.enqueue_dma source(%dma_start3A_21 : memref<2x128xi32, #tpu.memory_space<hbm>>) target(%dma_start3A_17 : memref<2x128xi32, #tpu.memory_space<vmem>>) target_semaphore(%arg10 : memref<!tpu.dma_semaphore, #tpu.memory_space<semaphore_mem>>)
    %mul3A_22 = arith.constant 80 : i32
    %mul3A_23 = arith.muli %add3A, %mul3A_22 : i32
    %add3A_24 = arith.constant 1 : i32
    %add3A_25 = arith.addi %mul3A_23, %add3A_24 : i32
    %dma_start3A_26 = arith.constant 8 : i32
    %dma_start3A_27 = arith.constant 0 : i32
    %dma_start3A_28 = tpu.memref_slice %arg6[%dma_start3A_26, %dma_start3A_27] : memref<32x128xi32, #tpu.memory_space<vmem>> -> memref<2x128xi32, #tpu.memory_space<vmem>>
    %dma_start3A_29 = arith.constant 0 : i32
    %dma_start3A_30 = arith.constant 0 : i32
    %dma_start3A_31 = tpu.memref_slice %arg3[%add3A_25, %dma_start3A_29, %dma_start3A_30] : memref<2560x2x128xi32, #tpu.memory_space<hbm>> -> memref<1x2x128xi32, #tpu.memory_space<hbm>>
    %dma_start3A_32 = tpu.memref_squeeze %dma_start3A_31 : memref<1x2x128xi32, #tpu.memory_space<hbm>> -> memref<2x128xi32, #tpu.memory_space<hbm>>
    %dma_start3A_33 = arith.constant 8 : i32
    %dma_start3A_34 = arith.constant 0 : i32
    %dma_start3A_35 = tpu.memref_slice %arg6[%dma_start3A_33, %dma_start3A_34] : memref<32x128xi32, #tpu.memory_space<vmem>> -> memref<2x128xi32, #tpu.memory_space<vmem>>
    %dma_start3A_36 = arith.constant 0 : i32
    %dma_start3A_37 = arith.constant 0 : i32
    %dma_start3A_38 = tpu.memref_slice %arg3[%add3A_25, %dma_start3A_36, %dma_start3A_37] : memref<2560x2x128xi32, #tpu.memory_space<hbm>> -> memref<1x2x128xi32, #tpu.memory_space<hbm>>
    %dma_start3A_39 = tpu.memref_squeeze %dma_start3A_38 : memref<1x2x128xi32, #tpu.memory_space<hbm>> -> memref<2x128xi32, #tpu.memory_space<hbm>>
    tpu.enqueue_dma source(%dma_start3A_39 : memref<2x128xi32, #tpu.memory_space<hbm>>) target(%dma_start3A_35 : memref<2x128xi32, #tpu.memory_space<vmem>>) target_semaphore(%arg11 : memref<!tpu.dma_semaphore, #tpu.memory_space<semaphore_mem>>)
    %dma_wait3A = arith.constant 0 : i32
    %dma_wait3A_40 = arith.constant 0 : i32
    %dma_wait3A_41 = arith.constant 0 : i32
    %dma_wait3A_42 = tpu.memref_slice %arg6[%dma_wait3A_40, %dma_wait3A_41] : memref<32x128xi32, #tpu.memory_space<vmem>> -> memref<2x128xi32, #tpu.memory_space<vmem>>
    %dma_wait3A_43 = arith.constant 0 : i32
    %dma_wait3A_44 = arith.constant 0 : i32
    %dma_wait3A_45 = tpu.memref_slice %arg3[%dma_wait3A, %dma_wait3A_43, %dma_wait3A_44] : memref<2560x2x128xi32, #tpu.memory_space<hbm>> -> memref<1x2x128xi32, #tpu.memory_space<hbm>>
    %dma_wait3A_46 = tpu.memref_squeeze %dma_wait3A_45 : memref<1x2x128xi32, #tpu.memory_space<hbm>> -> memref<2x128xi32, #tpu.memory_space<hbm>>
    %dma_wait3A_47 = arith.constant 0 : i32
    %dma_wait3A_48 = arith.constant 0 : i32
    %dma_wait3A_49 = tpu.memref_slice %arg6[%dma_wait3A_47, %dma_wait3A_48] : memref<32x128xi32, #tpu.memory_space<vmem>> -> memref<2x128xi32, #tpu.memory_space<vmem>>
    %dma_wait3A_50 = arith.constant 0 : i32
    %dma_wait3A_51 = arith.constant 0 : i32
    %dma_wait3A_52 = tpu.memref_slice %arg3[%dma_wait3A, %dma_wait3A_50, %dma_wait3A_51] : memref<2560x2x128xi32, #tpu.memory_space<hbm>> -> memref<1x2x128xi32, #tpu.memory_space<hbm>>
    %dma_wait3A_53 = tpu.memref_squeeze %dma_wait3A_52 : memref<1x2x128xi32, #tpu.memory_space<hbm>> -> memref<2x128xi32, #tpu.memory_space<hbm>>
    tpu.wait_dma2 semaphore(%arg10 : memref<!tpu.dma_semaphore, #tpu.memory_space<semaphore_mem>>) src(%dma_wait3A_53 : memref<2x128xi32, #tpu.memory_space<hbm>>) dst(%dma_wait3A_49 : memref<2x128xi32, #tpu.memory_space<vmem>>)
    %dma_start3A_54 = arith.constant 0 : i32
    %dma_start3A_55 = arith.constant 0 : i32
    %dma_start3A_56 = tpu.memref_slice %arg6[%dma_start3A_54, %dma_start3A_55] : memref<32x128xi32, #tpu.memory_space<vmem>> -> memref<1x128xi32, #tpu.memory_space<vmem>>
    %dma_start3A_57 = tpu.memref_squeeze %dma_start3A_56 : memref<1x128xi32, #tpu.memory_space<vmem>> -> memref<128xi32, #tpu.memory_space<vmem>>
    %dma_start3A_58 = arith.constant 0 : i32
    %dma_start3A_59 = arith.constant 0 : i32
    %dma_start3A_60 = tpu.memref_slice %arg2[%dma_start3A_58, %dma_start3A_59] : memref<10000x128xf32, #tpu.memory_space<hbm>> -> memref<10000x128xf32, #tpu.memory_space<hbm>>
    tpu.enqueue_indirect_dma source(%dma_start3A_60 : memref<10000x128xf32, #tpu.memory_space<hbm>>) target(%arg7 : memref<128x128xf32, #tpu.memory_space<vmem>>) offsets(%dma_start3A_57 : memref<128xi32, #tpu.memory_space<vmem>>) semaphore(%arg14 : memref<!tpu.dma_semaphore, #tpu.memory_space<semaphore_mem>>)
    %dma_wait3A_61 = arith.constant 0 : i32
    %dma_wait3A_62 = arith.constant 0 : i32
    %dma_wait3A_63 = tpu.memref_slice %arg6[%dma_wait3A_61, %dma_wait3A_62] : memref<32x128xi32, #tpu.memory_space<vmem>> -> memref<1x128xi32, #tpu.memory_space<vmem>>
    %dma_wait3A_64 = tpu.memref_squeeze %dma_wait3A_63 : memref<1x128xi32, #tpu.memory_space<vmem>> -> memref<128xi32, #tpu.memory_space<vmem>>
    %dma_wait3A_65 = arith.constant 0 : i32
    %dma_wait3A_66 = arith.constant 0 : i32
    %dma_wait3A_67 = tpu.memref_slice %arg2[%dma_wait3A_65, %dma_wait3A_66] : memref<10000x128xf32, #tpu.memory_space<hbm>> -> memref<10000x128xf32, #tpu.memory_space<hbm>>
    tpu.wait_indirect_dma semaphore(%arg14 : memref<!tpu.dma_semaphore, #tpu.memory_space<semaphore_mem>>) src(%dma_wait3A_67 : memref<10000x128xf32, #tpu.memory_space<hbm>>) dst(%arg7 : memref<128x128xf32, #tpu.memory_space<vmem>>)
    %dma_start3A_68 = arith.constant 1 : i32
    %dma_start3A_69 = arith.constant 0 : i32
    %dma_start3A_70 = tpu.memref_slice %arg6[%dma_start3A_68, %dma_start3A_69] : memref<32x128xi32, #tpu.memory_space<vmem>> -> memref<1x128xi32, #tpu.memory_space<vmem>>
    %dma_start3A_71 = tpu.memref_squeeze %dma_start3A_70 : memref<1x128xi32, #tpu.memory_space<vmem>> -> memref<128xi32, #tpu.memory_space<vmem>>
    %dma_start3A_72 = arith.constant 0 : i32
    %dma_start3A_73 = arith.constant 0 : i32
    %dma_start3A_74 = tpu.memref_slice %arg9[%dma_start3A_72, %dma_start3A_73] : memref<10240x128xf32, #tpu.memory_space<vmem_shared>> -> memref<10240x128xf32, #tpu.memory_space<vmem_shared>>
    tpu.enqueue_indirect_dma source(%arg7 : memref<128x128xf32, #tpu.memory_space<vmem>>) target(%dma_start3A_74 : memref<10240x128xf32, #tpu.memory_space<vmem_shared>>) offsets(%dma_start3A_71 : memref<128xi32, #tpu.memory_space<vmem>>) semaphore(%arg16 : memref<!tpu.dma_semaphore, #tpu.memory_space<semaphore_mem>>) {add = true}
    %mul3A_75 = arith.constant 80 : i32
    %mul3A_76 = arith.muli %add3A, %mul3A_75 : i32
    %add3A_77 = arith.constant 2 : i32
    %add3A_78 = arith.addi %mul3A_76, %add3A_77 : i32
    %dma_start3A_79 = arith.constant 16 : i32
    %dma_start3A_80 = arith.constant 0 : i32
    %dma_start3A_81 = tpu.memref_slice %arg6[%dma_start3A_79, %dma_start3A_80] : memref<32x128xi32, #tpu.memory_space<vmem>> -> memref<2x128xi32, #tpu.memory_space<vmem>>
    %dma_start3A_82 = arith.constant 0 : i32
    %dma_start3A_83 = arith.constant 0 : i32
    %dma_start3A_84 = tpu.memref_slice %arg3[%add3A_78, %dma_start3A_82, %dma_start3A_83] : memref<2560x2x128xi32, #tpu.memory_space<hbm>> -> memref<1x2x128xi32, #tpu.memory_space<hbm>>
    %dma_start3A_85 = tpu.memref_squeeze %dma_start3A_84 : memref<1x2x128xi32, #tpu.memory_space<hbm>> -> memref<2x128xi32, #tpu.memory_space<hbm>>
    %dma_start3A_86 = arith.constant 16 : i32
    %dma_start3A_87 = arith.constant 0 : i32
    %dma_start3A_88 = tpu.memref_slice %arg6[%dma_start3A_86, %dma_start3A_87] : memref<32x128xi32, #tpu.memory_space<vmem>> -> memref<2x128xi32, #tpu.memory_space<vmem>>
    %dma_start3A_89 = arith.constant 0 : i32
    %dma_start3A_90 = arith.constant 0 : i32
    %dma_start3A_91 = tpu.memref_slice %arg3[%add3A_78, %dma_start3A_89, %dma_start3A_90] : memref<2560x2x128xi32, #tpu.memory_space<hbm>> -> memref<1x2x128xi32, #tpu.memory_space<hbm>>
    %dma_start3A_92 = tpu.memref_squeeze %dma_start3A_91 : memref<1x2x128xi32, #tpu.memory_space<hbm>> -> memref<2x128xi32, #tpu.memory_space<hbm>>
    tpu.enqueue_dma source(%dma_start3A_92 : memref<2x128xi32, #tpu.memory_space<hbm>>) target(%dma_start3A_88 : memref<2x128xi32, #tpu.memory_space<vmem>>) target_semaphore(%arg12 : memref<!tpu.dma_semaphore, #tpu.memory_space<semaphore_mem>>)
    %dma_wait3A_93 = arith.constant 0 : i32
    %dma_wait3A_94 = arith.constant 8 : i32
    %dma_wait3A_95 = arith.constant 0 : i32
    %dma_wait3A_96 = tpu.memref_slice %arg6[%dma_wait3A_94, %dma_wait3A_95] : memref<32x128xi32, #tpu.memory_space<vmem>> -> memref<2x128xi32, #tpu.memory_space<vmem>>
    %dma_wait3A_97 = arith.constant 0 : i32
    %dma_wait3A_98 = arith.constant 0 : i32
    %dma_wait3A_99 = tpu.memref_slice %arg3[%dma_wait3A_93, %dma_wait3A_97, %dma_wait3A_98] : memref<2560x2x128xi32, #tpu.memory_space<hbm>> -> memref<1x2x128xi32, #tpu.memory_space<hbm>>
    %dma_wait3A_100 = tpu.memref_squeeze %dma_wait3A_99 : memref<1x2x128xi32, #tpu.memory_space<hbm>> -> memref<2x128xi32, #tpu.memory_space<hbm>>
    %dma_wait3A_101 = arith.constant 8 : i32
    %dma_wait3A_102 = arith.constant 0 : i32
    %dma_wait3A_103 = tpu.memref_slice %arg6[%dma_wait3A_101, %dma_wait3A_102] : memref<32x128xi32, #tpu.memory_space<vmem>> -> memref<2x128xi32, #tpu.memory_space<vmem>>
    %dma_wait3A_104 = arith.constant 0 : i32
    %dma_wait3A_105 = arith.constant 0 : i32
    %dma_wait3A_106 = tpu.memref_slice %arg3[%dma_wait3A_93, %dma_wait3A_104, %dma_wait3A_105] : memref<2560x2x128xi32, #tpu.memory_space<hbm>> -> memref<1x2x128xi32, #tpu.memory_space<hbm>>
    %dma_wait3A_107 = tpu.memref_squeeze %dma_wait3A_106 : memref<1x2x128xi32, #tpu.memory_space<hbm>> -> memref<2x128xi32, #tpu.memory_space<hbm>>
    tpu.wait_dma2 semaphore(%arg11 : memref<!tpu.dma_semaphore, #tpu.memory_space<semaphore_mem>>) src(%dma_wait3A_107 : memref<2x128xi32, #tpu.memory_space<hbm>>) dst(%dma_wait3A_103 : memref<2x128xi32, #tpu.memory_space<vmem>>)
    %dma_start3A_108 = arith.constant 8 : i32
    %dma_start3A_109 = arith.constant 0 : i32
    %dma_start3A_110 = tpu.memref_slice %arg6[%dma_start3A_108, %dma_start3A_109] : memref<32x128xi32, #tpu.memory_space<vmem>> -> memref<1x128xi32, #tpu.memory_space<vmem>>
    %dma_start3A_111 = tpu.memref_squeeze %dma_start3A_110 : memref<1x128xi32, #tpu.memory_space<vmem>> -> memref<128xi32, #tpu.memory_space<vmem>>
    %dma_start3A_112 = arith.constant 0 : i32
    %dma_start3A_113 = arith.constant 0 : i32
    %dma_start3A_114 = tpu.memref_slice %arg2[%dma_start3A_112, %dma_start3A_113] : memref<10000x128xf32, #tpu.memory_space<hbm>> -> memref<10000x128xf32, #tpu.memory_space<hbm>>
    tpu.enqueue_indirect_dma source(%dma_start3A_114 : memref<10000x128xf32, #tpu.memory_space<hbm>>) target(%arg8 : memref<128x128xf32, #tpu.memory_space<vmem>>) offsets(%dma_start3A_111 : memref<128xi32, #tpu.memory_space<vmem>>) semaphore(%arg15 : memref<!tpu.dma_semaphore, #tpu.memory_space<semaphore_mem>>)
    %dma_wait3A_115 = arith.constant 0 : i32
    %dma_wait3A_116 = arith.constant 0 : i32
    %dma_wait3A_117 = tpu.memref_slice %arg6[%dma_wait3A_115, %dma_wait3A_116] : memref<32x128xi32, #tpu.memory_space<vmem>> -> memref<1x128xi32, #tpu.memory_space<vmem>>
    %dma_wait3A_118 = tpu.memref_squeeze %dma_wait3A_117 : memref<1x128xi32, #tpu.memory_space<vmem>> -> memref<128xi32, #tpu.memory_space<vmem>>
    %dma_wait3A_119 = arith.constant 0 : i32
    %dma_wait3A_120 = arith.constant 0 : i32
    %dma_wait3A_121 = tpu.memref_slice %arg2[%dma_wait3A_119, %dma_wait3A_120] : memref<10000x128xf32, #tpu.memory_space<hbm>> -> memref<10000x128xf32, #tpu.memory_space<hbm>>
    tpu.wait_indirect_dma semaphore(%arg15 : memref<!tpu.dma_semaphore, #tpu.memory_space<semaphore_mem>>) src(%dma_wait3A_121 : memref<10000x128xf32, #tpu.memory_space<hbm>>) dst(%arg8 : memref<128x128xf32, #tpu.memory_space<vmem>>)
    %dma_start3A_122 = arith.constant 9 : i32
    %dma_start3A_123 = arith.constant 0 : i32
    %dma_start3A_124 = tpu.memref_slice %arg6[%dma_start3A_122, %dma_start3A_123] : memref<32x128xi32, #tpu.memory_space<vmem>> -> memref<1x128xi32, #tpu.memory_space<vmem>>
    %dma_start3A_125 = tpu.memref_squeeze %dma_start3A_124 : memref<1x128xi32, #tpu.memory_space<vmem>> -> memref<128xi32, #tpu.memory_space<vmem>>
    %dma_start3A_126 = arith.constant 0 : i32
    %dma_start3A_127 = arith.constant 0 : i32
    %dma_start3A_128 = tpu.memref_slice %arg9[%dma_start3A_126, %dma_start3A_127] : memref<10240x128xf32, #tpu.memory_space<vmem_shared>> -> memref<10240x128xf32, #tpu.memory_space<vmem_shared>>
    tpu.enqueue_indirect_dma source(%arg8 : memref<128x128xf32, #tpu.memory_space<vmem>>) target(%dma_start3A_128 : memref<10240x128xf32, #tpu.memory_space<vmem_shared>>) offsets(%dma_start3A_125 : memref<128xi32, #tpu.memory_space<vmem>>) semaphore(%arg17 : memref<!tpu.dma_semaphore, #tpu.memory_space<semaphore_mem>>) {add = true}
    %dma_wait3A_129 = arith.constant 1 : i32
    %dma_wait3A_130 = arith.constant 0 : i32
    %dma_wait3A_131 = tpu.memref_slice %arg6[%dma_wait3A_129, %dma_wait3A_130] : memref<32x128xi32, #tpu.memory_space<vmem>> -> memref<1x128xi32, #tpu.memory_space<vmem>>
    %dma_wait3A_132 = tpu.memref_squeeze %dma_wait3A_131 : memref<1x128xi32, #tpu.memory_space<vmem>> -> memref<128xi32, #tpu.memory_space<vmem>>
    %dma_wait3A_133 = arith.constant 0 : i32
    %dma_wait3A_134 = arith.constant 0 : i32
    %dma_wait3A_135 = tpu.memref_slice %arg9[%dma_wait3A_133, %dma_wait3A_134] : memref<10240x128xf32, #tpu.memory_space<vmem_shared>> -> memref<10240x128xf32, #tpu.memory_space<vmem_shared>>
    tpu.wait_indirect_dma semaphore(%arg16 : memref<!tpu.dma_semaphore, #tpu.memory_space<semaphore_mem>>) src(%arg7 : memref<128x128xf32, #tpu.memory_space<vmem>>) dst(%dma_wait3A_135 : memref<10240x128xf32, #tpu.memory_space<vmem_shared>>)
    %mul3A_136 = arith.constant 80 : i32
    %mul3A_137 = arith.muli %add3A, %mul3A_136 : i32
    %add3A_138 = arith.constant 3 : i32
    %add3A_139 = arith.addi %mul3A_137, %add3A_138 : i32
    %dma_start3A_140 = arith.constant 24 : i32
    %dma_start3A_141 = arith.constant 0 : i32
    %dma_start3A_142 = tpu.memref_slice %arg6[%dma_start3A_140, %dma_start3A_141] : memref<32x128xi32, #tpu.memory_space<vmem>> -> memref<2x128xi32, #tpu.memory_space<vmem>>
    %dma_start3A_143 = arith.constant 0 : i32
    %dma_start3A_144 = arith.constant 0 : i32
    %dma_start3A_145 = tpu.memref_slice %arg3[%add3A_139, %dma_start3A_143, %dma_start3A_144] : memref<2560x2x128xi32, #tpu.memory_space<hbm>> -> memref<1x2x128xi32, #tpu.memory_space<hbm>>
    %dma_start3A_146 = tpu.memref_squeeze %dma_start3A_145 : memref<1x2x128xi32, #tpu.memory_space<hbm>> -> memref<2x128xi32, #tpu.memory_space<hbm>>
    %dma_start3A_147 = arith.constant 24 : i32
    %dma_start3A_148 = arith.constant 0 : i32
    %dma_start3A_149 = tpu.memref_slice %arg6[%dma_start3A_147, %dma_start3A_148] : memref<32x128xi32, #tpu.memory_space<vmem>> -> memref<2x128xi32, #tpu.memory_space<vmem>>
    %dma_start3A_150 = arith.constant 0 : i32
    %dma_start3A_151 = arith.constant 0 : i32
    %dma_start3A_152 = tpu.memref_slice %arg3[%add3A_139, %dma_start3A_150, %dma_start3A_151] : memref<2560x2x128xi32, #tpu.memory_space<hbm>> -> memref<1x2x128xi32, #tpu.memory_space<hbm>>
    %dma_start3A_153 = tpu.memref_squeeze %dma_start3A_152 : memref<1x2x128xi32, #tpu.memory_space<hbm>> -> memref<2x128xi32, #tpu.memory_space<hbm>>
    tpu.enqueue_dma source(%dma_start3A_153 : memref<2x128xi32, #tpu.memory_space<hbm>>) target(%dma_start3A_149 : memref<2x128xi32, #tpu.memory_space<vmem>>) target_semaphore(%arg13 : memref<!tpu.dma_semaphore, #tpu.memory_space<semaphore_mem>>)
    %dma_wait3A_154 = arith.constant 0 : i32
    %dma_wait3A_155 = arith.constant 16 : i32
    %dma_wait3A_156 = arith.constant 0 : i32
    %dma_wait3A_157 = tpu.memref_slice %arg6[%dma_wait3A_155, %dma_wait3A_156] : memref<32x128xi32, #tpu.memory_space<vmem>> -> memref<2x128xi32, #tpu.memory_space<vmem>>
    %dma_wait3A_158 = arith.constant 0 : i32
    %dma_wait3A_159 = arith.constant 0 : i32
    %dma_wait3A_160 = tpu.memref_slice %arg3[%dma_wait3A_154, %dma_wait3A_158, %dma_wait3A_159] : memref<2560x2x128xi32, #tpu.memory_space<hbm>> -> memref<1x2x128xi32, #tpu.memory_space<hbm>>
    %dma_wait3A_161 = tpu.memref_squeeze %dma_wait3A_160 : memref<1x2x128xi32, #tpu.memory_space<hbm>> -> memref<2x128xi32, #tpu.memory_space<hbm>>
    %dma_wait3A_162 = arith.constant 16 : i32
    %dma_wait3A_163 = arith.constant 0 : i32
    %dma_wait3A_164 = tpu.memref_slice %arg6[%dma_wait3A_162, %dma_wait3A_163] : memref<32x128xi32, #tpu.memory_space<vmem>> -> memref<2x128xi32, #tpu.memory_space<vmem>>
    %dma_wait3A_165 = arith.constant 0 : i32
    %dma_wait3A_166 = arith.constant 0 : i32
    %dma_wait3A_167 = tpu.memref_slice %arg3[%dma_wait3A_154, %dma_wait3A_165, %dma_wait3A_166] : memref<2560x2x128xi32, #tpu.memory_space<hbm>> -> memref<1x2x128xi32, #tpu.memory_space<hbm>>
    %dma_wait3A_168 = tpu.memref_squeeze %dma_wait3A_167 : memref<1x2x128xi32, #tpu.memory_space<hbm>> -> memref<2x128xi32, #tpu.memory_space<hbm>>
    tpu.wait_dma2 semaphore(%arg12 : memref<!tpu.dma_semaphore, #tpu.memory_space<semaphore_mem>>) src(%dma_wait3A_168 : memref<2x128xi32, #tpu.memory_space<hbm>>) dst(%dma_wait3A_164 : memref<2x128xi32, #tpu.memory_space<vmem>>)
    %dma_start3A_169 = arith.constant 16 : i32
    %dma_start3A_170 = arith.constant 0 : i32
    %dma_start3A_171 = tpu.memref_slice %arg6[%dma_start3A_169, %dma_start3A_170] : memref<32x128xi32, #tpu.memory_space<vmem>> -> memref<1x128xi32, #tpu.memory_space<vmem>>
    %dma_start3A_172 = tpu.memref_squeeze %dma_start3A_171 : memref<1x128xi32, #tpu.memory_space<vmem>> -> memref<128xi32, #tpu.memory_space<vmem>>
    %dma_start3A_173 = arith.constant 0 : i32
    %dma_start3A_174 = arith.constant 0 : i32
    %dma_start3A_175 = tpu.memref_slice %arg2[%dma_start3A_173, %dma_start3A_174] : memref<10000x128xf32, #tpu.memory_space<hbm>> -> memref<10000x128xf32, #tpu.memory_space<hbm>>
    tpu.enqueue_indirect_dma source(%dma_start3A_175 : memref<10000x128xf32, #tpu.memory_space<hbm>>) target(%arg7 : memref<128x128xf32, #tpu.memory_space<vmem>>) offsets(%dma_start3A_172 : memref<128xi32, #tpu.memory_space<vmem>>) semaphore(%arg14 : memref<!tpu.dma_semaphore, #tpu.memory_space<semaphore_mem>>)
    %scan3A = arith.constant 0 : i32
    %scan3A_176 = arith.constant 19 : i32
    %scan3A_177 = arith.addi %scan3A, %scan3A_176 : i32
    %scan3A_178 = arith.constant 1 : i32
    scf.for %scan3A_256 = %scan3A to %scan3A_177 step %scan3A_178  : i32 {
      %mul3A_257 = arith.constant 4 : i32
      %mul3A_258 = arith.muli %scan3A_256, %mul3A_257 : i32
      %add3A_259 = arith.constant 2 : i32
      %add3A_260 = arith.addi %add3A_259, %mul3A_258 : i32
      %add3A_261 = arith.constant 0 : i32
      %add3A_262 = arith.addi %add3A_260, %add3A_261 : i32
      %dma_wait3A_263 = arith.constant 0 : i32
      %dma_wait3A_264 = arith.constant 0 : i32
      %dma_wait3A_265 = tpu.memref_slice %arg6[%dma_wait3A_263, %dma_wait3A_264] : memref<32x128xi32, #tpu.memory_space<vmem>> -> memref<1x128xi32, #tpu.memory_space<vmem>>
      %dma_wait3A_266 = tpu.memref_squeeze %dma_wait3A_265 : memref<1x128xi32, #tpu.memory_space<vmem>> -> memref<128xi32, #tpu.memory_space<vmem>>
      %dma_wait3A_267 = arith.constant 0 : i32
      %dma_wait3A_268 = arith.constant 0 : i32
      %dma_wait3A_269 = tpu.memref_slice %arg2[%dma_wait3A_267, %dma_wait3A_268] : memref<10000x128xf32, #tpu.memory_space<hbm>> -> memref<10000x128xf32, #tpu.memory_space<hbm>>
      tpu.wait_indirect_dma semaphore(%arg14 : memref<!tpu.dma_semaphore, #tpu.memory_space<semaphore_mem>>) src(%dma_wait3A_269 : memref<10000x128xf32, #tpu.memory_space<hbm>>) dst(%arg7 : memref<128x128xf32, #tpu.memory_space<vmem>>)
      %dma_start3A_270 = arith.constant 17 : i32
      %dma_start3A_271 = arith.constant 0 : i32
      %dma_start3A_272 = tpu.memref_slice %arg6[%dma_start3A_270, %dma_start3A_271] : memref<32x128xi32, #tpu.memory_space<vmem>> -> memref<1x128xi32, #tpu.memory_space<vmem>>
      %dma_start3A_273 = tpu.memref_squeeze %dma_start3A_272 : memref<1x128xi32, #tpu.memory_space<vmem>> -> memref<128xi32, #tpu.memory_space<vmem>>
      %dma_start3A_274 = arith.constant 0 : i32
      %dma_start3A_275 = arith.constant 0 : i32
      %dma_start3A_276 = tpu.memref_slice %arg9[%dma_start3A_274, %dma_start3A_275] : memref<10240x128xf32, #tpu.memory_space<vmem_shared>> -> memref<10240x128xf32, #tpu.memory_space<vmem_shared>>
      tpu.enqueue_indirect_dma source(%arg7 : memref<128x128xf32, #tpu.memory_space<vmem>>) target(%dma_start3A_276 : memref<10240x128xf32, #tpu.memory_space<vmem_shared>>) offsets(%dma_start3A_273 : memref<128xi32, #tpu.memory_space<vmem>>) semaphore(%arg16 : memref<!tpu.dma_semaphore, #tpu.memory_space<semaphore_mem>>) {add = true}
      %dma_wait3A_277 = arith.constant 1 : i32
      %dma_wait3A_278 = arith.constant 0 : i32
      %dma_wait3A_279 = tpu.memref_slice %arg6[%dma_wait3A_277, %dma_wait3A_278] : memref<32x128xi32, #tpu.memory_space<vmem>> -> memref<1x128xi32, #tpu.memory_space<vmem>>
      %dma_wait3A_280 = tpu.memref_squeeze %dma_wait3A_279 : memref<1x128xi32, #tpu.memory_space<vmem>> -> memref<128xi32, #tpu.memory_space<vmem>>
      %dma_wait3A_281 = arith.constant 0 : i32
      %dma_wait3A_282 = arith.constant 0 : i32
      %dma_wait3A_283 = tpu.memref_slice %arg9[%dma_wait3A_281, %dma_wait3A_282] : memref<10240x128xf32, #tpu.memory_space<vmem_shared>> -> memref<10240x128xf32, #tpu.memory_space<vmem_shared>>
      tpu.wait_indirect_dma semaphore(%arg17 : memref<!tpu.dma_semaphore, #tpu.memory_space<semaphore_mem>>) src(%arg8 : memref<128x128xf32, #tpu.memory_space<vmem>>) dst(%dma_wait3A_283 : memref<10240x128xf32, #tpu.memory_space<vmem_shared>>)
      %add3A_284 = arith.constant 2 : i32
      %add3A_285 = arith.addi %add3A_262, %add3A_284 : i32
      %mul3A_286 = arith.constant 80 : i32
      %mul3A_287 = arith.muli %add3A, %mul3A_286 : i32
      %add3A_288 = arith.addi %mul3A_287, %add3A_285 : i32
      %dma_start3A_289 = arith.constant 0 : i32
      %dma_start3A_290 = arith.constant 0 : i32
      %dma_start3A_291 = tpu.memref_slice %arg6[%dma_start3A_289, %dma_start3A_290] : memref<32x128xi32, #tpu.memory_space<vmem>> -> memref<2x128xi32, #tpu.memory_space<vmem>>
      %dma_start3A_292 = arith.constant 0 : i32
      %dma_start3A_293 = arith.constant 0 : i32
      %dma_start3A_294 = tpu.memref_slice %arg3[%add3A_288, %dma_start3A_292, %dma_start3A_293] : memref<2560x2x128xi32, #tpu.memory_space<hbm>> -> memref<1x2x128xi32, #tpu.memory_space<hbm>>
      %dma_start3A_295 = tpu.memref_squeeze %dma_start3A_294 : memref<1x2x128xi32, #tpu.memory_space<hbm>> -> memref<2x128xi32, #tpu.memory_space<hbm>>
      %dma_start3A_296 = arith.constant 0 : i32
      %dma_start3A_297 = arith.constant 0 : i32
      %dma_start3A_298 = tpu.memref_slice %arg6[%dma_start3A_296, %dma_start3A_297] : memref<32x128xi32, #tpu.memory_space<vmem>> -> memref<2x128xi32, #tpu.memory_space<vmem>>
      %dma_start3A_299 = arith.constant 0 : i32
      %dma_start3A_300 = arith.constant 0 : i32
      %dma_start3A_301 = tpu.memref_slice %arg3[%add3A_288, %dma_start3A_299, %dma_start3A_300] : memref<2560x2x128xi32, #tpu.memory_space<hbm>> -> memref<1x2x128xi32, #tpu.memory_space<hbm>>
      %dma_start3A_302 = tpu.memref_squeeze %dma_start3A_301 : memref<1x2x128xi32, #tpu.memory_space<hbm>> -> memref<2x128xi32, #tpu.memory_space<hbm>>
      tpu.enqueue_dma source(%dma_start3A_302 : memref<2x128xi32, #tpu.memory_space<hbm>>) target(%dma_start3A_298 : memref<2x128xi32, #tpu.memory_space<vmem>>) target_semaphore(%arg10 : memref<!tpu.dma_semaphore, #tpu.memory_space<semaphore_mem>>)
      %dma_wait3A_303 = arith.constant 0 : i32
      %dma_wait3A_304 = arith.constant 24 : i32
      %dma_wait3A_305 = arith.constant 0 : i32
      %dma_wait3A_306 = tpu.memref_slice %arg6[%dma_wait3A_304, %dma_wait3A_305] : memref<32x128xi32, #tpu.memory_space<vmem>> -> memref<2x128xi32, #tpu.memory_space<vmem>>
      %dma_wait3A_307 = arith.constant 0 : i32
      %dma_wait3A_308 = arith.constant 0 : i32
      %dma_wait3A_309 = tpu.memref_slice %arg3[%dma_wait3A_303, %dma_wait3A_307, %dma_wait3A_308] : memref<2560x2x128xi32, #tpu.memory_space<hbm>> -> memref<1x2x128xi32, #tpu.memory_space<hbm>>
      %dma_wait3A_310 = tpu.memref_squeeze %dma_wait3A_309 : memref<1x2x128xi32, #tpu.memory_space<hbm>> -> memref<2x128xi32, #tpu.memory_space<hbm>>
      %dma_wait3A_311 = arith.constant 24 : i32
      %dma_wait3A_312 = arith.constant 0 : i32
      %dma_wait3A_313 = tpu.memref_slice %arg6[%dma_wait3A_311, %dma_wait3A_312] : memref<32x128xi32, #tpu.memory_space<vmem>> -> memref<2x128xi32, #tpu.memory_space<vmem>>
      %dma_wait3A_314 = arith.constant 0 : i32
      %dma_wait3A_315 = arith.constant 0 : i32
      %dma_wait3A_316 = tpu.memref_slice %arg3[%dma_wait3A_303, %dma_wait3A_314, %dma_wait3A_315] : memref<2560x2x128xi32, #tpu.memory_space<hbm>> -> memref<1x2x128xi32, #tpu.memory_space<hbm>>
      %dma_wait3A_317 = tpu.memref_squeeze %dma_wait3A_316 : memref<1x2x128xi32, #tpu.memory_space<hbm>> -> memref<2x128xi32, #tpu.memory_space<hbm>>
      tpu.wait_dma2 semaphore(%arg13 : memref<!tpu.dma_semaphore, #tpu.memory_space<semaphore_mem>>) src(%dma_wait3A_317 : memref<2x128xi32, #tpu.memory_space<hbm>>) dst(%dma_wait3A_313 : memref<2x128xi32, #tpu.memory_space<vmem>>)
      %add3A_318 = arith.constant 1 : i32
      %add3A_319 = arith.addi %add3A_262, %add3A_318 : i32
      %dma_start3A_320 = arith.constant 24 : i32
      %dma_start3A_321 = arith.constant 0 : i32
      %dma_start3A_322 = tpu.memref_slice %arg6[%dma_start3A_320, %dma_start3A_321] : memref<32x128xi32, #tpu.memory_space<vmem>> -> memref<1x128xi32, #tpu.memory_space<vmem>>
      %dma_start3A_323 = tpu.memref_squeeze %dma_start3A_322 : memref<1x128xi32, #tpu.memory_space<vmem>> -> memref<128xi32, #tpu.memory_space<vmem>>
      %dma_start3A_324 = arith.constant 0 : i32
      %dma_start3A_325 = arith.constant 0 : i32
      %dma_start3A_326 = tpu.memref_slice %arg2[%dma_start3A_324, %dma_start3A_325] : memref<10000x128xf32, #tpu.memory_space<hbm>> -> memref<10000x128xf32, #tpu.memory_space<hbm>>
      tpu.enqueue_indirect_dma source(%dma_start3A_326 : memref<10000x128xf32, #tpu.memory_space<hbm>>) target(%arg8 : memref<128x128xf32, #tpu.memory_space<vmem>>) offsets(%dma_start3A_323 : memref<128xi32, #tpu.memory_space<vmem>>) semaphore(%arg15 : memref<!tpu.dma_semaphore, #tpu.memory_space<semaphore_mem>>)
      %add3A_327 = arith.constant 1 : i32
      %add3A_328 = arith.addi %add3A_260, %add3A_327 : i32
      %dma_wait3A_329 = arith.constant 0 : i32
      %dma_wait3A_330 = arith.constant 0 : i32
      %dma_wait3A_331 = tpu.memref_slice %arg6[%dma_wait3A_329, %dma_wait3A_330] : memref<32x128xi32, #tpu.memory_space<vmem>> -> memref<1x128xi32, #tpu.memory_space<vmem>>
      %dma_wait3A_332 = tpu.memref_squeeze %dma_wait3A_331 : memref<1x128xi32, #tpu.memory_space<vmem>> -> memref<128xi32, #tpu.memory_space<vmem>>
      %dma_wait3A_333 = arith.constant 0 : i32
      %dma_wait3A_334 = arith.constant 0 : i32
      %dma_wait3A_335 = tpu.memref_slice %arg2[%dma_wait3A_333, %dma_wait3A_334] : memref<10000x128xf32, #tpu.memory_space<hbm>> -> memref<10000x128xf32, #tpu.memory_space<hbm>>
      tpu.wait_indirect_dma semaphore(%arg15 : memref<!tpu.dma_semaphore, #tpu.memory_space<semaphore_mem>>) src(%dma_wait3A_335 : memref<10000x128xf32, #tpu.memory_space<hbm>>) dst(%arg8 : memref<128x128xf32, #tpu.memory_space<vmem>>)
      %dma_start3A_336 = arith.constant 25 : i32
      %dma_start3A_337 = arith.constant 0 : i32
      %dma_start3A_338 = tpu.memref_slice %arg6[%dma_start3A_336, %dma_start3A_337] : memref<32x128xi32, #tpu.memory_space<vmem>> -> memref<1x128xi32, #tpu.memory_space<vmem>>
      %dma_start3A_339 = tpu.memref_squeeze %dma_start3A_338 : memref<1x128xi32, #tpu.memory_space<vmem>> -> memref<128xi32, #tpu.memory_space<vmem>>
      %dma_start3A_340 = arith.constant 0 : i32
      %dma_start3A_341 = arith.constant 0 : i32
      %dma_start3A_342 = tpu.memref_slice %arg9[%dma_start3A_340, %dma_start3A_341] : memref<10240x128xf32, #tpu.memory_space<vmem_shared>> -> memref<10240x128xf32, #tpu.memory_space<vmem_shared>>
      tpu.enqueue_indirect_dma source(%arg8 : memref<128x128xf32, #tpu.memory_space<vmem>>) target(%dma_start3A_342 : memref<10240x128xf32, #tpu.memory_space<vmem_shared>>) offsets(%dma_start3A_339 : memref<128xi32, #tpu.memory_space<vmem>>) semaphore(%arg17 : memref<!tpu.dma_semaphore, #tpu.memory_space<semaphore_mem>>) {add = true}
      %dma_wait3A_343 = arith.constant 1 : i32
      %dma_wait3A_344 = arith.constant 0 : i32
      %dma_wait3A_345 = tpu.memref_slice %arg6[%dma_wait3A_343, %dma_wait3A_344] : memref<32x128xi32, #tpu.memory_space<vmem>> -> memref<1x128xi32, #tpu.memory_space<vmem>>
      %dma_wait3A_346 = tpu.memref_squeeze %dma_wait3A_345 : memref<1x128xi32, #tpu.memory_space<vmem>> -> memref<128xi32, #tpu.memory_space<vmem>>
      %dma_wait3A_347 = arith.constant 0 : i32
      %dma_wait3A_348 = arith.constant 0 : i32
      %dma_wait3A_349 = tpu.memref_slice %arg9[%dma_wait3A_347, %dma_wait3A_348] : memref<10240x128xf32, #tpu.memory_space<vmem_shared>> -> memref<10240x128xf32, #tpu.memory_space<vmem_shared>>
      tpu.wait_indirect_dma semaphore(%arg16 : memref<!tpu.dma_semaphore, #tpu.memory_space<semaphore_mem>>) src(%arg7 : memref<128x128xf32, #tpu.memory_space<vmem>>) dst(%dma_wait3A_349 : memref<10240x128xf32, #tpu.memory_space<vmem_shared>>)
      %add3A_350 = arith.constant 2 : i32
      %add3A_351 = arith.addi %add3A_328, %add3A_350 : i32
      %mul3A_352 = arith.constant 80 : i32
      %mul3A_353 = arith.muli %add3A, %mul3A_352 : i32
      %add3A_354 = arith.addi %mul3A_353, %add3A_351 : i32
      %dma_start3A_355 = arith.constant 8 : i32
      %dma_start3A_356 = arith.constant 0 : i32
      %dma_start3A_357 = tpu.memref_slice %arg6[%dma_start3A_355, %dma_start3A_356] : memref<32x128xi32, #tpu.memory_space<vmem>> -> memref<2x128xi32, #tpu.memory_space<vmem>>
      %dma_start3A_358 = arith.constant 0 : i32
      %dma_start3A_359 = arith.constant 0 : i32
      %dma_start3A_360 = tpu.memref_slice %arg3[%add3A_354, %dma_start3A_358, %dma_start3A_359] : memref<2560x2x128xi32, #tpu.memory_space<hbm>> -> memref<1x2x128xi32, #tpu.memory_space<hbm>>
      %dma_start3A_361 = tpu.memref_squeeze %dma_start3A_360 : memref<1x2x128xi32, #tpu.memory_space<hbm>> -> memref<2x128xi32, #tpu.memory_space<hbm>>
      %dma_start3A_362 = arith.constant 8 : i32
      %dma_start3A_363 = arith.constant 0 : i32
      %dma_start3A_364 = tpu.memref_slice %arg6[%dma_start3A_362, %dma_start3A_363] : memref<32x128xi32, #tpu.memory_space<vmem>> -> memref<2x128xi32, #tpu.memory_space<vmem>>
      %dma_start3A_365 = arith.constant 0 : i32
      %dma_start3A_366 = arith.constant 0 : i32
      %dma_start3A_367 = tpu.memref_slice %arg3[%add3A_354, %dma_start3A_365, %dma_start3A_366] : memref<2560x2x128xi32, #tpu.memory_space<hbm>> -> memref<1x2x128xi32, #tpu.memory_space<hbm>>
      %dma_start3A_368 = tpu.memref_squeeze %dma_start3A_367 : memref<1x2x128xi32, #tpu.memory_space<hbm>> -> memref<2x128xi32, #tpu.memory_space<hbm>>
      tpu.enqueue_dma source(%dma_start3A_368 : memref<2x128xi32, #tpu.memory_space<hbm>>) target(%dma_start3A_364 : memref<2x128xi32, #tpu.memory_space<vmem>>) target_semaphore(%arg11 : memref<!tpu.dma_semaphore, #tpu.memory_space<semaphore_mem>>)
      %dma_wait3A_369 = arith.constant 0 : i32
      %dma_wait3A_370 = arith.constant 0 : i32
      %dma_wait3A_371 = arith.constant 0 : i32
      %dma_wait3A_372 = tpu.memref_slice %arg6[%dma_wait3A_370, %dma_wait3A_371] : memref<32x128xi32, #tpu.memory_space<vmem>> -> memref<2x128xi32, #tpu.memory_space<vmem>>
      %dma_wait3A_373 = arith.constant 0 : i32
      %dma_wait3A_374 = arith.constant 0 : i32
      %dma_wait3A_375 = tpu.memref_slice %arg3[%dma_wait3A_369, %dma_wait3A_373, %dma_wait3A_374] : memref<2560x2x128xi32, #tpu.memory_space<hbm>> -> memref<1x2x128xi32, #tpu.memory_space<hbm>>
      %dma_wait3A_376 = tpu.memref_squeeze %dma_wait3A_375 : memref<1x2x128xi32, #tpu.memory_space<hbm>> -> memref<2x128xi32, #tpu.memory_space<hbm>>
      %dma_wait3A_377 = arith.constant 0 : i32
      %dma_wait3A_378 = arith.constant 0 : i32
      %dma_wait3A_379 = tpu.memref_slice %arg6[%dma_wait3A_377, %dma_wait3A_378] : memref<32x128xi32, #tpu.memory_space<vmem>> -> memref<2x128xi32, #tpu.memory_space<vmem>>
      %dma_wait3A_380 = arith.constant 0 : i32
      %dma_wait3A_381 = arith.constant 0 : i32
      %dma_wait3A_382 = tpu.memref_slice %arg3[%dma_wait3A_369, %dma_wait3A_380, %dma_wait3A_381] : memref<2560x2x128xi32, #tpu.memory_space<hbm>> -> memref<1x2x128xi32, #tpu.memory_space<hbm>>
      %dma_wait3A_383 = tpu.memref_squeeze %dma_wait3A_382 : memref<1x2x128xi32, #tpu.memory_space<hbm>> -> memref<2x128xi32, #tpu.memory_space<hbm>>
      tpu.wait_dma2 semaphore(%arg10 : memref<!tpu.dma_semaphore, #tpu.memory_space<semaphore_mem>>) src(%dma_wait3A_383 : memref<2x128xi32, #tpu.memory_space<hbm>>) dst(%dma_wait3A_379 : memref<2x128xi32, #tpu.memory_space<vmem>>)
      %add3A_384 = arith.constant 1 : i32
      %add3A_385 = arith.addi %add3A_328, %add3A_384 : i32
      %dma_start3A_386 = arith.constant 0 : i32
      %dma_start3A_387 = arith.constant 0 : i32
      %dma_start3A_388 = tpu.memref_slice %arg6[%dma_start3A_386, %dma_start3A_387] : memref<32x128xi32, #tpu.memory_space<vmem>> -> memref<1x128xi32, #tpu.memory_space<vmem>>
      %dma_start3A_389 = tpu.memref_squeeze %dma_start3A_388 : memref<1x128xi32, #tpu.memory_space<vmem>> -> memref<128xi32, #tpu.memory_space<vmem>>
      %dma_start3A_390 = arith.constant 0 : i32
      %dma_start3A_391 = arith.constant 0 : i32
      %dma_start3A_392 = tpu.memref_slice %arg2[%dma_start3A_390, %dma_start3A_391] : memref<10000x128xf32, #tpu.memory_space<hbm>> -> memref<10000x128xf32, #tpu.memory_space<hbm>>
      tpu.enqueue_indirect_dma source(%dma_start3A_392 : memref<10000x128xf32, #tpu.memory_space<hbm>>) target(%arg7 : memref<128x128xf32, #tpu.memory_space<vmem>>) offsets(%dma_start3A_389 : memref<128xi32, #tpu.memory_space<vmem>>) semaphore(%arg14 : memref<!tpu.dma_semaphore, #tpu.memory_space<semaphore_mem>>)
      %add3A_393 = arith.constant 2 : i32
      %add3A_394 = arith.addi %add3A_260, %add3A_393 : i32
      %dma_wait3A_395 = arith.constant 0 : i32
      %dma_wait3A_396 = arith.constant 0 : i32
      %dma_wait3A_397 = tpu.memref_slice %arg6[%dma_wait3A_395, %dma_wait3A_396] : memref<32x128xi32, #tpu.memory_space<vmem>> -> memref<1x128xi32, #tpu.memory_space<vmem>>
      %dma_wait3A_398 = tpu.memref_squeeze %dma_wait3A_397 : memref<1x128xi32, #tpu.memory_space<vmem>> -> memref<128xi32, #tpu.memory_space<vmem>>
      %dma_wait3A_399 = arith.constant 0 : i32
      %dma_wait3A_400 = arith.constant 0 : i32
      %dma_wait3A_401 = tpu.memref_slice %arg2[%dma_wait3A_399, %dma_wait3A_400] : memref<10000x128xf32, #tpu.memory_space<hbm>> -> memref<10000x128xf32, #tpu.memory_space<hbm>>
      tpu.wait_indirect_dma semaphore(%arg14 : memref<!tpu.dma_semaphore, #tpu.memory_space<semaphore_mem>>) src(%dma_wait3A_401 : memref<10000x128xf32, #tpu.memory_space<hbm>>) dst(%arg7 : memref<128x128xf32, #tpu.memory_space<vmem>>)
      %dma_start3A_402 = arith.constant 1 : i32
      %dma_start3A_403 = arith.constant 0 : i32
      %dma_start3A_404 = tpu.memref_slice %arg6[%dma_start3A_402, %dma_start3A_403] : memref<32x128xi32, #tpu.memory_space<vmem>> -> memref<1x128xi32, #tpu.memory_space<vmem>>
      %dma_start3A_405 = tpu.memref_squeeze %dma_start3A_404 : memref<1x128xi32, #tpu.memory_space<vmem>> -> memref<128xi32, #tpu.memory_space<vmem>>
      %dma_start3A_406 = arith.constant 0 : i32
      %dma_start3A_407 = arith.constant 0 : i32
      %dma_start3A_408 = tpu.memref_slice %arg9[%dma_start3A_406, %dma_start3A_407] : memref<10240x128xf32, #tpu.memory_space<vmem_shared>> -> memref<10240x128xf32, #tpu.memory_space<vmem_shared>>
      tpu.enqueue_indirect_dma source(%arg7 : memref<128x128xf32, #tpu.memory_space<vmem>>) target(%dma_start3A_408 : memref<10240x128xf32, #tpu.memory_space<vmem_shared>>) offsets(%dma_start3A_405 : memref<128xi32, #tpu.memory_space<vmem>>) semaphore(%arg16 : memref<!tpu.dma_semaphore, #tpu.memory_space<semaphore_mem>>) {add = true}
      %dma_wait3A_409 = arith.constant 1 : i32
      %dma_wait3A_410 = arith.constant 0 : i32
      %dma_wait3A_411 = tpu.memref_slice %arg6[%dma_wait3A_409, %dma_wait3A_410] : memref<32x128xi32, #tpu.memory_space<vmem>> -> memref<1x128xi32, #tpu.memory_space<vmem>>
      %dma_wait3A_412 = tpu.memref_squeeze %dma_wait3A_411 : memref<1x128xi32, #tpu.memory_space<vmem>> -> memref<128xi32, #tpu.memory_space<vmem>>
      %dma_wait3A_413 = arith.constant 0 : i32
      %dma_wait3A_414 = arith.constant 0 : i32
      %dma_wait3A_415 = tpu.memref_slice %arg9[%dma_wait3A_413, %dma_wait3A_414] : memref<10240x128xf32, #tpu.memory_space<vmem_shared>> -> memref<10240x128xf32, #tpu.memory_space<vmem_shared>>
      tpu.wait_indirect_dma semaphore(%arg17 : memref<!tpu.dma_semaphore, #tpu.memory_space<semaphore_mem>>) src(%arg8 : memref<128x128xf32, #tpu.memory_space<vmem>>) dst(%dma_wait3A_415 : memref<10240x128xf32, #tpu.memory_space<vmem_shared>>)
      %add3A_416 = arith.constant 2 : i32
      %add3A_417 = arith.addi %add3A_394, %add3A_416 : i32
      %mul3A_418 = arith.constant 80 : i32
      %mul3A_419 = arith.muli %add3A, %mul3A_418 : i32
      %add3A_420 = arith.addi %mul3A_419, %add3A_417 : i32
      %dma_start3A_421 = arith.constant 16 : i32
      %dma_start3A_422 = arith.constant 0 : i32
      %dma_start3A_423 = tpu.memref_slice %arg6[%dma_start3A_421, %dma_start3A_422] : memref<32x128xi32, #tpu.memory_space<vmem>> -> memref<2x128xi32, #tpu.memory_space<vmem>>
      %dma_start3A_424 = arith.constant 0 : i32
      %dma_start3A_425 = arith.constant 0 : i32
      %dma_start3A_426 = tpu.memref_slice %arg3[%add3A_420, %dma_start3A_424, %dma_start3A_425] : memref<2560x2x128xi32, #tpu.memory_space<hbm>> -> memref<1x2x128xi32, #tpu.memory_space<hbm>>
      %dma_start3A_427 = tpu.memref_squeeze %dma_start3A_426 : memref<1x2x128xi32, #tpu.memory_space<hbm>> -> memref<2x128xi32, #tpu.memory_space<hbm>>
      %dma_start3A_428 = arith.constant 16 : i32
      %dma_start3A_429 = arith.constant 0 : i32
      %dma_start3A_430 = tpu.memref_slice %arg6[%dma_start3A_428, %dma_start3A_429] : memref<32x128xi32, #tpu.memory_space<vmem>> -> memref<2x128xi32, #tpu.memory_space<vmem>>
      %dma_start3A_431 = arith.constant 0 : i32
      %dma_start3A_432 = arith.constant 0 : i32
      %dma_start3A_433 = tpu.memref_slice %arg3[%add3A_420, %dma_start3A_431, %dma_start3A_432] : memref<2560x2x128xi32, #tpu.memory_space<hbm>> -> memref<1x2x128xi32, #tpu.memory_space<hbm>>
      %dma_start3A_434 = tpu.memref_squeeze %dma_start3A_433 : memref<1x2x128xi32, #tpu.memory_space<hbm>> -> memref<2x128xi32, #tpu.memory_space<hbm>>
      tpu.enqueue_dma source(%dma_start3A_434 : memref<2x128xi32, #tpu.memory_space<hbm>>) target(%dma_start3A_430 : memref<2x128xi32, #tpu.memory_space<vmem>>) target_semaphore(%arg12 : memref<!tpu.dma_semaphore, #tpu.memory_space<semaphore_mem>>)
      %dma_wait3A_435 = arith.constant 0 : i32
      %dma_wait3A_436 = arith.constant 8 : i32
      %dma_wait3A_437 = arith.constant 0 : i32
      %dma_wait3A_438 = tpu.memref_slice %arg6[%dma_wait3A_436, %dma_wait3A_437] : memref<32x128xi32, #tpu.memory_space<vmem>> -> memref<2x128xi32, #tpu.memory_space<vmem>>
      %dma_wait3A_439 = arith.constant 0 : i32
      %dma_wait3A_440 = arith.constant 0 : i32
      %dma_wait3A_441 = tpu.memref_slice %arg3[%dma_wait3A_435, %dma_wait3A_439, %dma_wait3A_440] : memref<2560x2x128xi32, #tpu.memory_space<hbm>> -> memref<1x2x128xi32, #tpu.memory_space<hbm>>
      %dma_wait3A_442 = tpu.memref_squeeze %dma_wait3A_441 : memref<1x2x128xi32, #tpu.memory_space<hbm>> -> memref<2x128xi32, #tpu.memory_space<hbm>>
      %dma_wait3A_443 = arith.constant 8 : i32
      %dma_wait3A_444 = arith.constant 0 : i32
      %dma_wait3A_445 = tpu.memref_slice %arg6[%dma_wait3A_443, %dma_wait3A_444] : memref<32x128xi32, #tpu.memory_space<vmem>> -> memref<2x128xi32, #tpu.memory_space<vmem>>
      %dma_wait3A_446 = arith.constant 0 : i32
      %dma_wait3A_447 = arith.constant 0 : i32
      %dma_wait3A_448 = tpu.memref_slice %arg3[%dma_wait3A_435, %dma_wait3A_446, %dma_wait3A_447] : memref<2560x2x128xi32, #tpu.memory_space<hbm>> -> memref<1x2x128xi32, #tpu.memory_space<hbm>>
      %dma_wait3A_449 = tpu.memref_squeeze %dma_wait3A_448 : memref<1x2x128xi32, #tpu.memory_space<hbm>> -> memref<2x128xi32, #tpu.memory_space<hbm>>
      tpu.wait_dma2 semaphore(%arg11 : memref<!tpu.dma_semaphore, #tpu.memory_space<semaphore_mem>>) src(%dma_wait3A_449 : memref<2x128xi32, #tpu.memory_space<hbm>>) dst(%dma_wait3A_445 : memref<2x128xi32, #tpu.memory_space<vmem>>)
      %add3A_450 = arith.constant 1 : i32
      %add3A_451 = arith.addi %add3A_394, %add3A_450 : i32
      %dma_start3A_452 = arith.constant 8 : i32
      %dma_start3A_453 = arith.constant 0 : i32
      %dma_start3A_454 = tpu.memref_slice %arg6[%dma_start3A_452, %dma_start3A_453] : memref<32x128xi32, #tpu.memory_space<vmem>> -> memref<1x128xi32, #tpu.memory_space<vmem>>
      %dma_start3A_455 = tpu.memref_squeeze %dma_start3A_454 : memref<1x128xi32, #tpu.memory_space<vmem>> -> memref<128xi32, #tpu.memory_space<vmem>>
      %dma_start3A_456 = arith.constant 0 : i32
      %dma_start3A_457 = arith.constant 0 : i32
      %dma_start3A_458 = tpu.memref_slice %arg2[%dma_start3A_456, %dma_start3A_457] : memref<10000x128xf32, #tpu.memory_space<hbm>> -> memref<10000x128xf32, #tpu.memory_space<hbm>>
      tpu.enqueue_indirect_dma source(%dma_start3A_458 : memref<10000x128xf32, #tpu.memory_space<hbm>>) target(%arg8 : memref<128x128xf32, #tpu.memory_space<vmem>>) offsets(%dma_start3A_455 : memref<128xi32, #tpu.memory_space<vmem>>) semaphore(%arg15 : memref<!tpu.dma_semaphore, #tpu.memory_space<semaphore_mem>>)
      %add3A_459 = arith.constant 3 : i32
      %add3A_460 = arith.addi %add3A_260, %add3A_459 : i32
      %dma_wait3A_461 = arith.constant 0 : i32
      %dma_wait3A_462 = arith.constant 0 : i32
      %dma_wait3A_463 = tpu.memref_slice %arg6[%dma_wait3A_461, %dma_wait3A_462] : memref<32x128xi32, #tpu.memory_space<vmem>> -> memref<1x128xi32, #tpu.memory_space<vmem>>
      %dma_wait3A_464 = tpu.memref_squeeze %dma_wait3A_463 : memref<1x128xi32, #tpu.memory_space<vmem>> -> memref<128xi32, #tpu.memory_space<vmem>>
      %dma_wait3A_465 = arith.constant 0 : i32
      %dma_wait3A_466 = arith.constant 0 : i32
      %dma_wait3A_467 = tpu.memref_slice %arg2[%dma_wait3A_465, %dma_wait3A_466] : memref<10000x128xf32, #tpu.memory_space<hbm>> -> memref<10000x128xf32, #tpu.memory_space<hbm>>
      tpu.wait_indirect_dma semaphore(%arg15 : memref<!tpu.dma_semaphore, #tpu.memory_space<semaphore_mem>>) src(%dma_wait3A_467 : memref<10000x128xf32, #tpu.memory_space<hbm>>) dst(%arg8 : memref<128x128xf32, #tpu.memory_space<vmem>>)
      %dma_start3A_468 = arith.constant 9 : i32
      %dma_start3A_469 = arith.constant 0 : i32
      %dma_start3A_470 = tpu.memref_slice %arg6[%dma_start3A_468, %dma_start3A_469] : memref<32x128xi32, #tpu.memory_space<vmem>> -> memref<1x128xi32, #tpu.memory_space<vmem>>
      %dma_start3A_471 = tpu.memref_squeeze %dma_start3A_470 : memref<1x128xi32, #tpu.memory_space<vmem>> -> memref<128xi32, #tpu.memory_space<vmem>>
      %dma_start3A_472 = arith.constant 0 : i32
      %dma_start3A_473 = arith.constant 0 : i32
      %dma_start3A_474 = tpu.memref_slice %arg9[%dma_start3A_472, %dma_start3A_473] : memref<10240x128xf32, #tpu.memory_space<vmem_shared>> -> memref<10240x128xf32, #tpu.memory_space<vmem_shared>>
      tpu.enqueue_indirect_dma source(%arg8 : memref<128x128xf32, #tpu.memory_space<vmem>>) target(%dma_start3A_474 : memref<10240x128xf32, #tpu.memory_space<vmem_shared>>) offsets(%dma_start3A_471 : memref<128xi32, #tpu.memory_space<vmem>>) semaphore(%arg17 : memref<!tpu.dma_semaphore, #tpu.memory_space<semaphore_mem>>) {add = true}
      %dma_wait3A_475 = arith.constant 1 : i32
      %dma_wait3A_476 = arith.constant 0 : i32
      %dma_wait3A_477 = tpu.memref_slice %arg6[%dma_wait3A_475, %dma_wait3A_476] : memref<32x128xi32, #tpu.memory_space<vmem>> -> memref<1x128xi32, #tpu.memory_space<vmem>>
      %dma_wait3A_478 = tpu.memref_squeeze %dma_wait3A_477 : memref<1x128xi32, #tpu.memory_space<vmem>> -> memref<128xi32, #tpu.memory_space<vmem>>
      %dma_wait3A_479 = arith.constant 0 : i32
      %dma_wait3A_480 = arith.constant 0 : i32
      %dma_wait3A_481 = tpu.memref_slice %arg9[%dma_wait3A_479, %dma_wait3A_480] : memref<10240x128xf32, #tpu.memory_space<vmem_shared>> -> memref<10240x128xf32, #tpu.memory_space<vmem_shared>>
      tpu.wait_indirect_dma semaphore(%arg16 : memref<!tpu.dma_semaphore, #tpu.memory_space<semaphore_mem>>) src(%arg7 : memref<128x128xf32, #tpu.memory_space<vmem>>) dst(%dma_wait3A_481 : memref<10240x128xf32, #tpu.memory_space<vmem_shared>>)
      %add3A_482 = arith.constant 2 : i32
      %add3A_483 = arith.addi %add3A_460, %add3A_482 : i32
      %mul3A_484 = arith.constant 80 : i32
      %mul3A_485 = arith.muli %add3A, %mul3A_484 : i32
      %add3A_486 = arith.addi %mul3A_485, %add3A_483 : i32
      %dma_start3A_487 = arith.constant 24 : i32
      %dma_start3A_488 = arith.constant 0 : i32
      %dma_start3A_489 = tpu.memref_slice %arg6[%dma_start3A_487, %dma_start3A_488] : memref<32x128xi32, #tpu.memory_space<vmem>> -> memref<2x128xi32, #tpu.memory_space<vmem>>
      %dma_start3A_490 = arith.constant 0 : i32
      %dma_start3A_491 = arith.constant 0 : i32
      %dma_start3A_492 = tpu.memref_slice %arg3[%add3A_486, %dma_start3A_490, %dma_start3A_491] : memref<2560x2x128xi32, #tpu.memory_space<hbm>> -> memref<1x2x128xi32, #tpu.memory_space<hbm>>
      %dma_start3A_493 = tpu.memref_squeeze %dma_start3A_492 : memref<1x2x128xi32, #tpu.memory_space<hbm>> -> memref<2x128xi32, #tpu.memory_space<hbm>>
      %dma_start3A_494 = arith.constant 24 : i32
      %dma_start3A_495 = arith.constant 0 : i32
      %dma_start3A_496 = tpu.memref_slice %arg6[%dma_start3A_494, %dma_start3A_495] : memref<32x128xi32, #tpu.memory_space<vmem>> -> memref<2x128xi32, #tpu.memory_space<vmem>>
      %dma_start3A_497 = arith.constant 0 : i32
      %dma_start3A_498 = arith.constant 0 : i32
      %dma_start3A_499 = tpu.memref_slice %arg3[%add3A_486, %dma_start3A_497, %dma_start3A_498] : memref<2560x2x128xi32, #tpu.memory_space<hbm>> -> memref<1x2x128xi32, #tpu.memory_space<hbm>>
      %dma_start3A_500 = tpu.memref_squeeze %dma_start3A_499 : memref<1x2x128xi32, #tpu.memory_space<hbm>> -> memref<2x128xi32, #tpu.memory_space<hbm>>
      tpu.enqueue_dma source(%dma_start3A_500 : memref<2x128xi32, #tpu.memory_space<hbm>>) target(%dma_start3A_496 : memref<2x128xi32, #tpu.memory_space<vmem>>) target_semaphore(%arg13 : memref<!tpu.dma_semaphore, #tpu.memory_space<semaphore_mem>>)
      %dma_wait3A_501 = arith.constant 0 : i32
      %dma_wait3A_502 = arith.constant 16 : i32
      %dma_wait3A_503 = arith.constant 0 : i32
      %dma_wait3A_504 = tpu.memref_slice %arg6[%dma_wait3A_502, %dma_wait3A_503] : memref<32x128xi32, #tpu.memory_space<vmem>> -> memref<2x128xi32, #tpu.memory_space<vmem>>
      %dma_wait3A_505 = arith.constant 0 : i32
      %dma_wait3A_506 = arith.constant 0 : i32
      %dma_wait3A_507 = tpu.memref_slice %arg3[%dma_wait3A_501, %dma_wait3A_505, %dma_wait3A_506] : memref<2560x2x128xi32, #tpu.memory_space<hbm>> -> memref<1x2x128xi32, #tpu.memory_space<hbm>>
      %dma_wait3A_508 = tpu.memref_squeeze %dma_wait3A_507 : memref<1x2x128xi32, #tpu.memory_space<hbm>> -> memref<2x128xi32, #tpu.memory_space<hbm>>
      %dma_wait3A_509 = arith.constant 16 : i32
      %dma_wait3A_510 = arith.constant 0 : i32
      %dma_wait3A_511 = tpu.memref_slice %arg6[%dma_wait3A_509, %dma_wait3A_510] : memref<32x128xi32, #tpu.memory_space<vmem>> -> memref<2x128xi32, #tpu.memory_space<vmem>>
      %dma_wait3A_512 = arith.constant 0 : i32
      %dma_wait3A_513 = arith.constant 0 : i32
      %dma_wait3A_514 = tpu.memref_slice %arg3[%dma_wait3A_501, %dma_wait3A_512, %dma_wait3A_513] : memref<2560x2x128xi32, #tpu.memory_space<hbm>> -> memref<1x2x128xi32, #tpu.memory_space<hbm>>
      %dma_wait3A_515 = tpu.memref_squeeze %dma_wait3A_514 : memref<1x2x128xi32, #tpu.memory_space<hbm>> -> memref<2x128xi32, #tpu.memory_space<hbm>>
      tpu.wait_dma2 semaphore(%arg12 : memref<!tpu.dma_semaphore, #tpu.memory_space<semaphore_mem>>) src(%dma_wait3A_515 : memref<2x128xi32, #tpu.memory_space<hbm>>) dst(%dma_wait3A_511 : memref<2x128xi32, #tpu.memory_space<vmem>>)
      %add3A_516 = arith.constant 1 : i32
      %add3A_517 = arith.addi %add3A_460, %add3A_516 : i32
      %dma_start3A_518 = arith.constant 16 : i32
      %dma_start3A_519 = arith.constant 0 : i32
      %dma_start3A_520 = tpu.memref_slice %arg6[%dma_start3A_518, %dma_start3A_519] : memref<32x128xi32, #tpu.memory_space<vmem>> -> memref<1x128xi32, #tpu.memory_space<vmem>>
      %dma_start3A_521 = tpu.memref_squeeze %dma_start3A_520 : memref<1x128xi32, #tpu.memory_space<vmem>> -> memref<128xi32, #tpu.memory_space<vmem>>
      %dma_start3A_522 = arith.constant 0 : i32
      %dma_start3A_523 = arith.constant 0 : i32
      %dma_start3A_524 = tpu.memref_slice %arg2[%dma_start3A_522, %dma_start3A_523] : memref<10000x128xf32, #tpu.memory_space<hbm>> -> memref<10000x128xf32, #tpu.memory_space<hbm>>
      tpu.enqueue_indirect_dma source(%dma_start3A_524 : memref<10000x128xf32, #tpu.memory_space<hbm>>) target(%arg7 : memref<128x128xf32, #tpu.memory_space<vmem>>) offsets(%dma_start3A_521 : memref<128xi32, #tpu.memory_space<vmem>>) semaphore(%arg14 : memref<!tpu.dma_semaphore, #tpu.memory_space<semaphore_mem>>)
    }
    %scan3A_179 = arith.constant 19 : i32
    %dma_wait3A_180 = arith.constant 0 : i32
    %dma_wait3A_181 = arith.constant 0 : i32
    %dma_wait3A_182 = tpu.memref_slice %arg6[%dma_wait3A_180, %dma_wait3A_181] : memref<32x128xi32, #tpu.memory_space<vmem>> -> memref<1x128xi32, #tpu.memory_space<vmem>>
    %dma_wait3A_183 = tpu.memref_squeeze %dma_wait3A_182 : memref<1x128xi32, #tpu.memory_space<vmem>> -> memref<128xi32, #tpu.memory_space<vmem>>
    %dma_wait3A_184 = arith.constant 0 : i32
    %dma_wait3A_185 = arith.constant 0 : i32
    %dma_wait3A_186 = tpu.memref_slice %arg2[%dma_wait3A_184, %dma_wait3A_185] : memref<10000x128xf32, #tpu.memory_space<hbm>> -> memref<10000x128xf32, #tpu.memory_space<hbm>>
    tpu.wait_indirect_dma semaphore(%arg14 : memref<!tpu.dma_semaphore, #tpu.memory_space<semaphore_mem>>) src(%dma_wait3A_186 : memref<10000x128xf32, #tpu.memory_space<hbm>>) dst(%arg7 : memref<128x128xf32, #tpu.memory_space<vmem>>)
    %dma_start3A_187 = arith.constant 17 : i32
    %dma_start3A_188 = arith.constant 0 : i32
    %dma_start3A_189 = tpu.memref_slice %arg6[%dma_start3A_187, %dma_start3A_188] : memref<32x128xi32, #tpu.memory_space<vmem>> -> memref<1x128xi32, #tpu.memory_space<vmem>>
    %dma_start3A_190 = tpu.memref_squeeze %dma_start3A_189 : memref<1x128xi32, #tpu.memory_space<vmem>> -> memref<128xi32, #tpu.memory_space<vmem>>
    %dma_start3A_191 = arith.constant 0 : i32
    %dma_start3A_192 = arith.constant 0 : i32
    %dma_start3A_193 = tpu.memref_slice %arg9[%dma_start3A_191, %dma_start3A_192] : memref<10240x128xf32, #tpu.memory_space<vmem_shared>> -> memref<10240x128xf32, #tpu.memory_space<vmem_shared>>
    tpu.enqueue_indirect_dma source(%arg7 : memref<128x128xf32, #tpu.memory_space<vmem>>) target(%dma_start3A_193 : memref<10240x128xf32, #tpu.memory_space<vmem_shared>>) offsets(%dma_start3A_190 : memref<128xi32, #tpu.memory_space<vmem>>) semaphore(%arg16 : memref<!tpu.dma_semaphore, #tpu.memory_space<semaphore_mem>>) {add = true}
    %dma_wait3A_194 = arith.constant 1 : i32
    %dma_wait3A_195 = arith.constant 0 : i32
    %dma_wait3A_196 = tpu.memref_slice %arg6[%dma_wait3A_194, %dma_wait3A_195] : memref<32x128xi32, #tpu.memory_space<vmem>> -> memref<1x128xi32, #tpu.memory_space<vmem>>
    %dma_wait3A_197 = tpu.memref_squeeze %dma_wait3A_196 : memref<1x128xi32, #tpu.memory_space<vmem>> -> memref<128xi32, #tpu.memory_space<vmem>>
    %dma_wait3A_198 = arith.constant 0 : i32
    %dma_wait3A_199 = arith.constant 0 : i32
    %dma_wait3A_200 = tpu.memref_slice %arg9[%dma_wait3A_198, %dma_wait3A_199] : memref<10240x128xf32, #tpu.memory_space<vmem_shared>> -> memref<10240x128xf32, #tpu.memory_space<vmem_shared>>
    tpu.wait_indirect_dma semaphore(%arg17 : memref<!tpu.dma_semaphore, #tpu.memory_space<semaphore_mem>>) src(%arg8 : memref<128x128xf32, #tpu.memory_space<vmem>>) dst(%dma_wait3A_200 : memref<10240x128xf32, #tpu.memory_space<vmem_shared>>)
    %dma_wait3A_201 = arith.constant 0 : i32
    %dma_wait3A_202 = arith.constant 24 : i32
    %dma_wait3A_203 = arith.constant 0 : i32
    %dma_wait3A_204 = tpu.memref_slice %arg6[%dma_wait3A_202, %dma_wait3A_203] : memref<32x128xi32, #tpu.memory_space<vmem>> -> memref<2x128xi32, #tpu.memory_space<vmem>>
    %dma_wait3A_205 = arith.constant 0 : i32
    %dma_wait3A_206 = arith.constant 0 : i32
    %dma_wait3A_207 = tpu.memref_slice %arg3[%dma_wait3A_201, %dma_wait3A_205, %dma_wait3A_206] : memref<2560x2x128xi32, #tpu.memory_space<hbm>> -> memref<1x2x128xi32, #tpu.memory_space<hbm>>
    %dma_wait3A_208 = tpu.memref_squeeze %dma_wait3A_207 : memref<1x2x128xi32, #tpu.memory_space<hbm>> -> memref<2x128xi32, #tpu.memory_space<hbm>>
    %dma_wait3A_209 = arith.constant 24 : i32
    %dma_wait3A_210 = arith.constant 0 : i32
    %dma_wait3A_211 = tpu.memref_slice %arg6[%dma_wait3A_209, %dma_wait3A_210] : memref<32x128xi32, #tpu.memory_space<vmem>> -> memref<2x128xi32, #tpu.memory_space<vmem>>
    %dma_wait3A_212 = arith.constant 0 : i32
    %dma_wait3A_213 = arith.constant 0 : i32
    %dma_wait3A_214 = tpu.memref_slice %arg3[%dma_wait3A_201, %dma_wait3A_212, %dma_wait3A_213] : memref<2560x2x128xi32, #tpu.memory_space<hbm>> -> memref<1x2x128xi32, #tpu.memory_space<hbm>>
    %dma_wait3A_215 = tpu.memref_squeeze %dma_wait3A_214 : memref<1x2x128xi32, #tpu.memory_space<hbm>> -> memref<2x128xi32, #tpu.memory_space<hbm>>
    tpu.wait_dma2 semaphore(%arg13 : memref<!tpu.dma_semaphore, #tpu.memory_space<semaphore_mem>>) src(%dma_wait3A_215 : memref<2x128xi32, #tpu.memory_space<hbm>>) dst(%dma_wait3A_211 : memref<2x128xi32, #tpu.memory_space<vmem>>)
    %dma_start3A_216 = arith.constant 24 : i32
    %dma_start3A_217 = arith.constant 0 : i32
    %dma_start3A_218 = tpu.memref_slice %arg6[%dma_start3A_216, %dma_start3A_217] : memref<32x128xi32, #tpu.memory_space<vmem>> -> memref<1x128xi32, #tpu.memory_space<vmem>>
    %dma_start3A_219 = tpu.memref_squeeze %dma_start3A_218 : memref<1x128xi32, #tpu.memory_space<vmem>> -> memref<128xi32, #tpu.memory_space<vmem>>
    %dma_start3A_220 = arith.constant 0 : i32
    %dma_start3A_221 = arith.constant 0 : i32
    %dma_start3A_222 = tpu.memref_slice %arg2[%dma_start3A_220, %dma_start3A_221] : memref<10000x128xf32, #tpu.memory_space<hbm>> -> memref<10000x128xf32, #tpu.memory_space<hbm>>
    tpu.enqueue_indirect_dma source(%dma_start3A_222 : memref<10000x128xf32, #tpu.memory_space<hbm>>) target(%arg8 : memref<128x128xf32, #tpu.memory_space<vmem>>) offsets(%dma_start3A_219 : memref<128xi32, #tpu.memory_space<vmem>>) semaphore(%arg15 : memref<!tpu.dma_semaphore, #tpu.memory_space<semaphore_mem>>)
    %dma_wait3A_223 = arith.constant 0 : i32
    %dma_wait3A_224 = arith.constant 0 : i32
    %dma_wait3A_225 = tpu.memref_slice %arg6[%dma_wait3A_223, %dma_wait3A_224] : memref<32x128xi32, #tpu.memory_space<vmem>> -> memref<1x128xi32, #tpu.memory_space<vmem>>
    %dma_wait3A_226 = tpu.memref_squeeze %dma_wait3A_225 : memref<1x128xi32, #tpu.memory_space<vmem>> -> memref<128xi32, #tpu.memory_space<vmem>>
    %dma_wait3A_227 = arith.constant 0 : i32
    %dma_wait3A_228 = arith.constant 0 : i32
    %dma_wait3A_229 = tpu.memref_slice %arg2[%dma_wait3A_227, %dma_wait3A_228] : memref<10000x128xf32, #tpu.memory_space<hbm>> -> memref<10000x128xf32, #tpu.memory_space<hbm>>
    tpu.wait_indirect_dma semaphore(%arg15 : memref<!tpu.dma_semaphore, #tpu.memory_space<semaphore_mem>>) src(%dma_wait3A_229 : memref<10000x128xf32, #tpu.memory_space<hbm>>) dst(%arg8 : memref<128x128xf32, #tpu.memory_space<vmem>>)
    %dma_start3A_230 = arith.constant 25 : i32
    %dma_start3A_231 = arith.constant 0 : i32
    %dma_start3A_232 = tpu.memref_slice %arg6[%dma_start3A_230, %dma_start3A_231] : memref<32x128xi32, #tpu.memory_space<vmem>> -> memref<1x128xi32, #tpu.memory_space<vmem>>
    %dma_start3A_233 = tpu.memref_squeeze %dma_start3A_232 : memref<1x128xi32, #tpu.memory_space<vmem>> -> memref<128xi32, #tpu.memory_space<vmem>>
    %dma_start3A_234 = arith.constant 0 : i32
    %dma_start3A_235 = arith.constant 0 : i32
    %dma_start3A_236 = tpu.memref_slice %arg9[%dma_start3A_234, %dma_start3A_235] : memref<10240x128xf32, #tpu.memory_space<vmem_shared>> -> memref<10240x128xf32, #tpu.memory_space<vmem_shared>>
    tpu.enqueue_indirect_dma source(%arg8 : memref<128x128xf32, #tpu.memory_space<vmem>>) target(%dma_start3A_236 : memref<10240x128xf32, #tpu.memory_space<vmem_shared>>) offsets(%dma_start3A_233 : memref<128xi32, #tpu.memory_space<vmem>>) semaphore(%arg17 : memref<!tpu.dma_semaphore, #tpu.memory_space<semaphore_mem>>) {add = true}
    %dma_wait3A_237 = arith.constant 1 : i32
    %dma_wait3A_238 = arith.constant 0 : i32
    %dma_wait3A_239 = tpu.memref_slice %arg6[%dma_wait3A_237, %dma_wait3A_238] : memref<32x128xi32, #tpu.memory_space<vmem>> -> memref<1x128xi32, #tpu.memory_space<vmem>>
    %dma_wait3A_240 = tpu.memref_squeeze %dma_wait3A_239 : memref<1x128xi32, #tpu.memory_space<vmem>> -> memref<128xi32, #tpu.memory_space<vmem>>
    %dma_wait3A_241 = arith.constant 0 : i32
    %dma_wait3A_242 = arith.constant 0 : i32
    %dma_wait3A_243 = tpu.memref_slice %arg9[%dma_wait3A_241, %dma_wait3A_242] : memref<10240x128xf32, #tpu.memory_space<vmem_shared>> -> memref<10240x128xf32, #tpu.memory_space<vmem_shared>>
    tpu.wait_indirect_dma semaphore(%arg16 : memref<!tpu.dma_semaphore, #tpu.memory_space<semaphore_mem>>) src(%arg7 : memref<128x128xf32, #tpu.memory_space<vmem>>) dst(%dma_wait3A_243 : memref<10240x128xf32, #tpu.memory_space<vmem_shared>>)
    %dma_wait3A_244 = arith.constant 1 : i32
    %dma_wait3A_245 = arith.constant 0 : i32
    %dma_wait3A_246 = tpu.memref_slice %arg6[%dma_wait3A_244, %dma_wait3A_245] : memref<32x128xi32, #tpu.memory_space<vmem>> -> memref<1x128xi32, #tpu.memory_space<vmem>>
    %dma_wait3A_247 = tpu.memref_squeeze %dma_wait3A_246 : memref<1x128xi32, #tpu.memory_space<vmem>> -> memref<128xi32, #tpu.memory_space<vmem>>
    %dma_wait3A_248 = arith.constant 0 : i32
    %dma_wait3A_249 = arith.constant 0 : i32
    %dma_wait3A_250 = tpu.memref_slice %arg9[%dma_wait3A_248, %dma_wait3A_249] : memref<10240x128xf32, #tpu.memory_space<vmem_shared>> -> memref<10240x128xf32, #tpu.memory_space<vmem_shared>>
    tpu.wait_indirect_dma semaphore(%arg17 : memref<!tpu.dma_semaphore, #tpu.memory_space<semaphore_mem>>) src(%arg8 : memref<128x128xf32, #tpu.memory_space<vmem>>) dst(%dma_wait3A_250 : memref<10240x128xf32, #tpu.memory_space<vmem_shared>>)
    %barrier3A_251 = arith.constant 0 : index
    tpu.barrier barrier_id(%barrier3A_251)
    %mul3A_252 = arith.constant 640 : i32
    %mul3A_253 = arith.muli %arg1, %mul3A_252 : i32
    %mul3A_254 = arith.constant 640 : i32
    %mul3A_255 = arith.muli %arg1, %mul3A_254 : i32
    "tpu.region"() ({
      %run_scoped3A = tpu.sem_alloc : memref<!tpu.dma_semaphore, #tpu.memory_space<semaphore_mem>>
      %dma_start3A_256 = arith.constant 0 : i32
      %dma_start3A_257 = arith.constant 0 : i32
      %dma_start3A_258 = tpu.memref_slice %arg5[%arg0, %dma_start3A_256, %dma_start3A_257] : memref<2x10240x128xf32, #tpu.memory_space<hbm>> -> memref<1x10240x128xf32, #tpu.memory_space<hbm>>
      %dma_start3A_259 = tpu.memref_squeeze %dma_start3A_258 : memref<1x10240x128xf32, #tpu.memory_space<hbm>> -> memref<10240x128xf32, #tpu.memory_space<hbm>>
      %dma_start3A_260 = arith.constant 0 : i32
      %dma_start3A_261 = tpu.memref_slice %dma_start3A_259[%mul3A_255, %dma_start3A_260] : memref<10240x128xf32, #tpu.memory_space<hbm>> -> memref<640x128xf32, #tpu.memory_space<hbm>>
      %dma_start3A_262 = arith.constant 0 : i32
      %dma_start3A_263 = tpu.memref_slice %arg9[%mul3A_253, %dma_start3A_262] : memref<10240x128xf32, #tpu.memory_space<vmem_shared>> -> memref<640x128xf32, #tpu.memory_space<vmem_shared>>
      tpu.enqueue_dma source(%dma_start3A_263 : memref<640x128xf32, #tpu.memory_space<vmem_shared>>) target(%dma_start3A_261 : memref<640x128xf32, #tpu.memory_space<hbm>>) target_semaphore(%run_scoped3A : memref<!tpu.dma_semaphore, #tpu.memory_space<semaphore_mem>>)
      %dma_wait3A_264 = arith.constant 0 : i32
      %dma_wait3A_265 = arith.constant 0 : i32
      %dma_wait3A_266 = tpu.memref_slice %arg5[%arg0, %dma_wait3A_264, %dma_wait3A_265] : memref<2x10240x128xf32, #tpu.memory_space<hbm>> -> memref<1x10240x128xf32, #tpu.memory_space<hbm>>
      %dma_wait3A_267 = tpu.memref_squeeze %dma_wait3A_266 : memref<1x10240x128xf32, #tpu.memory_space<hbm>> -> memref<10240x128xf32, #tpu.memory_space<hbm>>
      %dma_wait3A_268 = arith.constant 0 : i32
      %dma_wait3A_269 = tpu.memref_slice %dma_wait3A_267[%mul3A_255, %dma_wait3A_268] : memref<10240x128xf32, #tpu.memory_space<hbm>> -> memref<640x128xf32, #tpu.memory_space<hbm>>
      %dma_wait3A_270 = arith.constant 0 : i32
      %dma_wait3A_271 = tpu.memref_slice %arg9[%mul3A_253, %dma_wait3A_270] : memref<10240x128xf32, #tpu.memory_space<vmem_shared>> -> memref<640x128xf32, #tpu.memory_space<vmem_shared>>
      tpu.wait_dma2 semaphore(%run_scoped3A : memref<!tpu.dma_semaphore, #tpu.memory_space<semaphore_mem>>) src(%dma_wait3A_271 : memref<640x128xf32, #tpu.memory_space<vmem_shared>>) dst(%dma_wait3A_269 : memref<640x128xf32, #tpu.memory_space<hbm>>)
      tpu.yield
    }) : () -> ()
    return
  }
}

#map = affine_map<(d0, d1) -> (0, 0)>
#map1 = affine_map<(d0, d1) -> (0, 0, 0)>
module attributes {stable_mosaic.version = 14 : i64} {
  func.func @agg_kernel(%arg0: i32, %arg1: i32, %arg2: memref<10000x128xf32, #tpu.memory_space<hbm>>, %arg3: memref<2560x2x128xi32, #tpu.memory_space<hbm>>, %arg4: memref<10240x128xf32, #tpu.memory_space<hbm>>, %arg5: memref<2x10240x128xf32, #tpu.memory_space<hbm>>, %arg6: memref<32x128xi32, #tpu.memory_space<vmem>>, %arg7: memref<128x128xf32, #tpu.memory_space<vmem>>, %arg8: memref<128x128xf32, #tpu.memory_space<vmem>>, %arg9: memref<10240x128xf32, #tpu.memory_space<vmem_shared>>, %arg10: memref<!tpu.dma_semaphore, #tpu.memory_space<semaphore_mem>>, %arg11: memref<!tpu.dma_semaphore, #tpu.memory_space<semaphore_mem>>, %arg12: memref<!tpu.dma_semaphore, #tpu.memory_space<semaphore_mem>>, %arg13: memref<!tpu.dma_semaphore, #tpu.memory_space<semaphore_mem>>, %arg14: memref<!tpu.dma_semaphore, #tpu.memory_space<semaphore_mem>>, %arg15: memref<!tpu.dma_semaphore, #tpu.memory_space<semaphore_mem>>, %arg16: memref<!tpu.dma_semaphore, #tpu.memory_space<semaphore_mem>>, %arg17: memref<!tpu.dma_semaphore, #tpu.memory_space<semaphore_mem>>) attributes {dimension_semantics = [#tpu.dimension_semantics<core_parallel>, #tpu.dimension_semantics<subcore_parallel>], iteration_bounds = array<i64: 2, 16>, scalar_prefetch = 0 : i64, scratch_operands = 12 : i64, tpu.core_type = #tpu.core_type<sc_vector_subcore>, window_params = [{transform_indices = #map}, {transform_indices = #map1}, {transform_indices = #map}, {transform_indices = #map1}]} {
    %mul3A = arith.constant 16 : i32
    %mul3A_0 = arith.muli %arg0, %mul3A : i32
    %add3A = arith.addi %mul3A_0, %arg1 : i32
    %mul3A_1 = arith.constant 640 : i32
    %mul3A_2 = arith.muli %arg1, %mul3A_1 : i32
    %mul3A_3 = arith.constant 640 : i32
    %mul3A_4 = arith.muli %arg1, %mul3A_3 : i32
    "tpu.region"() ({
      %run_scoped3A = tpu.sem_alloc : memref<!tpu.dma_semaphore, #tpu.memory_space<semaphore_mem>>
      %dma_start3A_256 = arith.constant 0 : i32
      %dma_start3A_257 = tpu.memref_slice %arg9[%mul3A_4, %dma_start3A_256] : memref<10240x128xf32, #tpu.memory_space<vmem_shared>> -> memref<640x128xf32, #tpu.memory_space<vmem_shared>>
      %dma_start3A_258 = arith.constant 0 : i32
      %dma_start3A_259 = tpu.memref_slice %arg4[%mul3A_2, %dma_start3A_258] : memref<10240x128xf32, #tpu.memory_space<hbm>> -> memref<640x128xf32, #tpu.memory_space<hbm>>
      tpu.enqueue_dma source(%dma_start3A_259 : memref<640x128xf32, #tpu.memory_space<hbm>>) target(%dma_start3A_257 : memref<640x128xf32, #tpu.memory_space<vmem_shared>>) target_semaphore(%run_scoped3A : memref<!tpu.dma_semaphore, #tpu.memory_space<semaphore_mem>>)
      %dma_wait3A_260 = arith.constant 0 : i32
      %dma_wait3A_261 = tpu.memref_slice %arg9[%mul3A_4, %dma_wait3A_260] : memref<10240x128xf32, #tpu.memory_space<vmem_shared>> -> memref<640x128xf32, #tpu.memory_space<vmem_shared>>
      %dma_wait3A_262 = arith.constant 0 : i32
      %dma_wait3A_263 = tpu.memref_slice %arg4[%mul3A_2, %dma_wait3A_262] : memref<10240x128xf32, #tpu.memory_space<hbm>> -> memref<640x128xf32, #tpu.memory_space<hbm>>
      tpu.wait_dma2 semaphore(%run_scoped3A : memref<!tpu.dma_semaphore, #tpu.memory_space<semaphore_mem>>) src(%dma_wait3A_263 : memref<640x128xf32, #tpu.memory_space<hbm>>) dst(%dma_wait3A_261 : memref<640x128xf32, #tpu.memory_space<vmem_shared>>)
      tpu.yield
    }) : () -> ()
    %barrier3A = arith.constant 0 : index
    tpu.barrier barrier_id(%barrier3A)
    %mul3A_5 = arith.constant 80 : i32
    %mul3A_6 = arith.muli %add3A, %mul3A_5 : i32
    %add3A_7 = arith.constant 0 : i32
    %add3A_8 = arith.addi %mul3A_6, %add3A_7 : i32
    %dma_start3A = arith.constant 0 : i32
    %dma_start3A_9 = arith.constant 0 : i32
    %dma_start3A_10 = tpu.memref_slice %arg6[%dma_start3A, %dma_start3A_9] : memref<32x128xi32, #tpu.memory_space<vmem>> -> memref<2x128xi32, #tpu.memory_space<vmem>>
    %dma_start3A_11 = arith.constant 0 : i32
    %dma_start3A_12 = arith.constant 0 : i32
    %dma_start3A_13 = tpu.memref_slice %arg3[%add3A_8, %dma_start3A_11, %dma_start3A_12] : memref<2560x2x128xi32, #tpu.memory_space<hbm>> -> memref<1x2x128xi32, #tpu.memory_space<hbm>>
    %dma_start3A_14 = tpu.memref_squeeze %dma_start3A_13 : memref<1x2x128xi32, #tpu.memory_space<hbm>> -> memref<2x128xi32, #tpu.memory_space<hbm>>
    %dma_start3A_15 = arith.constant 0 : i32
    %dma_start3A_16 = arith.constant 0 : i32
    %dma_start3A_17 = tpu.memref_slice %arg6[%dma_start3A_15, %dma_start3A_16] : memref<32x128xi32, #tpu.memory_space<vmem>> -> memref<2x128xi32, #tpu.memory_space<vmem>>
    %dma_start3A_18 = arith.constant 0 : i32
    %dma_start3A_19 = arith.constant 0 : i32
    %dma_start3A_20 = tpu.memref_slice %arg3[%add3A_8, %dma_start3A_18, %dma_start3A_19] : memref<2560x2x128xi32, #tpu.memory_space<hbm>> -> memref<1x2x128xi32, #tpu.memory_space<hbm>>
    %dma_start3A_21 = tpu.memref_squeeze %dma_start3A_20 : memref<1x2x128xi32, #tpu.memory_space<hbm>> -> memref<2x128xi32, #tpu.memory_space<hbm>>
    tpu.enqueue_dma source(%dma_start3A_21 : memref<2x128xi32, #tpu.memory_space<hbm>>) target(%dma_start3A_17 : memref<2x128xi32, #tpu.memory_space<vmem>>) target_semaphore(%arg10 : memref<!tpu.dma_semaphore, #tpu.memory_space<semaphore_mem>>)
    %mul3A_22 = arith.constant 80 : i32
    %mul3A_23 = arith.muli %add3A, %mul3A_22 : i32
    %add3A_24 = arith.constant 1 : i32
    %add3A_25 = arith.addi %mul3A_23, %add3A_24 : i32
    %dma_start3A_26 = arith.constant 8 : i32
    %dma_start3A_27 = arith.constant 0 : i32
    %dma_start3A_28 = tpu.memref_slice %arg6[%dma_start3A_26, %dma_start3A_27] : memref<32x128xi32, #tpu.memory_space<vmem>> -> memref<2x128xi32, #tpu.memory_space<vmem>>
    %dma_start3A_29 = arith.constant 0 : i32
    %dma_start3A_30 = arith.constant 0 : i32
    %dma_start3A_31 = tpu.memref_slice %arg3[%add3A_25, %dma_start3A_29, %dma_start3A_30] : memref<2560x2x128xi32, #tpu.memory_space<hbm>> -> memref<1x2x128xi32, #tpu.memory_space<hbm>>
    %dma_start3A_32 = tpu.memref_squeeze %dma_start3A_31 : memref<1x2x128xi32, #tpu.memory_space<hbm>> -> memref<2x128xi32, #tpu.memory_space<hbm>>
    %dma_start3A_33 = arith.constant 8 : i32
    %dma_start3A_34 = arith.constant 0 : i32
    %dma_start3A_35 = tpu.memref_slice %arg6[%dma_start3A_33, %dma_start3A_34] : memref<32x128xi32, #tpu.memory_space<vmem>> -> memref<2x128xi32, #tpu.memory_space<vmem>>
    %dma_start3A_36 = arith.constant 0 : i32
    %dma_start3A_37 = arith.constant 0 : i32
    %dma_start3A_38 = tpu.memref_slice %arg3[%add3A_25, %dma_start3A_36, %dma_start3A_37] : memref<2560x2x128xi32, #tpu.memory_space<hbm>> -> memref<1x2x128xi32, #tpu.memory_space<hbm>>
    %dma_start3A_39 = tpu.memref_squeeze %dma_start3A_38 : memref<1x2x128xi32, #tpu.memory_space<hbm>> -> memref<2x128xi32, #tpu.memory_space<hbm>>
    tpu.enqueue_dma source(%dma_start3A_39 : memref<2x128xi32, #tpu.memory_space<hbm>>) target(%dma_start3A_35 : memref<2x128xi32, #tpu.memory_space<vmem>>) target_semaphore(%arg11 : memref<!tpu.dma_semaphore, #tpu.memory_space<semaphore_mem>>)
    %dma_wait3A = arith.constant 0 : i32
    %dma_wait3A_40 = arith.constant 0 : i32
    %dma_wait3A_41 = arith.constant 0 : i32
    %dma_wait3A_42 = tpu.memref_slice %arg6[%dma_wait3A_40, %dma_wait3A_41] : memref<32x128xi32, #tpu.memory_space<vmem>> -> memref<2x128xi32, #tpu.memory_space<vmem>>
    %dma_wait3A_43 = arith.constant 0 : i32
    %dma_wait3A_44 = arith.constant 0 : i32
    %dma_wait3A_45 = tpu.memref_slice %arg3[%dma_wait3A, %dma_wait3A_43, %dma_wait3A_44] : memref<2560x2x128xi32, #tpu.memory_space<hbm>> -> memref<1x2x128xi32, #tpu.memory_space<hbm>>
    %dma_wait3A_46 = tpu.memref_squeeze %dma_wait3A_45 : memref<1x2x128xi32, #tpu.memory_space<hbm>> -> memref<2x128xi32, #tpu.memory_space<hbm>>
    %dma_wait3A_47 = arith.constant 0 : i32
    %dma_wait3A_48 = arith.constant 0 : i32
    %dma_wait3A_49 = tpu.memref_slice %arg6[%dma_wait3A_47, %dma_wait3A_48] : memref<32x128xi32, #tpu.memory_space<vmem>> -> memref<2x128xi32, #tpu.memory_space<vmem>>
    %dma_wait3A_50 = arith.constant 0 : i32
    %dma_wait3A_51 = arith.constant 0 : i32
    %dma_wait3A_52 = tpu.memref_slice %arg3[%dma_wait3A, %dma_wait3A_50, %dma_wait3A_51] : memref<2560x2x128xi32, #tpu.memory_space<hbm>> -> memref<1x2x128xi32, #tpu.memory_space<hbm>>
    %dma_wait3A_53 = tpu.memref_squeeze %dma_wait3A_52 : memref<1x2x128xi32, #tpu.memory_space<hbm>> -> memref<2x128xi32, #tpu.memory_space<hbm>>
    tpu.wait_dma2 semaphore(%arg10 : memref<!tpu.dma_semaphore, #tpu.memory_space<semaphore_mem>>) src(%dma_wait3A_53 : memref<2x128xi32, #tpu.memory_space<hbm>>) dst(%dma_wait3A_49 : memref<2x128xi32, #tpu.memory_space<vmem>>)
    %dma_start3A_54 = arith.constant 0 : i32
    %dma_start3A_55 = arith.constant 0 : i32
    %dma_start3A_56 = tpu.memref_slice %arg6[%dma_start3A_54, %dma_start3A_55] : memref<32x128xi32, #tpu.memory_space<vmem>> -> memref<1x128xi32, #tpu.memory_space<vmem>>
    %dma_start3A_57 = tpu.memref_squeeze %dma_start3A_56 : memref<1x128xi32, #tpu.memory_space<vmem>> -> memref<128xi32, #tpu.memory_space<vmem>>
    %dma_start3A_58 = arith.constant 0 : i32
    %dma_start3A_59 = arith.constant 0 : i32
    %dma_start3A_60 = tpu.memref_slice %arg2[%dma_start3A_58, %dma_start3A_59] : memref<10000x128xf32, #tpu.memory_space<hbm>> -> memref<10000x128xf32, #tpu.memory_space<hbm>>
    tpu.enqueue_indirect_dma source(%dma_start3A_60 : memref<10000x128xf32, #tpu.memory_space<hbm>>) target(%arg7 : memref<128x128xf32, #tpu.memory_space<vmem>>) offsets(%dma_start3A_57 : memref<128xi32, #tpu.memory_space<vmem>>) semaphore(%arg14 : memref<!tpu.dma_semaphore, #tpu.memory_space<semaphore_mem>>)
    %dma_wait3A_61 = arith.constant 0 : i32
    %dma_wait3A_62 = arith.constant 0 : i32
    %dma_wait3A_63 = tpu.memref_slice %arg6[%dma_wait3A_61, %dma_wait3A_62] : memref<32x128xi32, #tpu.memory_space<vmem>> -> memref<1x128xi32, #tpu.memory_space<vmem>>
    %dma_wait3A_64 = tpu.memref_squeeze %dma_wait3A_63 : memref<1x128xi32, #tpu.memory_space<vmem>> -> memref<128xi32, #tpu.memory_space<vmem>>
    %dma_wait3A_65 = arith.constant 0 : i32
    %dma_wait3A_66 = arith.constant 0 : i32
    %dma_wait3A_67 = tpu.memref_slice %arg2[%dma_wait3A_65, %dma_wait3A_66] : memref<10000x128xf32, #tpu.memory_space<hbm>> -> memref<10000x128xf32, #tpu.memory_space<hbm>>
    tpu.wait_indirect_dma semaphore(%arg14 : memref<!tpu.dma_semaphore, #tpu.memory_space<semaphore_mem>>) src(%dma_wait3A_67 : memref<10000x128xf32, #tpu.memory_space<hbm>>) dst(%arg7 : memref<128x128xf32, #tpu.memory_space<vmem>>)
    %dma_start3A_68 = arith.constant 1 : i32
    %dma_start3A_69 = arith.constant 0 : i32
    %dma_start3A_70 = tpu.memref_slice %arg6[%dma_start3A_68, %dma_start3A_69] : memref<32x128xi32, #tpu.memory_space<vmem>> -> memref<1x128xi32, #tpu.memory_space<vmem>>
    %dma_start3A_71 = tpu.memref_squeeze %dma_start3A_70 : memref<1x128xi32, #tpu.memory_space<vmem>> -> memref<128xi32, #tpu.memory_space<vmem>>
    %dma_start3A_72 = arith.constant 0 : i32
    %dma_start3A_73 = arith.constant 0 : i32
    %dma_start3A_74 = tpu.memref_slice %arg9[%dma_start3A_72, %dma_start3A_73] : memref<10240x128xf32, #tpu.memory_space<vmem_shared>> -> memref<10240x128xf32, #tpu.memory_space<vmem_shared>>
    tpu.enqueue_indirect_dma source(%arg7 : memref<128x128xf32, #tpu.memory_space<vmem>>) target(%dma_start3A_74 : memref<10240x128xf32, #tpu.memory_space<vmem_shared>>) offsets(%dma_start3A_71 : memref<128xi32, #tpu.memory_space<vmem>>) semaphore(%arg16 : memref<!tpu.dma_semaphore, #tpu.memory_space<semaphore_mem>>) {add = true}
    %mul3A_75 = arith.constant 80 : i32
    %mul3A_76 = arith.muli %add3A, %mul3A_75 : i32
    %add3A_77 = arith.constant 2 : i32
    %add3A_78 = arith.addi %mul3A_76, %add3A_77 : i32
    %dma_start3A_79 = arith.constant 16 : i32
    %dma_start3A_80 = arith.constant 0 : i32
    %dma_start3A_81 = tpu.memref_slice %arg6[%dma_start3A_79, %dma_start3A_80] : memref<32x128xi32, #tpu.memory_space<vmem>> -> memref<2x128xi32, #tpu.memory_space<vmem>>
    %dma_start3A_82 = arith.constant 0 : i32
    %dma_start3A_83 = arith.constant 0 : i32
    %dma_start3A_84 = tpu.memref_slice %arg3[%add3A_78, %dma_start3A_82, %dma_start3A_83] : memref<2560x2x128xi32, #tpu.memory_space<hbm>> -> memref<1x2x128xi32, #tpu.memory_space<hbm>>
    %dma_start3A_85 = tpu.memref_squeeze %dma_start3A_84 : memref<1x2x128xi32, #tpu.memory_space<hbm>> -> memref<2x128xi32, #tpu.memory_space<hbm>>
    %dma_start3A_86 = arith.constant 16 : i32
    %dma_start3A_87 = arith.constant 0 : i32
    %dma_start3A_88 = tpu.memref_slice %arg6[%dma_start3A_86, %dma_start3A_87] : memref<32x128xi32, #tpu.memory_space<vmem>> -> memref<2x128xi32, #tpu.memory_space<vmem>>
    %dma_start3A_89 = arith.constant 0 : i32
    %dma_start3A_90 = arith.constant 0 : i32
    %dma_start3A_91 = tpu.memref_slice %arg3[%add3A_78, %dma_start3A_89, %dma_start3A_90] : memref<2560x2x128xi32, #tpu.memory_space<hbm>> -> memref<1x2x128xi32, #tpu.memory_space<hbm>>
    %dma_start3A_92 = tpu.memref_squeeze %dma_start3A_91 : memref<1x2x128xi32, #tpu.memory_space<hbm>> -> memref<2x128xi32, #tpu.memory_space<hbm>>
    tpu.enqueue_dma source(%dma_start3A_92 : memref<2x128xi32, #tpu.memory_space<hbm>>) target(%dma_start3A_88 : memref<2x128xi32, #tpu.memory_space<vmem>>) target_semaphore(%arg12 : memref<!tpu.dma_semaphore, #tpu.memory_space<semaphore_mem>>)
    %dma_wait3A_93 = arith.constant 0 : i32
    %dma_wait3A_94 = arith.constant 8 : i32
    %dma_wait3A_95 = arith.constant 0 : i32
    %dma_wait3A_96 = tpu.memref_slice %arg6[%dma_wait3A_94, %dma_wait3A_95] : memref<32x128xi32, #tpu.memory_space<vmem>> -> memref<2x128xi32, #tpu.memory_space<vmem>>
    %dma_wait3A_97 = arith.constant 0 : i32
    %dma_wait3A_98 = arith.constant 0 : i32
    %dma_wait3A_99 = tpu.memref_slice %arg3[%dma_wait3A_93, %dma_wait3A_97, %dma_wait3A_98] : memref<2560x2x128xi32, #tpu.memory_space<hbm>> -> memref<1x2x128xi32, #tpu.memory_space<hbm>>
    %dma_wait3A_100 = tpu.memref_squeeze %dma_wait3A_99 : memref<1x2x128xi32, #tpu.memory_space<hbm>> -> memref<2x128xi32, #tpu.memory_space<hbm>>
    %dma_wait3A_101 = arith.constant 8 : i32
    %dma_wait3A_102 = arith.constant 0 : i32
    %dma_wait3A_103 = tpu.memref_slice %arg6[%dma_wait3A_101, %dma_wait3A_102] : memref<32x128xi32, #tpu.memory_space<vmem>> -> memref<2x128xi32, #tpu.memory_space<vmem>>
    %dma_wait3A_104 = arith.constant 0 : i32
    %dma_wait3A_105 = arith.constant 0 : i32
    %dma_wait3A_106 = tpu.memref_slice %arg3[%dma_wait3A_93, %dma_wait3A_104, %dma_wait3A_105] : memref<2560x2x128xi32, #tpu.memory_space<hbm>> -> memref<1x2x128xi32, #tpu.memory_space<hbm>>
    %dma_wait3A_107 = tpu.memref_squeeze %dma_wait3A_106 : memref<1x2x128xi32, #tpu.memory_space<hbm>> -> memref<2x128xi32, #tpu.memory_space<hbm>>
    tpu.wait_dma2 semaphore(%arg11 : memref<!tpu.dma_semaphore, #tpu.memory_space<semaphore_mem>>) src(%dma_wait3A_107 : memref<2x128xi32, #tpu.memory_space<hbm>>) dst(%dma_wait3A_103 : memref<2x128xi32, #tpu.memory_space<vmem>>)
    %dma_start3A_108 = arith.constant 8 : i32
    %dma_start3A_109 = arith.constant 0 : i32
    %dma_start3A_110 = tpu.memref_slice %arg6[%dma_start3A_108, %dma_start3A_109] : memref<32x128xi32, #tpu.memory_space<vmem>> -> memref<1x128xi32, #tpu.memory_space<vmem>>
    %dma_start3A_111 = tpu.memref_squeeze %dma_start3A_110 : memref<1x128xi32, #tpu.memory_space<vmem>> -> memref<128xi32, #tpu.memory_space<vmem>>
    %dma_start3A_112 = arith.constant 0 : i32
    %dma_start3A_113 = arith.constant 0 : i32
    %dma_start3A_114 = tpu.memref_slice %arg2[%dma_start3A_112, %dma_start3A_113] : memref<10000x128xf32, #tpu.memory_space<hbm>> -> memref<10000x128xf32, #tpu.memory_space<hbm>>
    tpu.enqueue_indirect_dma source(%dma_start3A_114 : memref<10000x128xf32, #tpu.memory_space<hbm>>) target(%arg8 : memref<128x128xf32, #tpu.memory_space<vmem>>) offsets(%dma_start3A_111 : memref<128xi32, #tpu.memory_space<vmem>>) semaphore(%arg15 : memref<!tpu.dma_semaphore, #tpu.memory_space<semaphore_mem>>)
    %dma_wait3A_115 = arith.constant 0 : i32
    %dma_wait3A_116 = arith.constant 0 : i32
    %dma_wait3A_117 = tpu.memref_slice %arg6[%dma_wait3A_115, %dma_wait3A_116] : memref<32x128xi32, #tpu.memory_space<vmem>> -> memref<1x128xi32, #tpu.memory_space<vmem>>
    %dma_wait3A_118 = tpu.memref_squeeze %dma_wait3A_117 : memref<1x128xi32, #tpu.memory_space<vmem>> -> memref<128xi32, #tpu.memory_space<vmem>>
    %dma_wait3A_119 = arith.constant 0 : i32
    %dma_wait3A_120 = arith.constant 0 : i32
    %dma_wait3A_121 = tpu.memref_slice %arg2[%dma_wait3A_119, %dma_wait3A_120] : memref<10000x128xf32, #tpu.memory_space<hbm>> -> memref<10000x128xf32, #tpu.memory_space<hbm>>
    tpu.wait_indirect_dma semaphore(%arg15 : memref<!tpu.dma_semaphore, #tpu.memory_space<semaphore_mem>>) src(%dma_wait3A_121 : memref<10000x128xf32, #tpu.memory_space<hbm>>) dst(%arg8 : memref<128x128xf32, #tpu.memory_space<vmem>>)
    %dma_start3A_122 = arith.constant 9 : i32
    %dma_start3A_123 = arith.constant 0 : i32
    %dma_start3A_124 = tpu.memref_slice %arg6[%dma_start3A_122, %dma_start3A_123] : memref<32x128xi32, #tpu.memory_space<vmem>> -> memref<1x128xi32, #tpu.memory_space<vmem>>
    %dma_start3A_125 = tpu.memref_squeeze %dma_start3A_124 : memref<1x128xi32, #tpu.memory_space<vmem>> -> memref<128xi32, #tpu.memory_space<vmem>>
    %dma_start3A_126 = arith.constant 0 : i32
    %dma_start3A_127 = arith.constant 0 : i32
    %dma_start3A_128 = tpu.memref_slice %arg9[%dma_start3A_126, %dma_start3A_127] : memref<10240x128xf32, #tpu.memory_space<vmem_shared>> -> memref<10240x128xf32, #tpu.memory_space<vmem_shared>>
    tpu.enqueue_indirect_dma source(%arg8 : memref<128x128xf32, #tpu.memory_space<vmem>>) target(%dma_start3A_128 : memref<10240x128xf32, #tpu.memory_space<vmem_shared>>) offsets(%dma_start3A_125 : memref<128xi32, #tpu.memory_space<vmem>>) semaphore(%arg17 : memref<!tpu.dma_semaphore, #tpu.memory_space<semaphore_mem>>) {add = true}
    %dma_wait3A_129 = arith.constant 1 : i32
    %dma_wait3A_130 = arith.constant 0 : i32
    %dma_wait3A_131 = tpu.memref_slice %arg6[%dma_wait3A_129, %dma_wait3A_130] : memref<32x128xi32, #tpu.memory_space<vmem>> -> memref<1x128xi32, #tpu.memory_space<vmem>>
    %dma_wait3A_132 = tpu.memref_squeeze %dma_wait3A_131 : memref<1x128xi32, #tpu.memory_space<vmem>> -> memref<128xi32, #tpu.memory_space<vmem>>
    %dma_wait3A_133 = arith.constant 0 : i32
    %dma_wait3A_134 = arith.constant 0 : i32
    %dma_wait3A_135 = tpu.memref_slice %arg9[%dma_wait3A_133, %dma_wait3A_134] : memref<10240x128xf32, #tpu.memory_space<vmem_shared>> -> memref<10240x128xf32, #tpu.memory_space<vmem_shared>>
    tpu.wait_indirect_dma semaphore(%arg16 : memref<!tpu.dma_semaphore, #tpu.memory_space<semaphore_mem>>) src(%arg7 : memref<128x128xf32, #tpu.memory_space<vmem>>) dst(%dma_wait3A_135 : memref<10240x128xf32, #tpu.memory_space<vmem_shared>>)
    %mul3A_136 = arith.constant 80 : i32
    %mul3A_137 = arith.muli %add3A, %mul3A_136 : i32
    %add3A_138 = arith.constant 3 : i32
    %add3A_139 = arith.addi %mul3A_137, %add3A_138 : i32
    %dma_start3A_140 = arith.constant 24 : i32
    %dma_start3A_141 = arith.constant 0 : i32
    %dma_start3A_142 = tpu.memref_slice %arg6[%dma_start3A_140, %dma_start3A_141] : memref<32x128xi32, #tpu.memory_space<vmem>> -> memref<2x128xi32, #tpu.memory_space<vmem>>
    %dma_start3A_143 = arith.constant 0 : i32
    %dma_start3A_144 = arith.constant 0 : i32
    %dma_start3A_145 = tpu.memref_slice %arg3[%add3A_139, %dma_start3A_143, %dma_start3A_144] : memref<2560x2x128xi32, #tpu.memory_space<hbm>> -> memref<1x2x128xi32, #tpu.memory_space<hbm>>
    %dma_start3A_146 = tpu.memref_squeeze %dma_start3A_145 : memref<1x2x128xi32, #tpu.memory_space<hbm>> -> memref<2x128xi32, #tpu.memory_space<hbm>>
    %dma_start3A_147 = arith.constant 24 : i32
    %dma_start3A_148 = arith.constant 0 : i32
    %dma_start3A_149 = tpu.memref_slice %arg6[%dma_start3A_147, %dma_start3A_148] : memref<32x128xi32, #tpu.memory_space<vmem>> -> memref<2x128xi32, #tpu.memory_space<vmem>>
    %dma_start3A_150 = arith.constant 0 : i32
    %dma_start3A_151 = arith.constant 0 : i32
    %dma_start3A_152 = tpu.memref_slice %arg3[%add3A_139, %dma_start3A_150, %dma_start3A_151] : memref<2560x2x128xi32, #tpu.memory_space<hbm>> -> memref<1x2x128xi32, #tpu.memory_space<hbm>>
    %dma_start3A_153 = tpu.memref_squeeze %dma_start3A_152 : memref<1x2x128xi32, #tpu.memory_space<hbm>> -> memref<2x128xi32, #tpu.memory_space<hbm>>
    tpu.enqueue_dma source(%dma_start3A_153 : memref<2x128xi32, #tpu.memory_space<hbm>>) target(%dma_start3A_149 : memref<2x128xi32, #tpu.memory_space<vmem>>) target_semaphore(%arg13 : memref<!tpu.dma_semaphore, #tpu.memory_space<semaphore_mem>>)
    %dma_wait3A_154 = arith.constant 0 : i32
    %dma_wait3A_155 = arith.constant 16 : i32
    %dma_wait3A_156 = arith.constant 0 : i32
    %dma_wait3A_157 = tpu.memref_slice %arg6[%dma_wait3A_155, %dma_wait3A_156] : memref<32x128xi32, #tpu.memory_space<vmem>> -> memref<2x128xi32, #tpu.memory_space<vmem>>
    %dma_wait3A_158 = arith.constant 0 : i32
    %dma_wait3A_159 = arith.constant 0 : i32
    %dma_wait3A_160 = tpu.memref_slice %arg3[%dma_wait3A_154, %dma_wait3A_158, %dma_wait3A_159] : memref<2560x2x128xi32, #tpu.memory_space<hbm>> -> memref<1x2x128xi32, #tpu.memory_space<hbm>>
    %dma_wait3A_161 = tpu.memref_squeeze %dma_wait3A_160 : memref<1x2x128xi32, #tpu.memory_space<hbm>> -> memref<2x128xi32, #tpu.memory_space<hbm>>
    %dma_wait3A_162 = arith.constant 16 : i32
    %dma_wait3A_163 = arith.constant 0 : i32
    %dma_wait3A_164 = tpu.memref_slice %arg6[%dma_wait3A_162, %dma_wait3A_163] : memref<32x128xi32, #tpu.memory_space<vmem>> -> memref<2x128xi32, #tpu.memory_space<vmem>>
    %dma_wait3A_165 = arith.constant 0 : i32
    %dma_wait3A_166 = arith.constant 0 : i32
    %dma_wait3A_167 = tpu.memref_slice %arg3[%dma_wait3A_154, %dma_wait3A_165, %dma_wait3A_166] : memref<2560x2x128xi32, #tpu.memory_space<hbm>> -> memref<1x2x128xi32, #tpu.memory_space<hbm>>
    %dma_wait3A_168 = tpu.memref_squeeze %dma_wait3A_167 : memref<1x2x128xi32, #tpu.memory_space<hbm>> -> memref<2x128xi32, #tpu.memory_space<hbm>>
    tpu.wait_dma2 semaphore(%arg12 : memref<!tpu.dma_semaphore, #tpu.memory_space<semaphore_mem>>) src(%dma_wait3A_168 : memref<2x128xi32, #tpu.memory_space<hbm>>) dst(%dma_wait3A_164 : memref<2x128xi32, #tpu.memory_space<vmem>>)
    %dma_start3A_169 = arith.constant 16 : i32
    %dma_start3A_170 = arith.constant 0 : i32
    %dma_start3A_171 = tpu.memref_slice %arg6[%dma_start3A_169, %dma_start3A_170] : memref<32x128xi32, #tpu.memory_space<vmem>> -> memref<1x128xi32, #tpu.memory_space<vmem>>
    %dma_start3A_172 = tpu.memref_squeeze %dma_start3A_171 : memref<1x128xi32, #tpu.memory_space<vmem>> -> memref<128xi32, #tpu.memory_space<vmem>>
    %dma_start3A_173 = arith.constant 0 : i32
    %dma_start3A_174 = arith.constant 0 : i32
    %dma_start3A_175 = tpu.memref_slice %arg2[%dma_start3A_173, %dma_start3A_174] : memref<10000x128xf32, #tpu.memory_space<hbm>> -> memref<10000x128xf32, #tpu.memory_space<hbm>>
    tpu.enqueue_indirect_dma source(%dma_start3A_175 : memref<10000x128xf32, #tpu.memory_space<hbm>>) target(%arg7 : memref<128x128xf32, #tpu.memory_space<vmem>>) offsets(%dma_start3A_172 : memref<128xi32, #tpu.memory_space<vmem>>) semaphore(%arg14 : memref<!tpu.dma_semaphore, #tpu.memory_space<semaphore_mem>>)
    %scan3A = arith.constant 0 : i32
    %scan3A_176 = arith.constant 19 : i32
    %scan3A_177 = arith.addi %scan3A, %scan3A_176 : i32
    %scan3A_178 = arith.constant 1 : i32
    scf.for %scan3A_256 = %scan3A to %scan3A_177 step %scan3A_178  : i32 {
      %mul3A_257 = arith.constant 4 : i32
      %mul3A_258 = arith.muli %scan3A_256, %mul3A_257 : i32
      %add3A_259 = arith.constant 2 : i32
      %add3A_260 = arith.addi %add3A_259, %mul3A_258 : i32
      %add3A_261 = arith.constant 0 : i32
      %add3A_262 = arith.addi %add3A_260, %add3A_261 : i32
      %dma_wait3A_263 = arith.constant 0 : i32
      %dma_wait3A_264 = arith.constant 0 : i32
      %dma_wait3A_265 = tpu.memref_slice %arg6[%dma_wait3A_263, %dma_wait3A_264] : memref<32x128xi32, #tpu.memory_space<vmem>> -> memref<1x128xi32, #tpu.memory_space<vmem>>
      %dma_wait3A_266 = tpu.memref_squeeze %dma_wait3A_265 : memref<1x128xi32, #tpu.memory_space<vmem>> -> memref<128xi32, #tpu.memory_space<vmem>>
      %dma_wait3A_267 = arith.constant 0 : i32
      %dma_wait3A_268 = arith.constant 0 : i32
      %dma_wait3A_269 = tpu.memref_slice %arg2[%dma_wait3A_267, %dma_wait3A_268] : memref<10000x128xf32, #tpu.memory_space<hbm>> -> memref<10000x128xf32, #tpu.memory_space<hbm>>
      tpu.wait_indirect_dma semaphore(%arg14 : memref<!tpu.dma_semaphore, #tpu.memory_space<semaphore_mem>>) src(%dma_wait3A_269 : memref<10000x128xf32, #tpu.memory_space<hbm>>) dst(%arg7 : memref<128x128xf32, #tpu.memory_space<vmem>>)
      %dma_start3A_270 = arith.constant 17 : i32
      %dma_start3A_271 = arith.constant 0 : i32
      %dma_start3A_272 = tpu.memref_slice %arg6[%dma_start3A_270, %dma_start3A_271] : memref<32x128xi32, #tpu.memory_space<vmem>> -> memref<1x128xi32, #tpu.memory_space<vmem>>
      %dma_start3A_273 = tpu.memref_squeeze %dma_start3A_272 : memref<1x128xi32, #tpu.memory_space<vmem>> -> memref<128xi32, #tpu.memory_space<vmem>>
      %dma_start3A_274 = arith.constant 0 : i32
      %dma_start3A_275 = arith.constant 0 : i32
      %dma_start3A_276 = tpu.memref_slice %arg9[%dma_start3A_274, %dma_start3A_275] : memref<10240x128xf32, #tpu.memory_space<vmem_shared>> -> memref<10240x128xf32, #tpu.memory_space<vmem_shared>>
      tpu.enqueue_indirect_dma source(%arg7 : memref<128x128xf32, #tpu.memory_space<vmem>>) target(%dma_start3A_276 : memref<10240x128xf32, #tpu.memory_space<vmem_shared>>) offsets(%dma_start3A_273 : memref<128xi32, #tpu.memory_space<vmem>>) semaphore(%arg16 : memref<!tpu.dma_semaphore, #tpu.memory_space<semaphore_mem>>) {add = true}
      %dma_wait3A_277 = arith.constant 1 : i32
      %dma_wait3A_278 = arith.constant 0 : i32
      %dma_wait3A_279 = tpu.memref_slice %arg6[%dma_wait3A_277, %dma_wait3A_278] : memref<32x128xi32, #tpu.memory_space<vmem>> -> memref<1x128xi32, #tpu.memory_space<vmem>>
      %dma_wait3A_280 = tpu.memref_squeeze %dma_wait3A_279 : memref<1x128xi32, #tpu.memory_space<vmem>> -> memref<128xi32, #tpu.memory_space<vmem>>
      %dma_wait3A_281 = arith.constant 0 : i32
      %dma_wait3A_282 = arith.constant 0 : i32
      %dma_wait3A_283 = tpu.memref_slice %arg9[%dma_wait3A_281, %dma_wait3A_282] : memref<10240x128xf32, #tpu.memory_space<vmem_shared>> -> memref<10240x128xf32, #tpu.memory_space<vmem_shared>>
      tpu.wait_indirect_dma semaphore(%arg17 : memref<!tpu.dma_semaphore, #tpu.memory_space<semaphore_mem>>) src(%arg8 : memref<128x128xf32, #tpu.memory_space<vmem>>) dst(%dma_wait3A_283 : memref<10240x128xf32, #tpu.memory_space<vmem_shared>>)
      %add3A_284 = arith.constant 2 : i32
      %add3A_285 = arith.addi %add3A_262, %add3A_284 : i32
      %mul3A_286 = arith.constant 80 : i32
      %mul3A_287 = arith.muli %add3A, %mul3A_286 : i32
      %add3A_288 = arith.addi %mul3A_287, %add3A_285 : i32
      %dma_start3A_289 = arith.constant 0 : i32
      %dma_start3A_290 = arith.constant 0 : i32
      %dma_start3A_291 = tpu.memref_slice %arg6[%dma_start3A_289, %dma_start3A_290] : memref<32x128xi32, #tpu.memory_space<vmem>> -> memref<2x128xi32, #tpu.memory_space<vmem>>
      %dma_start3A_292 = arith.constant 0 : i32
      %dma_start3A_293 = arith.constant 0 : i32
      %dma_start3A_294 = tpu.memref_slice %arg3[%add3A_288, %dma_start3A_292, %dma_start3A_293] : memref<2560x2x128xi32, #tpu.memory_space<hbm>> -> memref<1x2x128xi32, #tpu.memory_space<hbm>>
      %dma_start3A_295 = tpu.memref_squeeze %dma_start3A_294 : memref<1x2x128xi32, #tpu.memory_space<hbm>> -> memref<2x128xi32, #tpu.memory_space<hbm>>
      %dma_start3A_296 = arith.constant 0 : i32
      %dma_start3A_297 = arith.constant 0 : i32
      %dma_start3A_298 = tpu.memref_slice %arg6[%dma_start3A_296, %dma_start3A_297] : memref<32x128xi32, #tpu.memory_space<vmem>> -> memref<2x128xi32, #tpu.memory_space<vmem>>
      %dma_start3A_299 = arith.constant 0 : i32
      %dma_start3A_300 = arith.constant 0 : i32
      %dma_start3A_301 = tpu.memref_slice %arg3[%add3A_288, %dma_start3A_299, %dma_start3A_300] : memref<2560x2x128xi32, #tpu.memory_space<hbm>> -> memref<1x2x128xi32, #tpu.memory_space<hbm>>
      %dma_start3A_302 = tpu.memref_squeeze %dma_start3A_301 : memref<1x2x128xi32, #tpu.memory_space<hbm>> -> memref<2x128xi32, #tpu.memory_space<hbm>>
      tpu.enqueue_dma source(%dma_start3A_302 : memref<2x128xi32, #tpu.memory_space<hbm>>) target(%dma_start3A_298 : memref<2x128xi32, #tpu.memory_space<vmem>>) target_semaphore(%arg10 : memref<!tpu.dma_semaphore, #tpu.memory_space<semaphore_mem>>)
      %dma_wait3A_303 = arith.constant 0 : i32
      %dma_wait3A_304 = arith.constant 24 : i32
      %dma_wait3A_305 = arith.constant 0 : i32
      %dma_wait3A_306 = tpu.memref_slice %arg6[%dma_wait3A_304, %dma_wait3A_305] : memref<32x128xi32, #tpu.memory_space<vmem>> -> memref<2x128xi32, #tpu.memory_space<vmem>>
      %dma_wait3A_307 = arith.constant 0 : i32
      %dma_wait3A_308 = arith.constant 0 : i32
      %dma_wait3A_309 = tpu.memref_slice %arg3[%dma_wait3A_303, %dma_wait3A_307, %dma_wait3A_308] : memref<2560x2x128xi32, #tpu.memory_space<hbm>> -> memref<1x2x128xi32, #tpu.memory_space<hbm>>
      %dma_wait3A_310 = tpu.memref_squeeze %dma_wait3A_309 : memref<1x2x128xi32, #tpu.memory_space<hbm>> -> memref<2x128xi32, #tpu.memory_space<hbm>>
      %dma_wait3A_311 = arith.constant 24 : i32
      %dma_wait3A_312 = arith.constant 0 : i32
      %dma_wait3A_313 = tpu.memref_slice %arg6[%dma_wait3A_311, %dma_wait3A_312] : memref<32x128xi32, #tpu.memory_space<vmem>> -> memref<2x128xi32, #tpu.memory_space<vmem>>
      %dma_wait3A_314 = arith.constant 0 : i32
      %dma_wait3A_315 = arith.constant 0 : i32
      %dma_wait3A_316 = tpu.memref_slice %arg3[%dma_wait3A_303, %dma_wait3A_314, %dma_wait3A_315] : memref<2560x2x128xi32, #tpu.memory_space<hbm>> -> memref<1x2x128xi32, #tpu.memory_space<hbm>>
      %dma_wait3A_317 = tpu.memref_squeeze %dma_wait3A_316 : memref<1x2x128xi32, #tpu.memory_space<hbm>> -> memref<2x128xi32, #tpu.memory_space<hbm>>
      tpu.wait_dma2 semaphore(%arg13 : memref<!tpu.dma_semaphore, #tpu.memory_space<semaphore_mem>>) src(%dma_wait3A_317 : memref<2x128xi32, #tpu.memory_space<hbm>>) dst(%dma_wait3A_313 : memref<2x128xi32, #tpu.memory_space<vmem>>)
      %add3A_318 = arith.constant 1 : i32
      %add3A_319 = arith.addi %add3A_262, %add3A_318 : i32
      %dma_start3A_320 = arith.constant 24 : i32
      %dma_start3A_321 = arith.constant 0 : i32
      %dma_start3A_322 = tpu.memref_slice %arg6[%dma_start3A_320, %dma_start3A_321] : memref<32x128xi32, #tpu.memory_space<vmem>> -> memref<1x128xi32, #tpu.memory_space<vmem>>
      %dma_start3A_323 = tpu.memref_squeeze %dma_start3A_322 : memref<1x128xi32, #tpu.memory_space<vmem>> -> memref<128xi32, #tpu.memory_space<vmem>>
      %dma_start3A_324 = arith.constant 0 : i32
      %dma_start3A_325 = arith.constant 0 : i32
      %dma_start3A_326 = tpu.memref_slice %arg2[%dma_start3A_324, %dma_start3A_325] : memref<10000x128xf32, #tpu.memory_space<hbm>> -> memref<10000x128xf32, #tpu.memory_space<hbm>>
      tpu.enqueue_indirect_dma source(%dma_start3A_326 : memref<10000x128xf32, #tpu.memory_space<hbm>>) target(%arg8 : memref<128x128xf32, #tpu.memory_space<vmem>>) offsets(%dma_start3A_323 : memref<128xi32, #tpu.memory_space<vmem>>) semaphore(%arg15 : memref<!tpu.dma_semaphore, #tpu.memory_space<semaphore_mem>>)
      %add3A_327 = arith.constant 1 : i32
      %add3A_328 = arith.addi %add3A_260, %add3A_327 : i32
      %dma_wait3A_329 = arith.constant 0 : i32
      %dma_wait3A_330 = arith.constant 0 : i32
      %dma_wait3A_331 = tpu.memref_slice %arg6[%dma_wait3A_329, %dma_wait3A_330] : memref<32x128xi32, #tpu.memory_space<vmem>> -> memref<1x128xi32, #tpu.memory_space<vmem>>
      %dma_wait3A_332 = tpu.memref_squeeze %dma_wait3A_331 : memref<1x128xi32, #tpu.memory_space<vmem>> -> memref<128xi32, #tpu.memory_space<vmem>>
      %dma_wait3A_333 = arith.constant 0 : i32
      %dma_wait3A_334 = arith.constant 0 : i32
      %dma_wait3A_335 = tpu.memref_slice %arg2[%dma_wait3A_333, %dma_wait3A_334] : memref<10000x128xf32, #tpu.memory_space<hbm>> -> memref<10000x128xf32, #tpu.memory_space<hbm>>
      tpu.wait_indirect_dma semaphore(%arg15 : memref<!tpu.dma_semaphore, #tpu.memory_space<semaphore_mem>>) src(%dma_wait3A_335 : memref<10000x128xf32, #tpu.memory_space<hbm>>) dst(%arg8 : memref<128x128xf32, #tpu.memory_space<vmem>>)
      %dma_start3A_336 = arith.constant 25 : i32
      %dma_start3A_337 = arith.constant 0 : i32
      %dma_start3A_338 = tpu.memref_slice %arg6[%dma_start3A_336, %dma_start3A_337] : memref<32x128xi32, #tpu.memory_space<vmem>> -> memref<1x128xi32, #tpu.memory_space<vmem>>
      %dma_start3A_339 = tpu.memref_squeeze %dma_start3A_338 : memref<1x128xi32, #tpu.memory_space<vmem>> -> memref<128xi32, #tpu.memory_space<vmem>>
      %dma_start3A_340 = arith.constant 0 : i32
      %dma_start3A_341 = arith.constant 0 : i32
      %dma_start3A_342 = tpu.memref_slice %arg9[%dma_start3A_340, %dma_start3A_341] : memref<10240x128xf32, #tpu.memory_space<vmem_shared>> -> memref<10240x128xf32, #tpu.memory_space<vmem_shared>>
      tpu.enqueue_indirect_dma source(%arg8 : memref<128x128xf32, #tpu.memory_space<vmem>>) target(%dma_start3A_342 : memref<10240x128xf32, #tpu.memory_space<vmem_shared>>) offsets(%dma_start3A_339 : memref<128xi32, #tpu.memory_space<vmem>>) semaphore(%arg17 : memref<!tpu.dma_semaphore, #tpu.memory_space<semaphore_mem>>) {add = true}
      %dma_wait3A_343 = arith.constant 1 : i32
      %dma_wait3A_344 = arith.constant 0 : i32
      %dma_wait3A_345 = tpu.memref_slice %arg6[%dma_wait3A_343, %dma_wait3A_344] : memref<32x128xi32, #tpu.memory_space<vmem>> -> memref<1x128xi32, #tpu.memory_space<vmem>>
      %dma_wait3A_346 = tpu.memref_squeeze %dma_wait3A_345 : memref<1x128xi32, #tpu.memory_space<vmem>> -> memref<128xi32, #tpu.memory_space<vmem>>
      %dma_wait3A_347 = arith.constant 0 : i32
      %dma_wait3A_348 = arith.constant 0 : i32
      %dma_wait3A_349 = tpu.memref_slice %arg9[%dma_wait3A_347, %dma_wait3A_348] : memref<10240x128xf32, #tpu.memory_space<vmem_shared>> -> memref<10240x128xf32, #tpu.memory_space<vmem_shared>>
      tpu.wait_indirect_dma semaphore(%arg16 : memref<!tpu.dma_semaphore, #tpu.memory_space<semaphore_mem>>) src(%arg7 : memref<128x128xf32, #tpu.memory_space<vmem>>) dst(%dma_wait3A_349 : memref<10240x128xf32, #tpu.memory_space<vmem_shared>>)
      %add3A_350 = arith.constant 2 : i32
      %add3A_351 = arith.addi %add3A_328, %add3A_350 : i32
      %mul3A_352 = arith.constant 80 : i32
      %mul3A_353 = arith.muli %add3A, %mul3A_352 : i32
      %add3A_354 = arith.addi %mul3A_353, %add3A_351 : i32
      %dma_start3A_355 = arith.constant 8 : i32
      %dma_start3A_356 = arith.constant 0 : i32
      %dma_start3A_357 = tpu.memref_slice %arg6[%dma_start3A_355, %dma_start3A_356] : memref<32x128xi32, #tpu.memory_space<vmem>> -> memref<2x128xi32, #tpu.memory_space<vmem>>
      %dma_start3A_358 = arith.constant 0 : i32
      %dma_start3A_359 = arith.constant 0 : i32
      %dma_start3A_360 = tpu.memref_slice %arg3[%add3A_354, %dma_start3A_358, %dma_start3A_359] : memref<2560x2x128xi32, #tpu.memory_space<hbm>> -> memref<1x2x128xi32, #tpu.memory_space<hbm>>
      %dma_start3A_361 = tpu.memref_squeeze %dma_start3A_360 : memref<1x2x128xi32, #tpu.memory_space<hbm>> -> memref<2x128xi32, #tpu.memory_space<hbm>>
      %dma_start3A_362 = arith.constant 8 : i32
      %dma_start3A_363 = arith.constant 0 : i32
      %dma_start3A_364 = tpu.memref_slice %arg6[%dma_start3A_362, %dma_start3A_363] : memref<32x128xi32, #tpu.memory_space<vmem>> -> memref<2x128xi32, #tpu.memory_space<vmem>>
      %dma_start3A_365 = arith.constant 0 : i32
      %dma_start3A_366 = arith.constant 0 : i32
      %dma_start3A_367 = tpu.memref_slice %arg3[%add3A_354, %dma_start3A_365, %dma_start3A_366] : memref<2560x2x128xi32, #tpu.memory_space<hbm>> -> memref<1x2x128xi32, #tpu.memory_space<hbm>>
      %dma_start3A_368 = tpu.memref_squeeze %dma_start3A_367 : memref<1x2x128xi32, #tpu.memory_space<hbm>> -> memref<2x128xi32, #tpu.memory_space<hbm>>
      tpu.enqueue_dma source(%dma_start3A_368 : memref<2x128xi32, #tpu.memory_space<hbm>>) target(%dma_start3A_364 : memref<2x128xi32, #tpu.memory_space<vmem>>) target_semaphore(%arg11 : memref<!tpu.dma_semaphore, #tpu.memory_space<semaphore_mem>>)
      %dma_wait3A_369 = arith.constant 0 : i32
      %dma_wait3A_370 = arith.constant 0 : i32
      %dma_wait3A_371 = arith.constant 0 : i32
      %dma_wait3A_372 = tpu.memref_slice %arg6[%dma_wait3A_370, %dma_wait3A_371] : memref<32x128xi32, #tpu.memory_space<vmem>> -> memref<2x128xi32, #tpu.memory_space<vmem>>
      %dma_wait3A_373 = arith.constant 0 : i32
      %dma_wait3A_374 = arith.constant 0 : i32
      %dma_wait3A_375 = tpu.memref_slice %arg3[%dma_wait3A_369, %dma_wait3A_373, %dma_wait3A_374] : memref<2560x2x128xi32, #tpu.memory_space<hbm>> -> memref<1x2x128xi32, #tpu.memory_space<hbm>>
      %dma_wait3A_376 = tpu.memref_squeeze %dma_wait3A_375 : memref<1x2x128xi32, #tpu.memory_space<hbm>> -> memref<2x128xi32, #tpu.memory_space<hbm>>
      %dma_wait3A_377 = arith.constant 0 : i32
      %dma_wait3A_378 = arith.constant 0 : i32
      %dma_wait3A_379 = tpu.memref_slice %arg6[%dma_wait3A_377, %dma_wait3A_378] : memref<32x128xi32, #tpu.memory_space<vmem>> -> memref<2x128xi32, #tpu.memory_space<vmem>>
      %dma_wait3A_380 = arith.constant 0 : i32
      %dma_wait3A_381 = arith.constant 0 : i32
      %dma_wait3A_382 = tpu.memref_slice %arg3[%dma_wait3A_369, %dma_wait3A_380, %dma_wait3A_381] : memref<2560x2x128xi32, #tpu.memory_space<hbm>> -> memref<1x2x128xi32, #tpu.memory_space<hbm>>
      %dma_wait3A_383 = tpu.memref_squeeze %dma_wait3A_382 : memref<1x2x128xi32, #tpu.memory_space<hbm>> -> memref<2x128xi32, #tpu.memory_space<hbm>>
      tpu.wait_dma2 semaphore(%arg10 : memref<!tpu.dma_semaphore, #tpu.memory_space<semaphore_mem>>) src(%dma_wait3A_383 : memref<2x128xi32, #tpu.memory_space<hbm>>) dst(%dma_wait3A_379 : memref<2x128xi32, #tpu.memory_space<vmem>>)
      %add3A_384 = arith.constant 1 : i32
      %add3A_385 = arith.addi %add3A_328, %add3A_384 : i32
      %dma_start3A_386 = arith.constant 0 : i32
      %dma_start3A_387 = arith.constant 0 : i32
      %dma_start3A_388 = tpu.memref_slice %arg6[%dma_start3A_386, %dma_start3A_387] : memref<32x128xi32, #tpu.memory_space<vmem>> -> memref<1x128xi32, #tpu.memory_space<vmem>>
      %dma_start3A_389 = tpu.memref_squeeze %dma_start3A_388 : memref<1x128xi32, #tpu.memory_space<vmem>> -> memref<128xi32, #tpu.memory_space<vmem>>
      %dma_start3A_390 = arith.constant 0 : i32
      %dma_start3A_391 = arith.constant 0 : i32
      %dma_start3A_392 = tpu.memref_slice %arg2[%dma_start3A_390, %dma_start3A_391] : memref<10000x128xf32, #tpu.memory_space<hbm>> -> memref<10000x128xf32, #tpu.memory_space<hbm>>
      tpu.enqueue_indirect_dma source(%dma_start3A_392 : memref<10000x128xf32, #tpu.memory_space<hbm>>) target(%arg7 : memref<128x128xf32, #tpu.memory_space<vmem>>) offsets(%dma_start3A_389 : memref<128xi32, #tpu.memory_space<vmem>>) semaphore(%arg14 : memref<!tpu.dma_semaphore, #tpu.memory_space<semaphore_mem>>)
      %add3A_393 = arith.constant 2 : i32
      %add3A_394 = arith.addi %add3A_260, %add3A_393 : i32
      %dma_wait3A_395 = arith.constant 0 : i32
      %dma_wait3A_396 = arith.constant 0 : i32
      %dma_wait3A_397 = tpu.memref_slice %arg6[%dma_wait3A_395, %dma_wait3A_396] : memref<32x128xi32, #tpu.memory_space<vmem>> -> memref<1x128xi32, #tpu.memory_space<vmem>>
      %dma_wait3A_398 = tpu.memref_squeeze %dma_wait3A_397 : memref<1x128xi32, #tpu.memory_space<vmem>> -> memref<128xi32, #tpu.memory_space<vmem>>
      %dma_wait3A_399 = arith.constant 0 : i32
      %dma_wait3A_400 = arith.constant 0 : i32
      %dma_wait3A_401 = tpu.memref_slice %arg2[%dma_wait3A_399, %dma_wait3A_400] : memref<10000x128xf32, #tpu.memory_space<hbm>> -> memref<10000x128xf32, #tpu.memory_space<hbm>>
      tpu.wait_indirect_dma semaphore(%arg14 : memref<!tpu.dma_semaphore, #tpu.memory_space<semaphore_mem>>) src(%dma_wait3A_401 : memref<10000x128xf32, #tpu.memory_space<hbm>>) dst(%arg7 : memref<128x128xf32, #tpu.memory_space<vmem>>)
      %dma_start3A_402 = arith.constant 1 : i32
      %dma_start3A_403 = arith.constant 0 : i32
      %dma_start3A_404 = tpu.memref_slice %arg6[%dma_start3A_402, %dma_start3A_403] : memref<32x128xi32, #tpu.memory_space<vmem>> -> memref<1x128xi32, #tpu.memory_space<vmem>>
      %dma_start3A_405 = tpu.memref_squeeze %dma_start3A_404 : memref<1x128xi32, #tpu.memory_space<vmem>> -> memref<128xi32, #tpu.memory_space<vmem>>
      %dma_start3A_406 = arith.constant 0 : i32
      %dma_start3A_407 = arith.constant 0 : i32
      %dma_start3A_408 = tpu.memref_slice %arg9[%dma_start3A_406, %dma_start3A_407] : memref<10240x128xf32, #tpu.memory_space<vmem_shared>> -> memref<10240x128xf32, #tpu.memory_space<vmem_shared>>
      tpu.enqueue_indirect_dma source(%arg7 : memref<128x128xf32, #tpu.memory_space<vmem>>) target(%dma_start3A_408 : memref<10240x128xf32, #tpu.memory_space<vmem_shared>>) offsets(%dma_start3A_405 : memref<128xi32, #tpu.memory_space<vmem>>) semaphore(%arg16 : memref<!tpu.dma_semaphore, #tpu.memory_space<semaphore_mem>>) {add = true}
      %dma_wait3A_409 = arith.constant 1 : i32
      %dma_wait3A_410 = arith.constant 0 : i32
      %dma_wait3A_411 = tpu.memref_slice %arg6[%dma_wait3A_409, %dma_wait3A_410] : memref<32x128xi32, #tpu.memory_space<vmem>> -> memref<1x128xi32, #tpu.memory_space<vmem>>
      %dma_wait3A_412 = tpu.memref_squeeze %dma_wait3A_411 : memref<1x128xi32, #tpu.memory_space<vmem>> -> memref<128xi32, #tpu.memory_space<vmem>>
      %dma_wait3A_413 = arith.constant 0 : i32
      %dma_wait3A_414 = arith.constant 0 : i32
      %dma_wait3A_415 = tpu.memref_slice %arg9[%dma_wait3A_413, %dma_wait3A_414] : memref<10240x128xf32, #tpu.memory_space<vmem_shared>> -> memref<10240x128xf32, #tpu.memory_space<vmem_shared>>
      tpu.wait_indirect_dma semaphore(%arg17 : memref<!tpu.dma_semaphore, #tpu.memory_space<semaphore_mem>>) src(%arg8 : memref<128x128xf32, #tpu.memory_space<vmem>>) dst(%dma_wait3A_415 : memref<10240x128xf32, #tpu.memory_space<vmem_shared>>)
      %add3A_416 = arith.constant 2 : i32
      %add3A_417 = arith.addi %add3A_394, %add3A_416 : i32
      %mul3A_418 = arith.constant 80 : i32
      %mul3A_419 = arith.muli %add3A, %mul3A_418 : i32
      %add3A_420 = arith.addi %mul3A_419, %add3A_417 : i32
      %dma_start3A_421 = arith.constant 16 : i32
      %dma_start3A_422 = arith.constant 0 : i32
      %dma_start3A_423 = tpu.memref_slice %arg6[%dma_start3A_421, %dma_start3A_422] : memref<32x128xi32, #tpu.memory_space<vmem>> -> memref<2x128xi32, #tpu.memory_space<vmem>>
      %dma_start3A_424 = arith.constant 0 : i32
      %dma_start3A_425 = arith.constant 0 : i32
      %dma_start3A_426 = tpu.memref_slice %arg3[%add3A_420, %dma_start3A_424, %dma_start3A_425] : memref<2560x2x128xi32, #tpu.memory_space<hbm>> -> memref<1x2x128xi32, #tpu.memory_space<hbm>>
      %dma_start3A_427 = tpu.memref_squeeze %dma_start3A_426 : memref<1x2x128xi32, #tpu.memory_space<hbm>> -> memref<2x128xi32, #tpu.memory_space<hbm>>
      %dma_start3A_428 = arith.constant 16 : i32
      %dma_start3A_429 = arith.constant 0 : i32
      %dma_start3A_430 = tpu.memref_slice %arg6[%dma_start3A_428, %dma_start3A_429] : memref<32x128xi32, #tpu.memory_space<vmem>> -> memref<2x128xi32, #tpu.memory_space<vmem>>
      %dma_start3A_431 = arith.constant 0 : i32
      %dma_start3A_432 = arith.constant 0 : i32
      %dma_start3A_433 = tpu.memref_slice %arg3[%add3A_420, %dma_start3A_431, %dma_start3A_432] : memref<2560x2x128xi32, #tpu.memory_space<hbm>> -> memref<1x2x128xi32, #tpu.memory_space<hbm>>
      %dma_start3A_434 = tpu.memref_squeeze %dma_start3A_433 : memref<1x2x128xi32, #tpu.memory_space<hbm>> -> memref<2x128xi32, #tpu.memory_space<hbm>>
      tpu.enqueue_dma source(%dma_start3A_434 : memref<2x128xi32, #tpu.memory_space<hbm>>) target(%dma_start3A_430 : memref<2x128xi32, #tpu.memory_space<vmem>>) target_semaphore(%arg12 : memref<!tpu.dma_semaphore, #tpu.memory_space<semaphore_mem>>)
      %dma_wait3A_435 = arith.constant 0 : i32
      %dma_wait3A_436 = arith.constant 8 : i32
      %dma_wait3A_437 = arith.constant 0 : i32
      %dma_wait3A_438 = tpu.memref_slice %arg6[%dma_wait3A_436, %dma_wait3A_437] : memref<32x128xi32, #tpu.memory_space<vmem>> -> memref<2x128xi32, #tpu.memory_space<vmem>>
      %dma_wait3A_439 = arith.constant 0 : i32
      %dma_wait3A_440 = arith.constant 0 : i32
      %dma_wait3A_441 = tpu.memref_slice %arg3[%dma_wait3A_435, %dma_wait3A_439, %dma_wait3A_440] : memref<2560x2x128xi32, #tpu.memory_space<hbm>> -> memref<1x2x128xi32, #tpu.memory_space<hbm>>
      %dma_wait3A_442 = tpu.memref_squeeze %dma_wait3A_441 : memref<1x2x128xi32, #tpu.memory_space<hbm>> -> memref<2x128xi32, #tpu.memory_space<hbm>>
      %dma_wait3A_443 = arith.constant 8 : i32
      %dma_wait3A_444 = arith.constant 0 : i32
      %dma_wait3A_445 = tpu.memref_slice %arg6[%dma_wait3A_443, %dma_wait3A_444] : memref<32x128xi32, #tpu.memory_space<vmem>> -> memref<2x128xi32, #tpu.memory_space<vmem>>
      %dma_wait3A_446 = arith.constant 0 : i32
      %dma_wait3A_447 = arith.constant 0 : i32
      %dma_wait3A_448 = tpu.memref_slice %arg3[%dma_wait3A_435, %dma_wait3A_446, %dma_wait3A_447] : memref<2560x2x128xi32, #tpu.memory_space<hbm>> -> memref<1x2x128xi32, #tpu.memory_space<hbm>>
      %dma_wait3A_449 = tpu.memref_squeeze %dma_wait3A_448 : memref<1x2x128xi32, #tpu.memory_space<hbm>> -> memref<2x128xi32, #tpu.memory_space<hbm>>
      tpu.wait_dma2 semaphore(%arg11 : memref<!tpu.dma_semaphore, #tpu.memory_space<semaphore_mem>>) src(%dma_wait3A_449 : memref<2x128xi32, #tpu.memory_space<hbm>>) dst(%dma_wait3A_445 : memref<2x128xi32, #tpu.memory_space<vmem>>)
      %add3A_450 = arith.constant 1 : i32
      %add3A_451 = arith.addi %add3A_394, %add3A_450 : i32
      %dma_start3A_452 = arith.constant 8 : i32
      %dma_start3A_453 = arith.constant 0 : i32
      %dma_start3A_454 = tpu.memref_slice %arg6[%dma_start3A_452, %dma_start3A_453] : memref<32x128xi32, #tpu.memory_space<vmem>> -> memref<1x128xi32, #tpu.memory_space<vmem>>
      %dma_start3A_455 = tpu.memref_squeeze %dma_start3A_454 : memref<1x128xi32, #tpu.memory_space<vmem>> -> memref<128xi32, #tpu.memory_space<vmem>>
      %dma_start3A_456 = arith.constant 0 : i32
      %dma_start3A_457 = arith.constant 0 : i32
      %dma_start3A_458 = tpu.memref_slice %arg2[%dma_start3A_456, %dma_start3A_457] : memref<10000x128xf32, #tpu.memory_space<hbm>> -> memref<10000x128xf32, #tpu.memory_space<hbm>>
      tpu.enqueue_indirect_dma source(%dma_start3A_458 : memref<10000x128xf32, #tpu.memory_space<hbm>>) target(%arg8 : memref<128x128xf32, #tpu.memory_space<vmem>>) offsets(%dma_start3A_455 : memref<128xi32, #tpu.memory_space<vmem>>) semaphore(%arg15 : memref<!tpu.dma_semaphore, #tpu.memory_space<semaphore_mem>>)
      %add3A_459 = arith.constant 3 : i32
      %add3A_460 = arith.addi %add3A_260, %add3A_459 : i32
      %dma_wait3A_461 = arith.constant 0 : i32
      %dma_wait3A_462 = arith.constant 0 : i32
      %dma_wait3A_463 = tpu.memref_slice %arg6[%dma_wait3A_461, %dma_wait3A_462] : memref<32x128xi32, #tpu.memory_space<vmem>> -> memref<1x128xi32, #tpu.memory_space<vmem>>
      %dma_wait3A_464 = tpu.memref_squeeze %dma_wait3A_463 : memref<1x128xi32, #tpu.memory_space<vmem>> -> memref<128xi32, #tpu.memory_space<vmem>>
      %dma_wait3A_465 = arith.constant 0 : i32
      %dma_wait3A_466 = arith.constant 0 : i32
      %dma_wait3A_467 = tpu.memref_slice %arg2[%dma_wait3A_465, %dma_wait3A_466] : memref<10000x128xf32, #tpu.memory_space<hbm>> -> memref<10000x128xf32, #tpu.memory_space<hbm>>
      tpu.wait_indirect_dma semaphore(%arg15 : memref<!tpu.dma_semaphore, #tpu.memory_space<semaphore_mem>>) src(%dma_wait3A_467 : memref<10000x128xf32, #tpu.memory_space<hbm>>) dst(%arg8 : memref<128x128xf32, #tpu.memory_space<vmem>>)
      %dma_start3A_468 = arith.constant 9 : i32
      %dma_start3A_469 = arith.constant 0 : i32
      %dma_start3A_470 = tpu.memref_slice %arg6[%dma_start3A_468, %dma_start3A_469] : memref<32x128xi32, #tpu.memory_space<vmem>> -> memref<1x128xi32, #tpu.memory_space<vmem>>
      %dma_start3A_471 = tpu.memref_squeeze %dma_start3A_470 : memref<1x128xi32, #tpu.memory_space<vmem>> -> memref<128xi32, #tpu.memory_space<vmem>>
      %dma_start3A_472 = arith.constant 0 : i32
      %dma_start3A_473 = arith.constant 0 : i32
      %dma_start3A_474 = tpu.memref_slice %arg9[%dma_start3A_472, %dma_start3A_473] : memref<10240x128xf32, #tpu.memory_space<vmem_shared>> -> memref<10240x128xf32, #tpu.memory_space<vmem_shared>>
      tpu.enqueue_indirect_dma source(%arg8 : memref<128x128xf32, #tpu.memory_space<vmem>>) target(%dma_start3A_474 : memref<10240x128xf32, #tpu.memory_space<vmem_shared>>) offsets(%dma_start3A_471 : memref<128xi32, #tpu.memory_space<vmem>>) semaphore(%arg17 : memref<!tpu.dma_semaphore, #tpu.memory_space<semaphore_mem>>) {add = true}
      %dma_wait3A_475 = arith.constant 1 : i32
      %dma_wait3A_476 = arith.constant 0 : i32
      %dma_wait3A_477 = tpu.memref_slice %arg6[%dma_wait3A_475, %dma_wait3A_476] : memref<32x128xi32, #tpu.memory_space<vmem>> -> memref<1x128xi32, #tpu.memory_space<vmem>>
      %dma_wait3A_478 = tpu.memref_squeeze %dma_wait3A_477 : memref<1x128xi32, #tpu.memory_space<vmem>> -> memref<128xi32, #tpu.memory_space<vmem>>
      %dma_wait3A_479 = arith.constant 0 : i32
      %dma_wait3A_480 = arith.constant 0 : i32
      %dma_wait3A_481 = tpu.memref_slice %arg9[%dma_wait3A_479, %dma_wait3A_480] : memref<10240x128xf32, #tpu.memory_space<vmem_shared>> -> memref<10240x128xf32, #tpu.memory_space<vmem_shared>>
      tpu.wait_indirect_dma semaphore(%arg16 : memref<!tpu.dma_semaphore, #tpu.memory_space<semaphore_mem>>) src(%arg7 : memref<128x128xf32, #tpu.memory_space<vmem>>) dst(%dma_wait3A_481 : memref<10240x128xf32, #tpu.memory_space<vmem_shared>>)
      %add3A_482 = arith.constant 2 : i32
      %add3A_483 = arith.addi %add3A_460, %add3A_482 : i32
      %mul3A_484 = arith.constant 80 : i32
      %mul3A_485 = arith.muli %add3A, %mul3A_484 : i32
      %add3A_486 = arith.addi %mul3A_485, %add3A_483 : i32
      %dma_start3A_487 = arith.constant 24 : i32
      %dma_start3A_488 = arith.constant 0 : i32
      %dma_start3A_489 = tpu.memref_slice %arg6[%dma_start3A_487, %dma_start3A_488] : memref<32x128xi32, #tpu.memory_space<vmem>> -> memref<2x128xi32, #tpu.memory_space<vmem>>
      %dma_start3A_490 = arith.constant 0 : i32
      %dma_start3A_491 = arith.constant 0 : i32
      %dma_start3A_492 = tpu.memref_slice %arg3[%add3A_486, %dma_start3A_490, %dma_start3A_491] : memref<2560x2x128xi32, #tpu.memory_space<hbm>> -> memref<1x2x128xi32, #tpu.memory_space<hbm>>
      %dma_start3A_493 = tpu.memref_squeeze %dma_start3A_492 : memref<1x2x128xi32, #tpu.memory_space<hbm>> -> memref<2x128xi32, #tpu.memory_space<hbm>>
      %dma_start3A_494 = arith.constant 24 : i32
      %dma_start3A_495 = arith.constant 0 : i32
      %dma_start3A_496 = tpu.memref_slice %arg6[%dma_start3A_494, %dma_start3A_495] : memref<32x128xi32, #tpu.memory_space<vmem>> -> memref<2x128xi32, #tpu.memory_space<vmem>>
      %dma_start3A_497 = arith.constant 0 : i32
      %dma_start3A_498 = arith.constant 0 : i32
      %dma_start3A_499 = tpu.memref_slice %arg3[%add3A_486, %dma_start3A_497, %dma_start3A_498] : memref<2560x2x128xi32, #tpu.memory_space<hbm>> -> memref<1x2x128xi32, #tpu.memory_space<hbm>>
      %dma_start3A_500 = tpu.memref_squeeze %dma_start3A_499 : memref<1x2x128xi32, #tpu.memory_space<hbm>> -> memref<2x128xi32, #tpu.memory_space<hbm>>
      tpu.enqueue_dma source(%dma_start3A_500 : memref<2x128xi32, #tpu.memory_space<hbm>>) target(%dma_start3A_496 : memref<2x128xi32, #tpu.memory_space<vmem>>) target_semaphore(%arg13 : memref<!tpu.dma_semaphore, #tpu.memory_space<semaphore_mem>>)
      %dma_wait3A_501 = arith.constant 0 : i32
      %dma_wait3A_502 = arith.constant 16 : i32
      %dma_wait3A_503 = arith.constant 0 : i32
      %dma_wait3A_504 = tpu.memref_slice %arg6[%dma_wait3A_502, %dma_wait3A_503] : memref<32x128xi32, #tpu.memory_space<vmem>> -> memref<2x128xi32, #tpu.memory_space<vmem>>
      %dma_wait3A_505 = arith.constant 0 : i32
      %dma_wait3A_506 = arith.constant 0 : i32
      %dma_wait3A_507 = tpu.memref_slice %arg3[%dma_wait3A_501, %dma_wait3A_505, %dma_wait3A_506] : memref<2560x2x128xi32, #tpu.memory_space<hbm>> -> memref<1x2x128xi32, #tpu.memory_space<hbm>>
      %dma_wait3A_508 = tpu.memref_squeeze %dma_wait3A_507 : memref<1x2x128xi32, #tpu.memory_space<hbm>> -> memref<2x128xi32, #tpu.memory_space<hbm>>
      %dma_wait3A_509 = arith.constant 16 : i32
      %dma_wait3A_510 = arith.constant 0 : i32
      %dma_wait3A_511 = tpu.memref_slice %arg6[%dma_wait3A_509, %dma_wait3A_510] : memref<32x128xi32, #tpu.memory_space<vmem>> -> memref<2x128xi32, #tpu.memory_space<vmem>>
      %dma_wait3A_512 = arith.constant 0 : i32
      %dma_wait3A_513 = arith.constant 0 : i32
      %dma_wait3A_514 = tpu.memref_slice %arg3[%dma_wait3A_501, %dma_wait3A_512, %dma_wait3A_513] : memref<2560x2x128xi32, #tpu.memory_space<hbm>> -> memref<1x2x128xi32, #tpu.memory_space<hbm>>
      %dma_wait3A_515 = tpu.memref_squeeze %dma_wait3A_514 : memref<1x2x128xi32, #tpu.memory_space<hbm>> -> memref<2x128xi32, #tpu.memory_space<hbm>>
      tpu.wait_dma2 semaphore(%arg12 : memref<!tpu.dma_semaphore, #tpu.memory_space<semaphore_mem>>) src(%dma_wait3A_515 : memref<2x128xi32, #tpu.memory_space<hbm>>) dst(%dma_wait3A_511 : memref<2x128xi32, #tpu.memory_space<vmem>>)
      %add3A_516 = arith.constant 1 : i32
      %add3A_517 = arith.addi %add3A_460, %add3A_516 : i32
      %dma_start3A_518 = arith.constant 16 : i32
      %dma_start3A_519 = arith.constant 0 : i32
      %dma_start3A_520 = tpu.memref_slice %arg6[%dma_start3A_518, %dma_start3A_519] : memref<32x128xi32, #tpu.memory_space<vmem>> -> memref<1x128xi32, #tpu.memory_space<vmem>>
      %dma_start3A_521 = tpu.memref_squeeze %dma_start3A_520 : memref<1x128xi32, #tpu.memory_space<vmem>> -> memref<128xi32, #tpu.memory_space<vmem>>
      %dma_start3A_522 = arith.constant 0 : i32
      %dma_start3A_523 = arith.constant 0 : i32
      %dma_start3A_524 = tpu.memref_slice %arg2[%dma_start3A_522, %dma_start3A_523] : memref<10000x128xf32, #tpu.memory_space<hbm>> -> memref<10000x128xf32, #tpu.memory_space<hbm>>
      tpu.enqueue_indirect_dma source(%dma_start3A_524 : memref<10000x128xf32, #tpu.memory_space<hbm>>) target(%arg7 : memref<128x128xf32, #tpu.memory_space<vmem>>) offsets(%dma_start3A_521 : memref<128xi32, #tpu.memory_space<vmem>>) semaphore(%arg14 : memref<!tpu.dma_semaphore, #tpu.memory_space<semaphore_mem>>)
    }
    %scan3A_179 = arith.constant 19 : i32
    %dma_wait3A_180 = arith.constant 0 : i32
    %dma_wait3A_181 = arith.constant 0 : i32
    %dma_wait3A_182 = tpu.memref_slice %arg6[%dma_wait3A_180, %dma_wait3A_181] : memref<32x128xi32, #tpu.memory_space<vmem>> -> memref<1x128xi32, #tpu.memory_space<vmem>>
    %dma_wait3A_183 = tpu.memref_squeeze %dma_wait3A_182 : memref<1x128xi32, #tpu.memory_space<vmem>> -> memref<128xi32, #tpu.memory_space<vmem>>
    %dma_wait3A_184 = arith.constant 0 : i32
    %dma_wait3A_185 = arith.constant 0 : i32
    %dma_wait3A_186 = tpu.memref_slice %arg2[%dma_wait3A_184, %dma_wait3A_185] : memref<10000x128xf32, #tpu.memory_space<hbm>> -> memref<10000x128xf32, #tpu.memory_space<hbm>>
    tpu.wait_indirect_dma semaphore(%arg14 : memref<!tpu.dma_semaphore, #tpu.memory_space<semaphore_mem>>) src(%dma_wait3A_186 : memref<10000x128xf32, #tpu.memory_space<hbm>>) dst(%arg7 : memref<128x128xf32, #tpu.memory_space<vmem>>)
    %dma_start3A_187 = arith.constant 17 : i32
    %dma_start3A_188 = arith.constant 0 : i32
    %dma_start3A_189 = tpu.memref_slice %arg6[%dma_start3A_187, %dma_start3A_188] : memref<32x128xi32, #tpu.memory_space<vmem>> -> memref<1x128xi32, #tpu.memory_space<vmem>>
    %dma_start3A_190 = tpu.memref_squeeze %dma_start3A_189 : memref<1x128xi32, #tpu.memory_space<vmem>> -> memref<128xi32, #tpu.memory_space<vmem>>
    %dma_start3A_191 = arith.constant 0 : i32
    %dma_start3A_192 = arith.constant 0 : i32
    %dma_start3A_193 = tpu.memref_slice %arg9[%dma_start3A_191, %dma_start3A_192] : memref<10240x128xf32, #tpu.memory_space<vmem_shared>> -> memref<10240x128xf32, #tpu.memory_space<vmem_shared>>
    tpu.enqueue_indirect_dma source(%arg7 : memref<128x128xf32, #tpu.memory_space<vmem>>) target(%dma_start3A_193 : memref<10240x128xf32, #tpu.memory_space<vmem_shared>>) offsets(%dma_start3A_190 : memref<128xi32, #tpu.memory_space<vmem>>) semaphore(%arg16 : memref<!tpu.dma_semaphore, #tpu.memory_space<semaphore_mem>>) {add = true}
    %dma_wait3A_194 = arith.constant 1 : i32
    %dma_wait3A_195 = arith.constant 0 : i32
    %dma_wait3A_196 = tpu.memref_slice %arg6[%dma_wait3A_194, %dma_wait3A_195] : memref<32x128xi32, #tpu.memory_space<vmem>> -> memref<1x128xi32, #tpu.memory_space<vmem>>
    %dma_wait3A_197 = tpu.memref_squeeze %dma_wait3A_196 : memref<1x128xi32, #tpu.memory_space<vmem>> -> memref<128xi32, #tpu.memory_space<vmem>>
    %dma_wait3A_198 = arith.constant 0 : i32
    %dma_wait3A_199 = arith.constant 0 : i32
    %dma_wait3A_200 = tpu.memref_slice %arg9[%dma_wait3A_198, %dma_wait3A_199] : memref<10240x128xf32, #tpu.memory_space<vmem_shared>> -> memref<10240x128xf32, #tpu.memory_space<vmem_shared>>
    tpu.wait_indirect_dma semaphore(%arg17 : memref<!tpu.dma_semaphore, #tpu.memory_space<semaphore_mem>>) src(%arg8 : memref<128x128xf32, #tpu.memory_space<vmem>>) dst(%dma_wait3A_200 : memref<10240x128xf32, #tpu.memory_space<vmem_shared>>)
    %dma_wait3A_201 = arith.constant 0 : i32
    %dma_wait3A_202 = arith.constant 24 : i32
    %dma_wait3A_203 = arith.constant 0 : i32
    %dma_wait3A_204 = tpu.memref_slice %arg6[%dma_wait3A_202, %dma_wait3A_203] : memref<32x128xi32, #tpu.memory_space<vmem>> -> memref<2x128xi32, #tpu.memory_space<vmem>>
    %dma_wait3A_205 = arith.constant 0 : i32
    %dma_wait3A_206 = arith.constant 0 : i32
    %dma_wait3A_207 = tpu.memref_slice %arg3[%dma_wait3A_201, %dma_wait3A_205, %dma_wait3A_206] : memref<2560x2x128xi32, #tpu.memory_space<hbm>> -> memref<1x2x128xi32, #tpu.memory_space<hbm>>
    %dma_wait3A_208 = tpu.memref_squeeze %dma_wait3A_207 : memref<1x2x128xi32, #tpu.memory_space<hbm>> -> memref<2x128xi32, #tpu.memory_space<hbm>>
    %dma_wait3A_209 = arith.constant 24 : i32
    %dma_wait3A_210 = arith.constant 0 : i32
    %dma_wait3A_211 = tpu.memref_slice %arg6[%dma_wait3A_209, %dma_wait3A_210] : memref<32x128xi32, #tpu.memory_space<vmem>> -> memref<2x128xi32, #tpu.memory_space<vmem>>
    %dma_wait3A_212 = arith.constant 0 : i32
    %dma_wait3A_213 = arith.constant 0 : i32
    %dma_wait3A_214 = tpu.memref_slice %arg3[%dma_wait3A_201, %dma_wait3A_212, %dma_wait3A_213] : memref<2560x2x128xi32, #tpu.memory_space<hbm>> -> memref<1x2x128xi32, #tpu.memory_space<hbm>>
    %dma_wait3A_215 = tpu.memref_squeeze %dma_wait3A_214 : memref<1x2x128xi32, #tpu.memory_space<hbm>> -> memref<2x128xi32, #tpu.memory_space<hbm>>
    tpu.wait_dma2 semaphore(%arg13 : memref<!tpu.dma_semaphore, #tpu.memory_space<semaphore_mem>>) src(%dma_wait3A_215 : memref<2x128xi32, #tpu.memory_space<hbm>>) dst(%dma_wait3A_211 : memref<2x128xi32, #tpu.memory_space<vmem>>)
    %dma_start3A_216 = arith.constant 24 : i32
    %dma_start3A_217 = arith.constant 0 : i32
    %dma_start3A_218 = tpu.memref_slice %arg6[%dma_start3A_216, %dma_start3A_217] : memref<32x128xi32, #tpu.memory_space<vmem>> -> memref<1x128xi32, #tpu.memory_space<vmem>>
    %dma_start3A_219 = tpu.memref_squeeze %dma_start3A_218 : memref<1x128xi32, #tpu.memory_space<vmem>> -> memref<128xi32, #tpu.memory_space<vmem>>
    %dma_start3A_220 = arith.constant 0 : i32
    %dma_start3A_221 = arith.constant 0 : i32
    %dma_start3A_222 = tpu.memref_slice %arg2[%dma_start3A_220, %dma_start3A_221] : memref<10000x128xf32, #tpu.memory_space<hbm>> -> memref<10000x128xf32, #tpu.memory_space<hbm>>
    tpu.enqueue_indirect_dma source(%dma_start3A_222 : memref<10000x128xf32, #tpu.memory_space<hbm>>) target(%arg8 : memref<128x128xf32, #tpu.memory_space<vmem>>) offsets(%dma_start3A_219 : memref<128xi32, #tpu.memory_space<vmem>>) semaphore(%arg15 : memref<!tpu.dma_semaphore, #tpu.memory_space<semaphore_mem>>)
    %dma_wait3A_223 = arith.constant 0 : i32
    %dma_wait3A_224 = arith.constant 0 : i32
    %dma_wait3A_225 = tpu.memref_slice %arg6[%dma_wait3A_223, %dma_wait3A_224] : memref<32x128xi32, #tpu.memory_space<vmem>> -> memref<1x128xi32, #tpu.memory_space<vmem>>
    %dma_wait3A_226 = tpu.memref_squeeze %dma_wait3A_225 : memref<1x128xi32, #tpu.memory_space<vmem>> -> memref<128xi32, #tpu.memory_space<vmem>>
    %dma_wait3A_227 = arith.constant 0 : i32
    %dma_wait3A_228 = arith.constant 0 : i32
    %dma_wait3A_229 = tpu.memref_slice %arg2[%dma_wait3A_227, %dma_wait3A_228] : memref<10000x128xf32, #tpu.memory_space<hbm>> -> memref<10000x128xf32, #tpu.memory_space<hbm>>
    tpu.wait_indirect_dma semaphore(%arg15 : memref<!tpu.dma_semaphore, #tpu.memory_space<semaphore_mem>>) src(%dma_wait3A_229 : memref<10000x128xf32, #tpu.memory_space<hbm>>) dst(%arg8 : memref<128x128xf32, #tpu.memory_space<vmem>>)
    %dma_start3A_230 = arith.constant 25 : i32
    %dma_start3A_231 = arith.constant 0 : i32
    %dma_start3A_232 = tpu.memref_slice %arg6[%dma_start3A_230, %dma_start3A_231] : memref<32x128xi32, #tpu.memory_space<vmem>> -> memref<1x128xi32, #tpu.memory_space<vmem>>
    %dma_start3A_233 = tpu.memref_squeeze %dma_start3A_232 : memref<1x128xi32, #tpu.memory_space<vmem>> -> memref<128xi32, #tpu.memory_space<vmem>>
    %dma_start3A_234 = arith.constant 0 : i32
    %dma_start3A_235 = arith.constant 0 : i32
    %dma_start3A_236 = tpu.memref_slice %arg9[%dma_start3A_234, %dma_start3A_235] : memref<10240x128xf32, #tpu.memory_space<vmem_shared>> -> memref<10240x128xf32, #tpu.memory_space<vmem_shared>>
    tpu.enqueue_indirect_dma source(%arg8 : memref<128x128xf32, #tpu.memory_space<vmem>>) target(%dma_start3A_236 : memref<10240x128xf32, #tpu.memory_space<vmem_shared>>) offsets(%dma_start3A_233 : memref<128xi32, #tpu.memory_space<vmem>>) semaphore(%arg17 : memref<!tpu.dma_semaphore, #tpu.memory_space<semaphore_mem>>) {add = true}
    %dma_wait3A_237 = arith.constant 1 : i32
    %dma_wait3A_238 = arith.constant 0 : i32
    %dma_wait3A_239 = tpu.memref_slice %arg6[%dma_wait3A_237, %dma_wait3A_238] : memref<32x128xi32, #tpu.memory_space<vmem>> -> memref<1x128xi32, #tpu.memory_space<vmem>>
    %dma_wait3A_240 = tpu.memref_squeeze %dma_wait3A_239 : memref<1x128xi32, #tpu.memory_space<vmem>> -> memref<128xi32, #tpu.memory_space<vmem>>
    %dma_wait3A_241 = arith.constant 0 : i32
    %dma_wait3A_242 = arith.constant 0 : i32
    %dma_wait3A_243 = tpu.memref_slice %arg9[%dma_wait3A_241, %dma_wait3A_242] : memref<10240x128xf32, #tpu.memory_space<vmem_shared>> -> memref<10240x128xf32, #tpu.memory_space<vmem_shared>>
    tpu.wait_indirect_dma semaphore(%arg16 : memref<!tpu.dma_semaphore, #tpu.memory_space<semaphore_mem>>) src(%arg7 : memref<128x128xf32, #tpu.memory_space<vmem>>) dst(%dma_wait3A_243 : memref<10240x128xf32, #tpu.memory_space<vmem_shared>>)
    %dma_wait3A_244 = arith.constant 1 : i32
    %dma_wait3A_245 = arith.constant 0 : i32
    %dma_wait3A_246 = tpu.memref_slice %arg6[%dma_wait3A_244, %dma_wait3A_245] : memref<32x128xi32, #tpu.memory_space<vmem>> -> memref<1x128xi32, #tpu.memory_space<vmem>>
    %dma_wait3A_247 = tpu.memref_squeeze %dma_wait3A_246 : memref<1x128xi32, #tpu.memory_space<vmem>> -> memref<128xi32, #tpu.memory_space<vmem>>
    %dma_wait3A_248 = arith.constant 0 : i32
    %dma_wait3A_249 = arith.constant 0 : i32
    %dma_wait3A_250 = tpu.memref_slice %arg9[%dma_wait3A_248, %dma_wait3A_249] : memref<10240x128xf32, #tpu.memory_space<vmem_shared>> -> memref<10240x128xf32, #tpu.memory_space<vmem_shared>>
    tpu.wait_indirect_dma semaphore(%arg17 : memref<!tpu.dma_semaphore, #tpu.memory_space<semaphore_mem>>) src(%arg8 : memref<128x128xf32, #tpu.memory_space<vmem>>) dst(%dma_wait3A_250 : memref<10240x128xf32, #tpu.memory_space<vmem_shared>>)
    %barrier3A_251 = arith.constant 0 : index
    tpu.barrier barrier_id(%barrier3A_251)
    %mul3A_252 = arith.constant 640 : i32
    %mul3A_253 = arith.muli %arg1, %mul3A_252 : i32
    %mul3A_254 = arith.constant 640 : i32
    %mul3A_255 = arith.muli %arg1, %mul3A_254 : i32
    "tpu.region"() ({
      %run_scoped3A = tpu.sem_alloc : memref<!tpu.dma_semaphore, #tpu.memory_space<semaphore_mem>>
      %dma_start3A_256 = arith.constant 0 : i32
      %dma_start3A_257 = arith.constant 0 : i32
      %dma_start3A_258 = tpu.memref_slice %arg5[%arg0, %dma_start3A_256, %dma_start3A_257] : memref<2x10240x128xf32, #tpu.memory_space<hbm>> -> memref<1x10240x128xf32, #tpu.memory_space<hbm>>
      %dma_start3A_259 = tpu.memref_squeeze %dma_start3A_258 : memref<1x10240x128xf32, #tpu.memory_space<hbm>> -> memref<10240x128xf32, #tpu.memory_space<hbm>>
      %dma_start3A_260 = arith.constant 0 : i32
      %dma_start3A_261 = tpu.memref_slice %dma_start3A_259[%mul3A_255, %dma_start3A_260] : memref<10240x128xf32, #tpu.memory_space<hbm>> -> memref<640x128xf32, #tpu.memory_space<hbm>>
      %dma_start3A_262 = arith.constant 0 : i32
      %dma_start3A_263 = tpu.memref_slice %arg9[%mul3A_253, %dma_start3A_262] : memref<10240x128xf32, #tpu.memory_space<vmem_shared>> -> memref<640x128xf32, #tpu.memory_space<vmem_shared>>
      tpu.enqueue_dma source(%dma_start3A_263 : memref<640x128xf32, #tpu.memory_space<vmem_shared>>) target(%dma_start3A_261 : memref<640x128xf32, #tpu.memory_space<hbm>>) target_semaphore(%run_scoped3A : memref<!tpu.dma_semaphore, #tpu.memory_space<semaphore_mem>>)
      %dma_wait3A_264 = arith.constant 0 : i32
      %dma_wait3A_265 = arith.constant 0 : i32
      %dma_wait3A_266 = tpu.memref_slice %arg5[%arg0, %dma_wait3A_264, %dma_wait3A_265] : memref<2x10240x128xf32, #tpu.memory_space<hbm>> -> memref<1x10240x128xf32, #tpu.memory_space<hbm>>
      %dma_wait3A_267 = tpu.memref_squeeze %dma_wait3A_266 : memref<1x10240x128xf32, #tpu.memory_space<hbm>> -> memref<10240x128xf32, #tpu.memory_space<hbm>>
      %dma_wait3A_268 = arith.constant 0 : i32
      %dma_wait3A_269 = tpu.memref_slice %dma_wait3A_267[%mul3A_255, %dma_wait3A_268] : memref<10240x128xf32, #tpu.memory_space<hbm>> -> memref<640x128xf32, #tpu.memory_space<hbm>>
      %dma_wait3A_270 = arith.constant 0 : i32
      %dma_wait3A_271 = tpu.memref_slice %arg9[%mul3A_253, %dma_wait3A_270] : memref<10240x128xf32, #tpu.memory_space<vmem_shared>> -> memref<640x128xf32, #tpu.memory_space<vmem_shared>>
      tpu.wait_dma2 semaphore(%run_scoped3A : memref<!tpu.dma_semaphore, #tpu.memory_space<semaphore_mem>>) src(%dma_wait3A_271 : memref<640x128xf32, #tpu.memory_space<vmem_shared>>) dst(%dma_wait3A_269 : memref<640x128xf32, #tpu.memory_space<hbm>>)
      tpu.yield
    }) : () -> ()
    return
  }
}

module attributes {stable_mosaic.version = 14 : i64} {
  func.func @_tc_layer_body(%arg0: memref<10000x128xf32, #tpu.memory_space<vmem>>, %arg1: memref<2x10240x128xf32, #tpu.memory_space<vmem>>, %arg2: memref<128x128xf32, #tpu.memory_space<vmem>>, %arg3: memref<1x128xf32, #tpu.memory_space<vmem>>, %arg4: memref<128x128xf32, #tpu.memory_space<vmem>>, %arg5: memref<1x128xf32, #tpu.memory_space<vmem>>, %arg6: memref<1x128xf32, #tpu.memory_space<vmem>>, %arg7: memref<1x128xf32, #tpu.memory_space<vmem>>, %arg8: memref<10000x128xf32, #tpu.memory_space<vmem>>) attributes {dimension_semantics = [], scalar_prefetch = 0 : i64, scratch_operands = 0 : i64, tpu.core_type = #tpu.core_type<tc>} {
    %get3A = arith.constant 0 : index
    %get3A_0 = arith.constant 0 : index
    %get3A_1 = vector.load %arg0[%get3A, %get3A_0] : memref<10000x128xf32, #tpu.memory_space<vmem>>, vector<10000x128xf32>
    %get3A_2 = arith.constant 0 : index
    %get3A_3 = arith.constant 0 : index
    %get3A_4 = arith.constant 0 : index
    %get3A_5 = vector.load %arg1[%get3A_2, %get3A_3, %get3A_4] : memref<2x10240x128xf32, #tpu.memory_space<vmem>>, vector<1x10000x128xf32>
    %get3A_6 = vector.shape_cast %get3A_5 : vector<1x10000x128xf32> to vector<10000x128xf32>
    %add3A = arith.addf %get3A_1, %get3A_6 : vector<10000x128xf32>
    %get3A_7 = arith.constant 1 : index
    %get3A_8 = arith.constant 0 : index
    %get3A_9 = arith.constant 0 : index
    %get3A_10 = vector.load %arg1[%get3A_7, %get3A_8, %get3A_9] : memref<2x10240x128xf32, #tpu.memory_space<vmem>>, vector<1x10000x128xf32>
    %get3A_11 = vector.shape_cast %get3A_10 : vector<1x10000x128xf32> to vector<10000x128xf32>
    %add3A_12 = arith.addf %add3A, %get3A_11 : vector<10000x128xf32>
    %get3A_13 = arith.constant 0 : index
    %get3A_14 = arith.constant 0 : index
    %get3A_15 = vector.load %arg2[%get3A_13, %get3A_14] : memref<128x128xf32, #tpu.memory_space<vmem>>, vector<128x128xf32>
    %dot_general3A = arith.constant dense<0.000000e+00> : vector<10000x128xf32>
    %dot_general3A_16 = tpu.matmul %add3A_12, %get3A_15, %dot_general3A {dimension_numbers = #tpu.dot_dimension_numbers<[1], [0], [0], [1], [0, 0, 1, 1], [], []>, transpose_lhs_hint = false} : vector<10000x128xf32>, vector<128x128xf32>, vector<10000x128xf32> -> vector<10000x128xf32>
    %get3A_17 = arith.constant 0 : index
    %get3A_18 = arith.constant 0 : index
    %get3A_19 = vector.load %arg3[%get3A_17, %get3A_18] : memref<1x128xf32, #tpu.memory_space<vmem>>, vector<1x128xf32>
    %add3A_20 = vector.broadcast %get3A_19 : vector<1x128xf32> to vector<10000x128xf32>
    %add3A_21 = arith.addf %dot_general3A_16, %add3A_20 : vector<10000x128xf32>
    %max3A = arith.constant 0.000000e+00 : f32
    %max3A_22 = vector.broadcast %max3A : f32 to vector<10000x128xf32>
    %max3A_23 = arith.maximumf %add3A_21, %max3A_22 : vector<10000x128xf32>
    %get3A_24 = arith.constant 0 : index
    %get3A_25 = arith.constant 0 : index
    %get3A_26 = vector.load %arg4[%get3A_24, %get3A_25] : memref<128x128xf32, #tpu.memory_space<vmem>>, vector<128x128xf32>
    %dot_general3A_27 = arith.constant dense<0.000000e+00> : vector<10000x128xf32>
    %dot_general3A_28 = tpu.matmul %max3A_23, %get3A_26, %dot_general3A_27 {dimension_numbers = #tpu.dot_dimension_numbers<[1], [0], [0], [1], [0, 0, 1, 1], [], []>, transpose_lhs_hint = false} : vector<10000x128xf32>, vector<128x128xf32>, vector<10000x128xf32> -> vector<10000x128xf32>
    %get3A_29 = arith.constant 0 : index
    %get3A_30 = arith.constant 0 : index
    %get3A_31 = vector.load %arg5[%get3A_29, %get3A_30] : memref<1x128xf32, #tpu.memory_space<vmem>>, vector<1x128xf32>
    %add3A_32 = vector.broadcast %get3A_31 : vector<1x128xf32> to vector<10000x128xf32>
    %add3A_33 = arith.addf %dot_general3A_28, %add3A_32 : vector<10000x128xf32>
    %reduce_sum3A = arith.constant dense<0.000000e+00> : vector<128xf32>
    %reduce_sum3A_34 = vector.multi_reduction <add>, %add3A_33, %reduce_sum3A [0] : vector<10000x128xf32> to vector<128xf32>
    %broadcast_in_dim3A = vector.shape_cast %reduce_sum3A_34 : vector<128xf32> to vector<1x128xf32>
    %div3A = arith.constant 1.000000e+04 : f32
    %div3A_35 = vector.broadcast %div3A : f32 to vector<1x128xf32>
    %div3A_36 = arith.divf %broadcast_in_dim3A, %div3A_35 : vector<1x128xf32>
    %sub3A = vector.broadcast %div3A_36 : vector<1x128xf32> to vector<10000x128xf32>
    %sub3A_37 = arith.subf %add3A_33, %sub3A : vector<10000x128xf32>
    %sub3A_38 = vector.broadcast %div3A_36 : vector<1x128xf32> to vector<10000x128xf32>
    %sub3A_39 = arith.subf %add3A_33, %sub3A_38 : vector<10000x128xf32>
    %mul3A = arith.mulf %sub3A_37, %sub3A_39 : vector<10000x128xf32>
    %reduce_sum3A_40 = arith.constant dense<0.000000e+00> : vector<128xf32>
    %reduce_sum3A_41 = vector.multi_reduction <add>, %mul3A, %reduce_sum3A_40 [0] : vector<10000x128xf32> to vector<128xf32>
    %broadcast_in_dim3A_42 = vector.shape_cast %reduce_sum3A_41 : vector<128xf32> to vector<1x128xf32>
    %div3A_43 = arith.constant 1.000000e+04 : f32
    %div3A_44 = vector.broadcast %div3A_43 : f32 to vector<1x128xf32>
    %div3A_45 = arith.divf %broadcast_in_dim3A_42, %div3A_44 : vector<1x128xf32>
    %sub3A_46 = vector.broadcast %div3A_36 : vector<1x128xf32> to vector<10000x128xf32>
    %sub3A_47 = arith.subf %add3A_33, %sub3A_46 : vector<10000x128xf32>
    %add3A_48 = arith.constant 9.99999974E-6 : f32
    %add3A_49 = vector.broadcast %add3A_48 : f32 to vector<1x128xf32>
    %add3A_50 = arith.addf %div3A_45, %add3A_49 : vector<1x128xf32>
    %rsqrt3A = math.rsqrt %add3A_50 : vector<1x128xf32>
    %mul3A_51 = vector.broadcast %rsqrt3A : vector<1x128xf32> to vector<10000x128xf32>
    %mul3A_52 = arith.mulf %sub3A_47, %mul3A_51 : vector<10000x128xf32>
    %get3A_53 = arith.constant 0 : index
    %get3A_54 = arith.constant 0 : index
    %get3A_55 = vector.load %arg6[%get3A_53, %get3A_54] : memref<1x128xf32, #tpu.memory_space<vmem>>, vector<1x128xf32>
    %mul3A_56 = vector.broadcast %get3A_55 : vector<1x128xf32> to vector<10000x128xf32>
    %mul3A_57 = arith.mulf %mul3A_52, %mul3A_56 : vector<10000x128xf32>
    %get3A_58 = arith.constant 0 : index
    %get3A_59 = arith.constant 0 : index
    %get3A_60 = vector.load %arg7[%get3A_58, %get3A_59] : memref<1x128xf32, #tpu.memory_space<vmem>>, vector<1x128xf32>
    %add3A_61 = vector.broadcast %get3A_60 : vector<1x128xf32> to vector<10000x128xf32>
    %add3A_62 = arith.addf %mul3A_57, %add3A_61 : vector<10000x128xf32>
    %max3A_63 = arith.constant 0.000000e+00 : f32
    %max3A_64 = vector.broadcast %max3A_63 : f32 to vector<10000x128xf32>
    %max3A_65 = arith.maximumf %add3A_62, %max3A_64 : vector<10000x128xf32>
    %swap3A = arith.constant 0 : index
    %swap3A_66 = arith.constant 0 : index
    %swap3A_67 = vector.load %arg8[%swap3A, %swap3A_66] : memref<10000x128xf32, #tpu.memory_space<vmem>>, vector<10000x128xf32>
    tpu.vector_store %arg8[%swap3A, %swap3A_66], %max3A_65 {strides = array<i32>} : memref<10000x128xf32, #tpu.memory_space<vmem>>, vector<10000x128xf32>,
    return
  }
}

module attributes {stable_mosaic.version = 14 : i64} {
  func.func @_tc_layer_pool_body(%arg0: memref<10000x128xf32, #tpu.memory_space<vmem>>, %arg1: memref<2x10240x128xf32, #tpu.memory_space<vmem>>, %arg2: memref<128x128xf32, #tpu.memory_space<vmem>>, %arg3: memref<1x128xf32, #tpu.memory_space<vmem>>, %arg4: memref<128x128xf32, #tpu.memory_space<vmem>>, %arg5: memref<1x128xf32, #tpu.memory_space<vmem>>, %arg6: memref<1x128xf32, #tpu.memory_space<vmem>>, %arg7: memref<1x128xf32, #tpu.memory_space<vmem>>, %arg8: memref<10000x1xi32, #tpu.memory_space<vmem>>, %arg9: memref<64x128xf32, #tpu.memory_space<vmem>>) attributes {dimension_semantics = [], scalar_prefetch = 0 : i64, scratch_operands = 0 : i64, tpu.core_type = #tpu.core_type<tc>} {
    %get3A = arith.constant 0 : index
    %get3A_0 = arith.constant 0 : index
    %get3A_1 = vector.load %arg0[%get3A, %get3A_0] : memref<10000x128xf32, #tpu.memory_space<vmem>>, vector<10000x128xf32>
    %get3A_2 = arith.constant 0 : index
    %get3A_3 = arith.constant 0 : index
    %get3A_4 = arith.constant 0 : index
    %get3A_5 = vector.load %arg1[%get3A_2, %get3A_3, %get3A_4] : memref<2x10240x128xf32, #tpu.memory_space<vmem>>, vector<1x10000x128xf32>
    %get3A_6 = vector.shape_cast %get3A_5 : vector<1x10000x128xf32> to vector<10000x128xf32>
    %add3A = arith.addf %get3A_1, %get3A_6 : vector<10000x128xf32>
    %get3A_7 = arith.constant 1 : index
    %get3A_8 = arith.constant 0 : index
    %get3A_9 = arith.constant 0 : index
    %get3A_10 = vector.load %arg1[%get3A_7, %get3A_8, %get3A_9] : memref<2x10240x128xf32, #tpu.memory_space<vmem>>, vector<1x10000x128xf32>
    %get3A_11 = vector.shape_cast %get3A_10 : vector<1x10000x128xf32> to vector<10000x128xf32>
    %add3A_12 = arith.addf %add3A, %get3A_11 : vector<10000x128xf32>
    %get3A_13 = arith.constant 0 : index
    %get3A_14 = arith.constant 0 : index
    %get3A_15 = vector.load %arg2[%get3A_13, %get3A_14] : memref<128x128xf32, #tpu.memory_space<vmem>>, vector<128x128xf32>
    %dot_general3A = arith.constant dense<0.000000e+00> : vector<10000x128xf32>
    %dot_general3A_16 = tpu.matmul %add3A_12, %get3A_15, %dot_general3A {dimension_numbers = #tpu.dot_dimension_numbers<[1], [0], [0], [1], [0, 0, 1, 1], [], []>, transpose_lhs_hint = false} : vector<10000x128xf32>, vector<128x128xf32>, vector<10000x128xf32> -> vector<10000x128xf32>
    %get3A_17 = arith.constant 0 : index
    %get3A_18 = arith.constant 0 : index
    %get3A_19 = vector.load %arg3[%get3A_17, %get3A_18] : memref<1x128xf32, #tpu.memory_space<vmem>>, vector<1x128xf32>
    %add3A_20 = vector.broadcast %get3A_19 : vector<1x128xf32> to vector<10000x128xf32>
    %add3A_21 = arith.addf %dot_general3A_16, %add3A_20 : vector<10000x128xf32>
    %max3A = arith.constant 0.000000e+00 : f32
    %max3A_22 = vector.broadcast %max3A : f32 to vector<10000x128xf32>
    %max3A_23 = arith.maximumf %add3A_21, %max3A_22 : vector<10000x128xf32>
    %get3A_24 = arith.constant 0 : index
    %get3A_25 = arith.constant 0 : index
    %get3A_26 = vector.load %arg4[%get3A_24, %get3A_25] : memref<128x128xf32, #tpu.memory_space<vmem>>, vector<128x128xf32>
    %dot_general3A_27 = arith.constant dense<0.000000e+00> : vector<10000x128xf32>
    %dot_general3A_28 = tpu.matmul %max3A_23, %get3A_26, %dot_general3A_27 {dimension_numbers = #tpu.dot_dimension_numbers<[1], [0], [0], [1], [0, 0, 1, 1], [], []>, transpose_lhs_hint = false} : vector<10000x128xf32>, vector<128x128xf32>, vector<10000x128xf32> -> vector<10000x128xf32>
    %get3A_29 = arith.constant 0 : index
    %get3A_30 = arith.constant 0 : index
    %get3A_31 = vector.load %arg5[%get3A_29, %get3A_30] : memref<1x128xf32, #tpu.memory_space<vmem>>, vector<1x128xf32>
    %add3A_32 = vector.broadcast %get3A_31 : vector<1x128xf32> to vector<10000x128xf32>
    %add3A_33 = arith.addf %dot_general3A_28, %add3A_32 : vector<10000x128xf32>
    %reduce_sum3A = arith.constant dense<0.000000e+00> : vector<128xf32>
    %reduce_sum3A_34 = vector.multi_reduction <add>, %add3A_33, %reduce_sum3A [0] : vector<10000x128xf32> to vector<128xf32>
    %broadcast_in_dim3A = vector.shape_cast %reduce_sum3A_34 : vector<128xf32> to vector<1x128xf32>
    %div3A = arith.constant 1.000000e+04 : f32
    %div3A_35 = vector.broadcast %div3A : f32 to vector<1x128xf32>
    %div3A_36 = arith.divf %broadcast_in_dim3A, %div3A_35 : vector<1x128xf32>
    %sub3A = vector.broadcast %div3A_36 : vector<1x128xf32> to vector<10000x128xf32>
    %sub3A_37 = arith.subf %add3A_33, %sub3A : vector<10000x128xf32>
    %sub3A_38 = vector.broadcast %div3A_36 : vector<1x128xf32> to vector<10000x128xf32>
    %sub3A_39 = arith.subf %add3A_33, %sub3A_38 : vector<10000x128xf32>
    %mul3A = arith.mulf %sub3A_37, %sub3A_39 : vector<10000x128xf32>
    %reduce_sum3A_40 = arith.constant dense<0.000000e+00> : vector<128xf32>
    %reduce_sum3A_41 = vector.multi_reduction <add>, %mul3A, %reduce_sum3A_40 [0] : vector<10000x128xf32> to vector<128xf32>
    %broadcast_in_dim3A_42 = vector.shape_cast %reduce_sum3A_41 : vector<128xf32> to vector<1x128xf32>
    %div3A_43 = arith.constant 1.000000e+04 : f32
    %div3A_44 = vector.broadcast %div3A_43 : f32 to vector<1x128xf32>
    %div3A_45 = arith.divf %broadcast_in_dim3A_42, %div3A_44 : vector<1x128xf32>
    %sub3A_46 = vector.broadcast %div3A_36 : vector<1x128xf32> to vector<10000x128xf32>
    %sub3A_47 = arith.subf %add3A_33, %sub3A_46 : vector<10000x128xf32>
    %add3A_48 = arith.constant 9.99999974E-6 : f32
    %add3A_49 = vector.broadcast %add3A_48 : f32 to vector<1x128xf32>
    %add3A_50 = arith.addf %div3A_45, %add3A_49 : vector<1x128xf32>
    %rsqrt3A = math.rsqrt %add3A_50 : vector<1x128xf32>
    %mul3A_51 = vector.broadcast %rsqrt3A : vector<1x128xf32> to vector<10000x128xf32>
    %mul3A_52 = arith.mulf %sub3A_47, %mul3A_51 : vector<10000x128xf32>
    %get3A_53 = arith.constant 0 : index
    %get3A_54 = arith.constant 0 : index
    %get3A_55 = vector.load %arg6[%get3A_53, %get3A_54] : memref<1x128xf32, #tpu.memory_space<vmem>>, vector<1x128xf32>
    %mul3A_56 = vector.broadcast %get3A_55 : vector<1x128xf32> to vector<10000x128xf32>
    %mul3A_57 = arith.mulf %mul3A_52, %mul3A_56 : vector<10000x128xf32>
    %get3A_58 = arith.constant 0 : index
    %get3A_59 = arith.constant 0 : index
    %get3A_60 = vector.load %arg7[%get3A_58, %get3A_59] : memref<1x128xf32, #tpu.memory_space<vmem>>, vector<1x128xf32>
    %add3A_61 = vector.broadcast %get3A_60 : vector<1x128xf32> to vector<10000x128xf32>
    %add3A_62 = arith.addf %mul3A_57, %add3A_61 : vector<10000x128xf32>
    %max3A_63 = arith.constant 0.000000e+00 : f32
    %max3A_64 = vector.broadcast %max3A_63 : f32 to vector<10000x128xf32>
    %max3A_65 = arith.maximumf %add3A_62, %max3A_64 : vector<10000x128xf32>
    %iota3A = tpu.iota {dimensions = array<i32: 1>} : vector<10000x64xi32>
    %get3A_66 = arith.constant 0 : index
    %get3A_67 = arith.constant 0 : index
    %get3A_68 = vector.load %arg8[%get3A_66, %get3A_67] : memref<10000x1xi32, #tpu.memory_space<vmem>>, vector<10000x1xi32>
    %eq3A = vector.broadcast %get3A_68 : vector<10000x1xi32> to vector<10000x64xi32>
    %eq3A_69 = arith.cmpi eq, %eq3A, %iota3A : vector<10000x64xi32>
    %convert_element_type3A = arith.extui %eq3A_69 : vector<10000x64xi1> to vector<10000x64xi32>
    %convert_element_type3A_70 = arith.sitofp %convert_element_type3A : vector<10000x64xi32> to vector<10000x64xf32>
    %dot_general3A_71 = arith.constant dense<0.000000e+00> : vector<64x128xf32>
    %dot_general3A_72 = tpu.matmul %convert_element_type3A_70, %max3A_65, %dot_general3A_71 {dimension_numbers = #tpu.dot_dimension_numbers<[0], [0], [1], [1], [0, 1, 1, 1], [], []>, transpose_lhs_hint = false} : vector<10000x64xf32>, vector<10000x128xf32>, vector<64x128xf32> -> vector<64x128xf32>
    %broadcast_in_dim3A_73 = arith.constant 1.000000e+00 : f32
    %broadcast_in_dim3A_74 = vector.broadcast %broadcast_in_dim3A_73 : f32 to vector<10000x1xf32>
    %dot_general3A_75 = arith.constant dense<0.000000e+00> : vector<64x1xf32>
    %dot_general3A_76 = tpu.matmul %convert_element_type3A_70, %broadcast_in_dim3A_74, %dot_general3A_75 {dimension_numbers = #tpu.dot_dimension_numbers<[0], [0], [1], [1], [0, 1, 1, 1], [], []>, transpose_lhs_hint = false} : vector<10000x64xf32>, vector<10000x1xf32>, vector<64x1xf32> -> vector<64x1xf32>
    %jit3A = arith.constant 1.000000e+00 : f32
    %max3A_77 = vector.broadcast %jit3A : f32 to vector<64x1xf32>
    %max3A_78 = arith.maximumf %max3A_77, %dot_general3A_76 : vector<64x1xf32>
    %div3A_79 = vector.broadcast %max3A_78 : vector<64x1xf32> to vector<64x128xf32>
    %div3A_80 = arith.divf %dot_general3A_72, %div3A_79 : vector<64x128xf32>
    %swap3A = arith.constant 0 : index
    %swap3A_81 = arith.constant 0 : index
    %swap3A_82 = vector.load %arg9[%swap3A, %swap3A_81] : memref<64x128xf32, #tpu.memory_space<vmem>>, vector<64x128xf32>
    tpu.vector_store %arg9[%swap3A, %swap3A_81], %div3A_80 {strides = array<i32>} : memref<64x128xf32, #tpu.memory_space<vmem>>, vector<64x128xf32>,
    return
  }
}

</mosaic_0001>

<sc_bundles>
// kernel: kernel.11.cloned.1.call-start
scs
__scs_entry_jumppad:
0x0: {  	(pc) =	sbr.rel $0x88, $3  }
0x1: {  	(tag) =	ssettag $0x0;
	lr =	simm.s32 $0x1  }
0x2: {  	[smem:$0x3F8C] =	sst lr;
	_ =	strace $0xD0000000  }
0x3: {  	_ = 	snop  }
0x4: {  	_ = 	snop  }
0x5: {  	_ = 	snop  }
0x6: {  	_ = 	snop  }
0x7: {  	_ = 	snop  }
__scs_overlays_trampoline_lowered:
0x8: {  	[smem:$0x3F9B] =	sst s0  }
0x9: {  	[smem:$0x3F9C] =	sst s1  }
0xa: {  	[smem:$0x3F9D] =	sst s2  }
0xb: {  	[smem:$0x3F9E] =	sst s3  }
0xc: {  	[smem:$0x3F9F] =	sst s4  }
0xd: {  	[smem:$0x3FA0] =	sst s5  }
0xe: {  	[smem:$0x3FA1] =	sst s6  }
0xf: {  	[smem:$0x3FA2] =	sst s7  }
0x10: {  	[smem:$0x3FA3] =	sst s8  }
0x11: {  	[smem:$0x3FA4] =	sst s9;
	s0 =	simm.s32 @!p0 $0x0  }
0x12: {  	s1 =	sld [smem:$0x3F8A];
	s0 =	simm.s32 @p0 $0x1  }
0x13: {  	[smem:$0x3FA5] =	sst s0;
	s0 =	simm.s32 @!p1 $0x0  }
0x14: {  	s2 =	sld [smem:$0x3F89];
	s0 =	simm.s32 @p1 $0x1  }
0x15: {  	[smem:$0x3FA6] =	sst s0;
	s0 =	simm.s32 @!p2 $0x0  }
0x16: {  	s3 =	sld [smem:$0x3FDB];
	s0 =	simm.s32 @p2 $0x1  }
0x17: {  	s4 =	simm.s32 $0x1BF5;
	[smem:$0x3FA8] =	sst s0  }
0x18: {  	s0 =	sld [smem:$0x3F8B];
	_ =	swait.ge [sflag:s4], $0x0  }
0x19: {  	s7 =	sld [smem:$0x3F8C]  }
0x1a: {  	s8 =	sadd.s32 $0xFFFFE003, lr  }
0x1b: {  	s9 =	sadd.s32 $0xFFFFFEF7, lr;
	s5 =	simm.s32 $0xFFFFFFFF;
	p2 =	slt.u32 s8, $0xFFFFF086  }
0x1c: {  	p1 =	slt.u32 s9, $0xF7A;
	s5 =	simm.s32 @!p2 $0x0  }
0x1d: {  	s5 =	simm.s32 @p1 $0x1;
	p0 =	seq.s32 s7, s2  }
0x1e: {  	s7 =	smul.u32 @!p0 $0xF7A, s2;
	p2 =	seq.s32 @!p0 s5, $0x0  }
0x1f: {  	s9 =	smul.u32 $0xF7A, s1;
	s8 =	simm.s32 @!p0 $0x1BF5;
	p2 =	por !p2, p0  }
0x20: {  	[sflag:s8] =	ssyncset.s32 @!p0 $0xFFFFF086;
	s6 =	sadd.s32 @!p0 s3, s7;
	s7 =	simm.s32 @!p0 $0x108  }
0x21: {  	s3 =	sadd.s32 s3, s9;
	s6 =	sadd.s32 @!p0 $0x88, s6;
	s7 =	simm.s32 @p2 $0x1082  }
0x22: {  	[simem:s7], [sflag:s8] =	dma.local @!p0 [hbm:s6], $0xF7A  }
0x23: {  	s9 =	sor.u32 $0xD0000000, s2;
	s6 =	simm.s32 $0x108;
	_ =	swait.ge @!p0 [sflag:s8], $0x0  }
0x24: {  	s3 =	sadd.s32 $0x88, s3;
	s6 =	simm.s32 @!p1 $0x1082;
	[sflag:s4] =	ssyncset.s32 $0xFFFFF086  }
0x25: {  	[simem:s6], [sflag:s4] =	dma.local [hbm:s3], $0xF7A  }
0x26: {  	[smem:$0x3F8C] =	sst s1;
	(tag) =	ssettag s2;
	_ =	strace s9  }
0x27: {  	s1 =	sld [smem:$0x3F9C]  }
0x28: {  	s2 =	sld [smem:$0x3F9D]  }
0x29: {  	s4 =	sld [smem:$0x3F9F]  }
0x2a: {  	p0 =	seq.s32 s5, $0x0;
	s5 =	sld [smem:$0x3FA0]  }
0x2b: {  	s6 =	sld [smem:$0x3FA1]  }
0x2c: {  	s7 =	sld [smem:$0x3FA2]  }
0x2d: {  	s3 =	simm.s32 $0x108;
	s8 =	sld [smem:$0x3FA3]  }
0x2e: {  	s3 =	simm.s32 @!p0 $0x1082;
	s9 =	sld [smem:$0x3FA4]  }
0x2f: {  	lr =	sadd.s32 s0, s3;
	s0 =	sld [smem:$0x3F9B]  }
0x30: {  	s3 =	sld [smem:$0x3F9E]  }
0x31: {  	[smem:$0x3FA7] =	sst s10  }
0x32: {  	s10 =	sld [smem:$0x3FA5];
	_ =	sdelay $0x3  }
0x33: {  	p0 =	seq.s32 s10, $0x1;
	s10 =	sld [smem:$0x3FA7];
	_ =	sdelay $0x3  }
0x34: {  	[smem:$0x3FA7] =	sst s10  }
0x35: {  	s10 =	sld [smem:$0x3FA6];
	_ =	sdelay $0x3  }
0x36: {  	p1 =	seq.s32 s10, $0x1;
	s10 =	sld [smem:$0x3FA7];
	_ =	sdelay $0x3  }
0x37: {  	[smem:$0x3FA7] =	sst s10  }
0x38: {  	s10 =	sld [smem:$0x3FA8]  }
0x39: {  	_ = 	snop;
	(pc) =	sbr.ind lr, $3  }
0x3a: {  	_ = 	snop  }
0x3b: {  	_ = 	snop  }
0x3c: {  	p2 =	seq.s32 s10, $0x1;
	s10 =	sld [smem:$0x3FA7]  }
0x3d: {  	_ =	shalt  }
0x3e: {  	_ =	shalt  }
0x3f: {  	_ =	shalt  }
0x40: {  	_ =	shalt  }
0x41: {  	_ =	shalt  }
0x42: {  	_ =	shalt  }
0x43: {  	_ =	shalt  }
0x44: {  	_ =	shalt  }
0x45: {  	_ =	shalt  }
0x46: {  	_ =	shalt  }
0x47: {  	_ =	shalt  }
0x48: {  	_ =	shalt  }
0x49: {  	_ =	shalt  }
0x4a: {  	_ =	shalt  }
0x4b: {  	_ =	shalt  }
0x4c: {  	_ =	shalt  }
0x4d: {  	_ =	shalt  }
0x4e: {  	_ =	shalt  }
0x4f: {  	_ =	shalt  }
0x50: {  	_ =	shalt  }
0x51: {  	_ =	shalt  }
0x52: {  	_ =	shalt  }
0x53: {  	_ =	shalt  }
0x54: {  	_ =	shalt  }
0x55: {  	_ =	shalt  }
0x56: {  	_ =	shalt  }
0x57: {  	_ =	shalt  }
0x58: {  	_ =	shalt  }
0x59: {  	_ =	shalt  }
0x5a: {  	_ =	shalt  }
0x5b: {  	_ =	shalt  }
0x5c: {  	_ =	shalt  }
0x5d: {  	_ =	shalt  }
0x5e: {  	_ =	shalt  }
0x5f: {  	_ =	shalt  }
0x60: {  	_ =	shalt  }
0x61: {  	_ =	shalt  }
0x62: {  	_ =	shalt  }
0x63: {  	_ =	shalt  }
0x64: {  	_ =	shalt  }
0x65: {  	_ =	shalt  }
0x66: {  	_ =	shalt  }
0x67: {  	_ =	shalt  }
0x68: {  	_ =	shalt  }
0x69: {  	_ =	shalt  }
0x6a: {  	_ =	shalt  }
0x6b: {  	_ =	shalt  }
0x6c: {  	_ =	shalt  }
0x6d: {  	_ =	shalt  }
0x6e: {  	_ =	shalt  }
0x6f: {  	_ =	shalt  }
0x70: {  	_ =	shalt  }
0x71: {  	_ =	shalt  }
0x72: {  	_ =	shalt  }
0x73: {  	_ =	shalt  }
0x74: {  	_ =	shalt  }
0x75: {  	_ =	shalt  }
0x76: {  	_ =	shalt  }
0x77: {  	_ =	shalt  }
0x78: {  	_ =	shalt  }
0x79: {  	_ =	shalt  }
0x7a: {  	_ =	shalt  }
0x7b: {  	_ =	shalt  }
0x7c: {  	_ =	shalt  }
0x7d: {  	_ =	shalt  }
0x7e: {  	_ =	shalt  }
0x7f: {  	_ =	shalt  }
0x80: {  	_ =	shalt  }
0x81: {  	_ =	shalt  }
0x82: {  	_ =	shalt  }
0x83: {  	_ =	shalt  }
0x84: {  	_ =	shalt  }
0x85: {  	_ =	shalt  }
0x86: {  	_ =	shalt  }
0x87: {  	_ =	shalt  }
.Lfunc_end0:
.L_simem_size_0:
called_computation.1_lowered:
.L_overlay_start_0:
0x88: {  	s2 =	sld [smem:$0x3FD9]  }
0x89: {  	s3 =	sld [smem:$0x3FFE];
	_ =	sdelay $0x1  }
0x8a: {  	s1 =	srdreg.scid  }
0x8b: {  	s0 =	sand.u32 $0x1, s1  }
0x8c: {  	s16 =	sshll.u32 s0, $0xA;
	s2 =	sadd.s32 s3, s2  }
0x8d: {  	s2 =	sadd.s32 s2, s16  }
0x8e: {  	[smem:$0x3FB3] =	sst s2  }
0x8f: {  	_ = 	snop  }
0x90: {  	(tm) =	ssettm $0x1  }
0x91: {  	s17 =	sld [smem:$0x3FFB];
	_ =	sdelay $0x3  }
0x92: {  	_ =	strace s17  }
0x93: {  	s2 =	sld [smem:$0x3FFC];
	_ =	sdelay $0x3  }
0x94: {  	_ =	strace s2  }
0x95: {  	s2 =	sld [smem:$0x3FFD];
	_ =	sdelay $0x3  }
0x96: {  	_ =	strace s2  }
0x97: {  	_ =	strace $0x8FFFFFFF  }
0x98: {  	s18 =	sld [smem:$0x3FDB];
	_ =	sdelay $0x1  }
0x99: {  	s19 =	simm.s32 $_scs_section_size  }
0x9a: {  	s4 =	simm.s32 $_size__tile_overlayer_lowered;
	s5 =	simm.s32 $_tile_overlayer_lowered  }
0x9b: {  	s22 =	simm.s32 $0x1BFF;
	s21 =	sshll.u32 s5, $0x1;
	s2 =	sadd.s32 s19, s18  }
0x9c: {  	s6 =	simm.s32 $0x0;
	s20 =	sshll.u32 s4, $0x1;
	s4 =	sadd.s32 s21, s2  }
0x9d: {  	[timem:s6], [sflag:s22] =	dma.local [hbm:s4], s20  }
0x9e: {  	_ =	swait.ge [sflag:s22], s20  }
0x9f: {  	s3 =	ssub.s32 $0x0, s20;
	[sflag:s22] =	ssyncset.done $0x0  }
0xa0: {  	[sflag:s22] =	ssyncadd.s32 s3;
	_ =	sdelay $0x1  }
0xa1: {  	s23 =	simm.s32 $0x1B8B  }
0xa2: {  	_ =	swait.ge [sflag:s23], $0x1  }
0xa3: {  	[sflag:s23] =	ssyncset.done $0x0  }
0xa4: {  	s25 =	simm.s32 $0x1B8E;
	s24 =	sld [smem:$0x3FFE];
	[sflag:s23] =	ssyncadd.s32 $0xFFFFFFFF  }
0xa5: {  	s26 =	simm.s32 $execute0_lowered;
	[smem:$0x3FD2] =	sst s25  }
0xa6: {  	s4 =	sshll.u32 s26, $0x1;
	_ =	strace $0x80000049;
	[dreg:$0x1] =	wrdreg $0xFFFFFFFF  }
0xa7: {  	s28 =	simm.s32 $_size_execute0_lowered;
	s2 =	sadd.s32 s2, s4;
	[dreg:$0x0] =	wrdreg $0x0  }
0xa8: {  	s4 =	sshll.u32 s28, $0x1;
	[dreg:$0x2] =	wrdreg s2  }
0xa9: {  	[dreg:$0x3] =	wrdreg s4  }
0xaa: {  	[dreg:$0x4] =	wrdreg $0xC0  }
0xab: {  	_ =	task [dreg:s6], $0x5FFFF  }
0xac: {  	[dreg:$0x1] =	wrdreg $0xFFFFFFFF  }
0xad: {  	[dreg:$0x0] =	wrdreg $0x60  }
0xae: {  	[dreg:$0x2] =	wrdreg s24  }
0xaf: {  	[dreg:$0x3] =	wrdreg $0x90000  }
0xb0: {  	[dreg:$0x4] =	wrdreg $0x9  }
0xb1: {  	_ =	task.clear_ibuf [dreg:s6], $0x5FFFF;
	_ =	strace $0x90000049  }
0xb2: {  	s29 =	simm.s32 $0x9;
	_ =	strace $0x8000004B  }
0xb3: {  	_ =	swait.ge [sflag:s29], $0x1  }
0xb4: {  	[sflag:s29] =	ssyncadd.s32 $0xFFFFFFFF  }
0xb5: {  	_ =	strace $0x9000004B  }
0xb6: {  	_ =	sfence  }
0xb7: {  	s30 =	sld [smem:$0x0];
	_ =	sdelay $0x2  }
0xb8: {  	s31 =	sshll.u32 s1, $0xD;
	s1 =	sshrl.u32 s1, $0x2  }
0xb9: {  	s3 =	sand.u32 $0x4000, s31;
	s1 =	sadd.s32 s1, s30  }
0xba: {  	s0 =	sor.u32 s3, s0;
	s1 =	sshll.u32 s1, $0x11  }
0xbb: {  	s0 =	sor.u32 s1, s0  }
0xbc: {  	s0 =	sadd.s32 $0x8F2B, s0  }
0xbd: {  	[sflag:s0] =	ssyncadd.remote.s32 $0x1  }
0xbe: {  	_ =	sfence.sel $0xFFFF  }
0xbf: {  	[dreg:$0x0] =	wrdreg $0xFFFFFFFF;
	(pc) =	sbr.abs _section_cstart, $3  }
0xc0: {  	[dreg:$0x1] =	wrdreg $0xFFFFFFFF  }
0xc1: {  	_ =	task.clear_ibuf [dreg:s6], $0x2FFFF;
	_ =	strace $0x9FFFFFFF  }
0xc2: {  	(tm) =	ssettm $0x7FFFFFFF  }
0xc3: {  	_ =	shalt  }
tec
execute0_lowered:
.L_overlay_start_1:
0x0: {  	(tag) =	ssettag $0x1  }
0x1: {  	s0 =	rddreg [dreg:$0x0]  }
0x2: {  	s2 =	rddreg [dreg:$0x1];
	s3 =	simm.s32 $0x0;
	s13 =	stileid.u32  }
0x3: {  	s1 =	srdreg.scid;
	s16 =	simm.s32 $0x9;
	s17 =	simm.s32 $0x400  }
0x4: {  	s18 =	simm.s32 $0x1;
	s28 =	simm.s32 $0x480;
	s29 =	simm.s32 $0x7  }
0x5: {  	s30 =	simm.s32 $0xC00;
	s31 =	simm.s32 $0x3;
	s5 =	smul.u32 $0x2800, s13  }
0x6: {  	[smem:$0x7FF] =	sst s3;
	s1 =	sand.u32 $0x1, s1;
	s9 =	smul.u32 $0x50000, s13  }
0x7: {  	s4 =	sadd.s32 $0x40200, s0;
	s8 =	sadd.s32 $0x4200, s0;
	s21 =	smul.u32 $0x50, s13  }
0x8: {  	s23 =	sshll.u32 s13, $0x6;
	_ =	strace $0x8000004A;
	s6 =	smul.u32 $0x28000, s1  }
0x9: {  	s7 =	sshll.u32 s1, $0x4;
	s11 =	ssub.s32 $0x2, s1;
	s1 =	smul.u32 $0x500, s1  }
0xa: {  	s7 =	sor.u32 s13, s7;
	s10 =	sadd.s32 s5, s0;
	s19 =	sshrl.u32 s11, $0x1  }
0xb: {  	s20 =	sshrl.u32 s9, $0x2;
	s9 =	simm.s32 $0x0;
	s7 =	smul.u32 $0xA00, s7  }
0xc: {  	s0 =	sadd.s32 s6, s0;
	s12 =	ssub.s32 s11, s19;
	s15 =	sadd.s32 s20, s2  }
0xd: {  	s22 =	sadd.s32 $0x18200, s10;
	s6 =	sor.u32 $0x1C09, s23;
	s1 =	sadd.s32 s21, s1  }
0xe: {  	s19 =	simm.s32 $0x80;
	s20 =	simm.s32 $0x1000;
	s21 =	simm.s32 $0x5  }
0xf: {  	s23 =	simm.s32 $0x2;
	[dreg:$0x3] =	wrdreg s22;
	s1 =	sshll.u32 s1, $0x5  }
0x10: {  	s0 =	sadd.s32 $0x67400, s0;
	s26 =	smax.u32 s12, $0x1;
	s15 =	sshrl.u32 s15, $0x3  }
0x11: {  	s22 =	simm.s32 $0x800;
	s7 =	sadd.s32 s8, s7;
	s11 =	sadd.s32 s1, s8  }
0x12: {  	[dreg:$0x8] =	wrdreg s26;
	s0 =	sadd.s32 s5, s0;
	s26 =	simm.s32 $0x6  }
0x13: {  	s1 =	simm.s32 $0x8;
	s5 =	simm.s32 $0x4;
	[dreg:$0x4] =	wrdreg s7  }
0x14: {  	s8 =	simm.s32 $0xC80;
	s24 =	sadd.s32 $0x20, s7;
	[dreg:$0x9] =	wrdreg s0  }
0x15: {  	s25 =	sadd.s32 $0x40, s7;
	s7 =	sadd.s32 $0x60, s7;
	[dreg:$0x5] =	wrdreg s24  }
0x16: {  	s13 =	sadd.s32 $0xC0, s11;
	s14 =	sadd.s32 $0x80, s11;
	[dreg:$0x6] =	wrdreg s25  }
0x17: {  	s0 =	simm.s32 $0x880;
	[dreg:$0x7] =	wrdreg s7;
	s25 =	simm.s32 $0x5000  }
.LBB2_1:
0x18: {  	s7 =	rddreg [dreg:$0x3]  }
0x19: {  	[spmem:s15], [sflag:s6] =	dma.local [hbm:s7], $0x2800  }
0x1a: {  	_ =	swait.ge [sflag:s16], $0x2800  }
0x1b: {  	[sflag:s16] =	ssyncset.done $0x0  }
0x1c: {  	[sflag:s16] =	ssyncadd.s32 $0xFFFFD800  }
0x1d: {  	[bflag:$0x0] =	sbarrier.arrive $0xFFFF  }
0x1e: {  	s24 =	rddreg [dreg:$0x4]  }
0x1f: {  	[tilespmem:s3], [sflag:$0x1] =	stream.linear.gather [hbm4b:s24+s3], $0x100, $0x38;
	[tilespmem:$0x1D000] =	vst v63  }
0x20: {  	s10 =	rddreg [dreg:$0x5]  }
0x21: {  	[tilespmem:s17], [sflag:$0x2] =	stream.linear.gather [hbm4b:s10+s3], $0x100, $0x38;
	[tilespmem:$0x1D000] =	vst v63  }
0x22: {  	_ =	swait.ge [sflag:s18], $0x100  }
0x23: {  	[sflag:s18] =	ssyncset.done $0x0  }
0x24: {  	[sflag:s18] =	ssyncadd.s32 $0xFFFFFF00  }
0x25: {  	[tilespmem:s20], [sflag:$0x5] =	stream.indirect.gather [hbm4b:s4+s19], $0x80, s3, s19, $0xb8;
	[tilespmem:$0x1D000] =	vst v63  }
0x26: {  	_ =	swait.ge [sflag:s21], $0x4000  }
0x27: {  	[sflag:s21] =	ssyncset.done $0x0  }
0x28: {  	[sflag:s21] =	ssyncadd.s32 $0xFFFFC000  }
0x29: {  	[spmem:s2] =	stream.indirect.scatter.add.f32 [tilespmem:s20], [sflag:$0x7], $0x80, s19, s19, $0xb8;
	[tilespmem:$0x1D000] =	vst v63  }
0x2a: {  	s12 =	rddreg [dreg:$0x6]  }
0x2b: {  	[tilespmem:s22], [sflag:$0x3] =	stream.linear.gather [hbm4b:s12+s3], $0x100, $0x38;
	[tilespmem:$0x1D000] =	vst v63  }
0x2c: {  	_ =	swait.ge [sflag:s23], $0x100  }
0x2d: {  	[sflag:s23] =	ssyncset.done $0x0  }
0x2e: {  	[sflag:s23] =	ssyncadd.s32 $0xFFFFFF00  }
0x2f: {  	[tilespmem:s25], [sflag:$0x6] =	stream.indirect.gather [hbm4b:s4+s19], $0x80, s17, s19, $0xb8;
	[tilespmem:$0x1D000] =	vst v63  }
0x30: {  	_ =	swait.ge [sflag:s26], $0x4000  }
0x31: {  	[sflag:s26] =	ssyncset.done $0x0  }
0x32: {  	[sflag:s26] =	ssyncadd.s32 $0xFFFFC000  }
0x33: {  	[spmem:s2] =	stream.indirect.scatter.add.f32 [tilespmem:s25], [sflag:$0x8], $0x80, s28, s19, $0xb8;
	[tilespmem:$0x1D000] =	vst v63  }
0x34: {  	_ =	swait.ge [sflag:s29], $0x4000  }
0x35: {  	[sflag:s29] =	ssyncset.done $0x0  }
0x36: {  	s24 =	rddreg [dreg:$0x7];
	[sflag:s29] =	ssyncadd.s32 $0xFFFFC000  }
0x37: {  	[tilespmem:s30], [sflag:$0x4] =	stream.linear.gather [hbm4b:s24+s3], $0x100, $0x38;
	[tilespmem:$0x1D000] =	vst v63  }
0x38: {  	_ =	swait.ge [sflag:s31], $0x100  }
0x39: {  	[sflag:s31] =	ssyncset.done $0x0  }
0x3a: {  	[sflag:s31] =	ssyncadd.s32 $0xFFFFFF00  }
0x3b: {  	[tilespmem:s20], [sflag:$0x5] =	stream.indirect.gather [hbm4b:s4+s19], $0x80, s22, s19, $0xb8;
	[tilespmem:$0x1D000] =	vst v63  }
0x3c: {  	_ =	swait.ge [sflag:s21], $0x4000  }
0x3d: {  	[sflag:s21] =	ssyncset.done $0x0  }
0x3e: {  	[sflag:s21] =	ssyncadd.s32 $0xFFFFC000  }
0x3f: {  	[spmem:s2] =	stream.indirect.scatter.add.f32 [tilespmem:s20], [sflag:$0x7], $0x80, s0, s19, $0xb8;
	[tilespmem:$0x1D000] =	vst v63  }
0x40: {  	_ =	swait.ge [sflag:s1], $0x4000  }
0x41: {  	[sflag:s1] =	ssyncset.done $0x0  }
0x42: {  	s10 =	sadd.s32 $0x0, s14;
	[sflag:s1] =	ssyncadd.s32 $0xFFFFC000  }
0x43: {  	[tilespmem:s3], [sflag:$0x1] =	stream.linear.gather [hbm4b:s10+s3], $0x100, $0x38;
	[tilespmem:$0x1D000] =	vst v63  }
0x44: {  	_ =	swait.ge [sflag:s5], $0x100  }
0x45: {  	[sflag:s5] =	ssyncset.done $0x0  }
0x46: {  	[sflag:s5] =	ssyncadd.s32 $0xFFFFFF00  }
0x47: {  	[tilespmem:s25], [sflag:$0x6] =	stream.indirect.gather [hbm4b:s4+s19], $0x80, s30, s19, $0xb8;
	[tilespmem:$0x1D000] =	vst v63  }
0x48: {  	_ =	swait.ge [sflag:s26], $0x4000  }
0x49: {  	[sflag:s26] =	ssyncset.done $0x0  }
0x4a: {  	[sflag:s26] =	ssyncadd.s32 $0xFFFFC000  }
0x4b: {  	[spmem:s2] =	stream.indirect.scatter.add.f32 [tilespmem:s25], [sflag:$0x8], $0x80, s8, s19, $0xb8;
	[tilespmem:$0x1D000] =	vst v63  }
0x4c: {  	_ =	swait.ge [sflag:s29], $0x4000  }
0x4d: {  	s7 =	sadd.s32 $0x0, s11;
	[sflag:s29] =	ssyncset.done $0x0  }
0x4e: {  	s12 =	sadd.s32 $0xA0, s7;
	[sflag:s29] =	ssyncadd.s32 $0xFFFFC000  }
0x4f: {  	[tilespmem:s17], [sflag:$0x2] =	stream.linear.gather [hbm4b:s12+s3], $0x100, $0x38;
	[tilespmem:$0x1D000] =	vst v63  }
0x50: {  	_ =	swait.ge [sflag:s18], $0x100  }
0x51: {  	[sflag:s18] =	ssyncset.done $0x0  }
0x52: {  	[sflag:s18] =	ssyncadd.s32 $0xFFFFFF00  }
0x53: {  	[tilespmem:s20], [sflag:$0x5] =	stream.indirect.gather [hbm4b:s4+s19], $0x80, s3, s19, $0xb8;
	[tilespmem:$0x1D000] =	vst v63  }
0x54: {  	_ =	swait.ge [sflag:s21], $0x4000  }
0x55: {  	[sflag:s21] =	ssyncset.done $0x0  }
0x56: {  	[sflag:s21] =	ssyncadd.s32 $0xFFFFC000  }
0x57: {  	[spmem:s2] =	stream.indirect.scatter.add.f32 [tilespmem:s20], [sflag:$0x7], $0x80, s19, s19, $0xb8;
	[tilespmem:$0x1D000] =	vst v63  }
0x58: {  	_ =	swait.ge [sflag:s1], $0x4000  }
0x59: {  	[sflag:s1] =	ssyncset.done $0x0  }
0x5a: {  	s24 =	sadd.s32 $0x0, s13;
	[sflag:s1] =	ssyncadd.s32 $0xFFFFC000  }
0x5b: {  	[tilespmem:s22], [sflag:$0x3] =	stream.linear.gather [hbm4b:s24+s3], $0x100, $0x38;
	[tilespmem:$0x1D000] =	vst v63  }
0x5c: {  	_ =	swait.ge [sflag:s23], $0x100  }
0x5d: {  	[sflag:s23] =	ssyncset.done $0x0  }
0x5e: {  	[sflag:s23] =	ssyncadd.s32 $0xFFFFFF00  }
0x5f: {  	[tilespmem:s25], [sflag:$0x6] =	stream.indirect.gather [hbm4b:s4+s19], $0x80, s17, s19, $0xb8;
	[tilespmem:$0x1D000] =	vst v63  }
0x60: {  	_ =	swait.ge [sflag:s26], $0x4000  }
0x61: {  	[sflag:s26] =	ssyncset.done $0x0  }
0x62: {  	[sflag:s26] =	ssyncadd.s32 $0xFFFFC000  }
0x63: {  	[spmem:s2] =	stream.indirect.scatter.add.f32 [tilespmem:s25], [sflag:$0x8], $0x80, s28, s19, $0xb8;
	[tilespmem:$0x1D000] =	vst v63  }
0x64: {  	_ =	swait.ge [sflag:s29], $0x4000  }
0x65: {  	[sflag:s29] =	ssyncset.done $0x0  }
0x66: {  	s10 =	sadd.s32 $0xE0, s7;
	[sflag:s29] =	ssyncadd.s32 $0xFFFFC000  }
0x67: {  	[tilespmem:s30], [sflag:$0x4] =	stream.linear.gather [hbm4b:s10+s3], $0x100, $0x38;
	[tilespmem:$0x1D000] =	vst v63  }
0x68: {  	_ =	swait.ge [sflag:s31], $0x100  }
0x69: {  	[sflag:s31] =	ssyncset.done $0x0  }
0x6a: {  	s10 =	simm.s32 $0x80;
	[sflag:s31] =	ssyncadd.s32 $0xFFFFFF00  }
.LBB2_2:
0x6b: {  	[tilespmem:s20], [sflag:$0x5] =	stream.indirect.gather [hbm4b:s4+s19], $0x80, s22, s19, $0xb8;
	[tilespmem:$0x1D000] =	vst v63  }
0x6c: {  	s12 =	smov.u32 s10  }
0x6d: {  	p0 =	sne.s32 s10, $0x900;
	s10 =	sadd.s32 $0x80, s10;
	_ =	swait.ge [sflag:s21], $0x4000  }
0x6e: {  	[sflag:s21] =	ssyncset.done $0x0  }
0x6f: {  	[sflag:s21] =	ssyncadd.s32 $0xFFFFC000  }
0x70: {  	[spmem:s2] =	stream.indirect.scatter.add.f32 [tilespmem:s20], [sflag:$0x7], $0x80, s0, s19, $0xb8;
	[tilespmem:$0x1D000] =	vst v63  }
0x71: {  	_ =	swait.ge [sflag:s1], $0x4000  }
0x72: {  	[sflag:s1] =	ssyncset.done $0x0  }
0x73: {  	s24 =	sadd.s32 s12, s14;
	[sflag:s1] =	ssyncadd.s32 $0xFFFFC000  }
0x74: {  	[tilespmem:s3], [sflag:$0x1] =	stream.linear.gather [hbm4b:s24+s3], $0x100, $0x38;
	[tilespmem:$0x1D000] =	vst v63  }
0x75: {  	_ =	swait.ge [sflag:s5], $0x100  }
0x76: {  	[sflag:s5] =	ssyncset.done $0x0  }
0x77: {  	[sflag:s5] =	ssyncadd.s32 $0xFFFFFF00  }
0x78: {  	[tilespmem:s25], [sflag:$0x6] =	stream.indirect.gather [hbm4b:s4+s19], $0x80, s30, s19, $0xb8;
	[tilespmem:$0x1D000] =	vst v63  }
0x79: {  	_ =	swait.ge [sflag:s26], $0x4000  }
0x7a: {  	[sflag:s26] =	ssyncset.done $0x0  }
0x7b: {  	[sflag:s26] =	ssyncadd.s32 $0xFFFFC000  }
0x7c: {  	[spmem:s2] =	stream.indirect.scatter.add.f32 [tilespmem:s25], [sflag:$0x8], $0x80, s8, s19, $0xb8;
	[tilespmem:$0x1D000] =	vst v63  }
0x7d: {  	_ =	swait.ge [sflag:s29], $0x4000  }
0x7e: {  	s24 =	sadd.s32 s12, s11;
	[sflag:s29] =	ssyncset.done $0x0  }
0x7f: {  	s7 =	sadd.s32 $0xA0, s24;
	[sflag:s29] =	ssyncadd.s32 $0xFFFFC000  }
0x80: {  	[tilespmem:s17], [sflag:$0x2] =	stream.linear.gather [hbm4b:s7+s3], $0x100, $0x38;
	[tilespmem:$0x1D000] =	vst v63  }
0x81: {  	_ =	swait.ge [sflag:s18], $0x100  }
0x82: {  	[sflag:s18] =	ssyncset.done $0x0  }
0x83: {  	[sflag:s18] =	ssyncadd.s32 $0xFFFFFF00  }
0x84: {  	[tilespmem:s20], [sflag:$0x5] =	stream.indirect.gather [hbm4b:s4+s19], $0x80, s3, s19, $0xb8;
	[tilespmem:$0x1D000] =	vst v63  }
0x85: {  	_ =	swait.ge [sflag:s21], $0x4000  }
0x86: {  	[sflag:s21] =	ssyncset.done $0x0  }
0x87: {  	[sflag:s21] =	ssyncadd.s32 $0xFFFFC000  }
0x88: {  	[spmem:s2] =	stream.indirect.scatter.add.f32 [tilespmem:s20], [sflag:$0x7], $0x80, s19, s19, $0xb8;
	[tilespmem:$0x1D000] =	vst v63  }
0x89: {  	_ =	swait.ge [sflag:s1], $0x4000  }
0x8a: {  	[sflag:s1] =	ssyncset.done $0x0  }
0x8b: {  	s7 =	sadd.s32 s12, s13;
	[sflag:s1] =	ssyncadd.s32 $0xFFFFC000  }
0x8c: {  	[tilespmem:s22], [sflag:$0x3] =	stream.linear.gather [hbm4b:s7+s3], $0x100, $0x38;
	[tilespmem:$0x1D000] =	vst v63  }
0x8d: {  	_ =	swait.ge [sflag:s23], $0x100  }
0x8e: {  	[sflag:s23] =	ssyncset.done $0x0  }
0x8f: {  	[sflag:s23] =	ssyncadd.s32 $0xFFFFFF00  }
0x90: {  	[tilespmem:s25], [sflag:$0x6] =	stream.indirect.gather [hbm4b:s4+s19], $0x80, s17, s19, $0xb8;
	[tilespmem:$0x1D000] =	vst v63  }
0x91: {  	_ =	swait.ge [sflag:s26], $0x4000  }
0x92: {  	[sflag:s26] =	ssyncset.done $0x0  }
0x93: {  	[sflag:s26] =	ssyncadd.s32 $0xFFFFC000  }
0x94: {  	[spmem:s2] =	stream.indirect.scatter.add.f32 [tilespmem:s25], [sflag:$0x8], $0x80, s28, s19, $0xb8;
	[tilespmem:$0x1D000] =	vst v63  }
0x95: {  	_ =	swait.ge [sflag:s29], $0x4000  }
0x96: {  	[sflag:s29] =	ssyncset.done $0x0  }
.Ltmp0:
0x97: {  	s7 =	sadd.s32 $0xE0, s24;
	[sflag:s29] =	ssyncadd.s32 $0xFFFFC000;
	(pc) =	sbr.rel @p0 .LBB2_2-.Ltmp0, $4  }
0x98: {  	[tilespmem:s30], [sflag:$0x4] =	stream.linear.gather [hbm4b:s7+s3], $0x100, $0x38;
	[tilespmem:$0x1D000] =	vst v63  }
0x99: {  	_ =	swait.ge [sflag:s31], $0x100  }
0x9a: {  	[sflag:s31] =	ssyncset.done $0x0  }
0x9b: {  	[sflag:s31] =	ssyncadd.s32 $0xFFFFFF00  }
0x9c: {  	[tilespmem:s20], [sflag:$0x5] =	stream.indirect.gather [hbm4b:s4+s19], $0x80, s22, s19, $0xb8;
	[tilespmem:$0x1D000] =	vst v63  }
0x9d: {  	_ =	swait.ge [sflag:s21], $0x4000  }
0x9e: {  	[sflag:s21] =	ssyncset.done $0x0  }
0x9f: {  	[sflag:s21] =	ssyncadd.s32 $0xFFFFC000  }
0xa0: {  	[spmem:s2] =	stream.indirect.scatter.add.f32 [tilespmem:s20], [sflag:$0x7], $0x80, s0, s19, $0xb8;
	[tilespmem:$0x1D000] =	vst v63  }
0xa1: {  	_ =	swait.ge [sflag:s1], $0x4000  }
0xa2: {  	[sflag:s1] =	ssyncset.done $0x0  }
0xa3: {  	[sflag:s1] =	ssyncadd.s32 $0xFFFFC000  }
0xa4: {  	_ =	swait.ge [sflag:s5], $0x100  }
0xa5: {  	[sflag:s5] =	ssyncset.done $0x0  }
0xa6: {  	[sflag:s5] =	ssyncadd.s32 $0xFFFFFF00  }
0xa7: {  	[tilespmem:s25], [sflag:$0x6] =	stream.indirect.gather [hbm4b:s4+s19], $0x80, s30, s19, $0xb8;
	[tilespmem:$0x1D000] =	vst v63  }
0xa8: {  	_ =	swait.ge [sflag:s26], $0x4000  }
0xa9: {  	[sflag:s26] =	ssyncset.done $0x0  }
0xaa: {  	[sflag:s26] =	ssyncadd.s32 $0xFFFFC000  }
0xab: {  	[spmem:s2] =	stream.indirect.scatter.add.f32 [tilespmem:s25], [sflag:$0x8], $0x80, s8, s19, $0xb8;
	[tilespmem:$0x1D000] =	vst v63  }
0xac: {  	_ =	swait.ge [sflag:s29], $0x4000  }
0xad: {  	[sflag:s29] =	ssyncset.done $0x0  }
0xae: {  	[sflag:s29] =	ssyncadd.s32 $0xFFFFC000  }
0xaf: {  	_ =	swait.ge [sflag:s1], $0x4000  }
0xb0: {  	[sflag:s1] =	ssyncset.done $0x0  }
0xb1: {  	[sflag:s1] =	ssyncadd.s32 $0xFFFFC000  }
0xb2: {  	[bflag:$0x0] =	sbarrier.arrive $0xFFFF  }
0xb3: {  	s7 =	rddreg [dreg:$0x9]  }
0xb4: {  	[hbm:s7], [sflag:s6] =	dma.local [spmem:s15], $0x2800  }
0xb5: {  	_ =	swait.ge [sflag:s16], $0x2800  }
0xb6: {  	s9 =	sadd.s32 $0x1, s9;
	s24 =	rddreg [dreg:$0x8]  }
0xb7: {  	p0 =	sne.s32 s9, s24  }
.Ltmp1:
0xb8: {  	_ = 	snop;
	(pc) =	sbr.rel @p0 .LBB2_1-.Ltmp1, $3  }
0xb9: {  	_ =	sdelay $0x1  }
0xba: {  	[sflag:s16] =	ssyncset.done $0x0  }
0xbb: {  	[sflag:s16] =	ssyncadd.s32 $0xFFFFD800  }
0xbc: {  	_ =	sfence.sel $0x180000  }
0xbd: {  	[bflag:$0x0] =	sbarrier.arrive $0xFFFF  }
0xbe: {  	_ =	strace $0x9000004A  }
0xbf: {  	s0 =	stileid.u32;
	[bflag:$0x2] =	sbarrier.arrive $0xFFFF  }
0xc0: {  	p0 =	sne.s32 s0, $0x0;
	s0 =	rddreg [dreg:$0x2]  }
0xc1: {  	s0 =	sadd.s32 @!p0 $0x100000, s0  }
0xc2: {  	[sflag:s0] =	ssyncadd.tile.s32 @!p0 $0x1;
	_ =	shalt  }
.Lfunc_end2:
_tile_overlayer_lowered:
.L_overlay_start_2:
0xc3: {  	(tag) =	ssettag $0x2  }
0xc4: {  	s0 =	rddreg [dreg:$0x0];
	s2 =	stileid.u32  }
0xc5: {  	s1 =	rddreg [dreg:$0x1];
	p0 =	sne.s32 s2, $0x0  }
0xc6: {  	s3 =	rddreg [dreg:$0x2];
	[bflag:$0x3] =	sbarrier.arrive $0xFFFF;
	s2 =	simm.s32 @!p0 $0x1C09  }
0xc7: {  	[timem:s3], [sflag:s2] =	dma.local @!p0 [hbm:s0], s1  }
0xc8: {  	s0 =	simm.s32 @!p0 $0x9  }
0xc9: {  	_ =	swait.ge @!p0 [sflag:s0], s1  }
0xca: {  	s1 =	ssub.s32 @!p0 $0x0, s1;
	[sflag:s0] =	ssyncset.done @!p0 $0x0  }
0xcb: {  	[sflag:s0] =	ssyncadd.s32 @!p0 s1  }
0xcc: {  	[bflag:$0x3] =	sbarrier.arrive $0xFFFF  }
0xcd: {  	_ =	shalt  }

// kernel: kernel.14.cloned.1.call-start
scs
__scs_entry_jumppad:
0x0: {  	(pc) =	sbr.rel $0x88, $3  }
0x1: {  	(tag) =	ssettag $0x0;
	lr =	simm.s32 $0x1  }
0x2: {  	[smem:$0x3F8C] =	sst lr;
	_ =	strace $0xD0000000  }
0x3: {  	_ = 	snop  }
0x4: {  	_ = 	snop  }
0x5: {  	_ = 	snop  }
0x6: {  	_ = 	snop  }
0x7: {  	_ = 	snop  }
__scs_overlays_trampoline_lowered:
0x8: {  	[smem:$0x3F9B] =	sst s0  }
0x9: {  	[smem:$0x3F9C] =	sst s1  }
0xa: {  	[smem:$0x3F9D] =	sst s2  }
0xb: {  	[smem:$0x3F9E] =	sst s3  }
0xc: {  	[smem:$0x3F9F] =	sst s4  }
0xd: {  	[smem:$0x3FA0] =	sst s5  }
0xe: {  	[smem:$0x3FA1] =	sst s6  }
0xf: {  	[smem:$0x3FA2] =	sst s7  }
0x10: {  	[smem:$0x3FA3] =	sst s8  }
0x11: {  	[smem:$0x3FA4] =	sst s9;
	s0 =	simm.s32 @!p0 $0x0  }
0x12: {  	s1 =	sld [smem:$0x3F8A];
	s0 =	simm.s32 @p0 $0x1  }
0x13: {  	[smem:$0x3FA5] =	sst s0;
	s0 =	simm.s32 @!p1 $0x0  }
0x14: {  	s2 =	sld [smem:$0x3F89];
	s0 =	simm.s32 @p1 $0x1  }
0x15: {  	[smem:$0x3FA6] =	sst s0;
	s0 =	simm.s32 @!p2 $0x0  }
0x16: {  	s3 =	sld [smem:$0x3FDB];
	s0 =	simm.s32 @p2 $0x1  }
0x17: {  	s4 =	simm.s32 $0x1BF5;
	[smem:$0x3FA8] =	sst s0  }
0x18: {  	s0 =	sld [smem:$0x3F8B];
	_ =	swait.ge [sflag:s4], $0x0  }
0x19: {  	s7 =	sld [smem:$0x3F8C]  }
0x1a: {  	s8 =	sadd.s32 $0xFFFFE003, lr  }
0x1b: {  	s9 =	sadd.s32 $0xFFFFFEF7, lr;
	s5 =	simm.s32 $0xFFFFFFFF;
	p2 =	slt.u32 s8, $0xFFFFF086  }
0x1c: {  	p1 =	slt.u32 s9, $0xF7A;
	s5 =	simm.s32 @!p2 $0x0  }
0x1d: {  	s5 =	simm.s32 @p1 $0x1;
	p0 =	seq.s32 s7, s2  }
0x1e: {  	s7 =	smul.u32 @!p0 $0xF7A, s2;
	p2 =	seq.s32 @!p0 s5, $0x0  }
0x1f: {  	s9 =	smul.u32 $0xF7A, s1;
	s8 =	simm.s32 @!p0 $0x1BF5;
	p2 =	por !p2, p0  }
0x20: {  	[sflag:s8] =	ssyncset.s32 @!p0 $0xFFFFF086;
	s6 =	sadd.s32 @!p0 s3, s7;
	s7 =	simm.s32 @!p0 $0x108  }
0x21: {  	s3 =	sadd.s32 s3, s9;
	s6 =	sadd.s32 @!p0 $0x88, s6;
	s7 =	simm.s32 @p2 $0x1082  }
0x22: {  	[simem:s7], [sflag:s8] =	dma.local @!p0 [hbm:s6], $0xF7A  }
0x23: {  	s9 =	sor.u32 $0xD0000000, s2;
	s6 =	simm.s32 $0x108;
	_ =	swait.ge @!p0 [sflag:s8], $0x0  }
0x24: {  	s3 =	sadd.s32 $0x88, s3;
	s6 =	simm.s32 @!p1 $0x1082;
	[sflag:s4] =	ssyncset.s32 $0xFFFFF086  }
0x25: {  	[simem:s6], [sflag:s4] =	dma.local [hbm:s3], $0xF7A  }
0x26: {  	[smem:$0x3F8C] =	sst s1;
	(tag) =	ssettag s2;
	_ =	strace s9  }
0x27: {  	s1 =	sld [smem:$0x3F9C]  }
0x28: {  	s2 =	sld [smem:$0x3F9D]  }
0x29: {  	s4 =	sld [smem:$0x3F9F]  }
0x2a: {  	p0 =	seq.s32 s5, $0x0;
	s5 =	sld [smem:$0x3FA0]  }
0x2b: {  	s6 =	sld [smem:$0x3FA1]  }
0x2c: {  	s7 =	sld [smem:$0x3FA2]  }
0x2d: {  	s3 =	simm.s32 $0x108;
	s8 =	sld [smem:$0x3FA3]  }
0x2e: {  	s3 =	simm.s32 @!p0 $0x1082;
	s9 =	sld [smem:$0x3FA4]  }
0x2f: {  	lr =	sadd.s32 s0, s3;
	s0 =	sld [smem:$0x3F9B]  }
0x30: {  	s3 =	sld [smem:$0x3F9E]  }
0x31: {  	[smem:$0x3FA7] =	sst s10  }
0x32: {  	s10 =	sld [smem:$0x3FA5];
	_ =	sdelay $0x3  }
0x33: {  	p0 =	seq.s32 s10, $0x1;
	s10 =	sld [smem:$0x3FA7];
	_ =	sdelay $0x3  }
0x34: {  	[smem:$0x3FA7] =	sst s10  }
0x35: {  	s10 =	sld [smem:$0x3FA6];
	_ =	sdelay $0x3  }
0x36: {  	p1 =	seq.s32 s10, $0x1;
	s10 =	sld [smem:$0x3FA7];
	_ =	sdelay $0x3  }
0x37: {  	[smem:$0x3FA7] =	sst s10  }
0x38: {  	s10 =	sld [smem:$0x3FA8]  }
0x39: {  	_ = 	snop;
	(pc) =	sbr.ind lr, $3  }
0x3a: {  	_ = 	snop  }
0x3b: {  	_ = 	snop  }
0x3c: {  	p2 =	seq.s32 s10, $0x1;
	s10 =	sld [smem:$0x3FA7]  }
0x3d: {  	_ =	shalt  }
0x3e: {  	_ =	shalt  }
0x3f: {  	_ =	shalt  }
0x40: {  	_ =	shalt  }
0x41: {  	_ =	shalt  }
0x42: {  	_ =	shalt  }
0x43: {  	_ =	shalt  }
0x44: {  	_ =	shalt  }
0x45: {  	_ =	shalt  }
0x46: {  	_ =	shalt  }
0x47: {  	_ =	shalt  }
0x48: {  	_ =	shalt  }
0x49: {  	_ =	shalt  }
0x4a: {  	_ =	shalt  }
0x4b: {  	_ =	shalt  }
0x4c: {  	_ =	shalt  }
0x4d: {  	_ =	shalt  }
0x4e: {  	_ =	shalt  }
0x4f: {  	_ =	shalt  }
0x50: {  	_ =	shalt  }
0x51: {  	_ =	shalt  }
0x52: {  	_ =	shalt  }
0x53: {  	_ =	shalt  }
0x54: {  	_ =	shalt  }
0x55: {  	_ =	shalt  }
0x56: {  	_ =	shalt  }
0x57: {  	_ =	shalt  }
0x58: {  	_ =	shalt  }
0x59: {  	_ =	shalt  }
0x5a: {  	_ =	shalt  }
0x5b: {  	_ =	shalt  }
0x5c: {  	_ =	shalt  }
0x5d: {  	_ =	shalt  }
0x5e: {  	_ =	shalt  }
0x5f: {  	_ =	shalt  }
0x60: {  	_ =	shalt  }
0x61: {  	_ =	shalt  }
0x62: {  	_ =	shalt  }
0x63: {  	_ =	shalt  }
0x64: {  	_ =	shalt  }
0x65: {  	_ =	shalt  }
0x66: {  	_ =	shalt  }
0x67: {  	_ =	shalt  }
0x68: {  	_ =	shalt  }
0x69: {  	_ =	shalt  }
0x6a: {  	_ =	shalt  }
0x6b: {  	_ =	shalt  }
0x6c: {  	_ =	shalt  }
0x6d: {  	_ =	shalt  }
0x6e: {  	_ =	shalt  }
0x6f: {  	_ =	shalt  }
0x70: {  	_ =	shalt  }
0x71: {  	_ =	shalt  }
0x72: {  	_ =	shalt  }
0x73: {  	_ =	shalt  }
0x74: {  	_ =	shalt  }
0x75: {  	_ =	shalt  }
0x76: {  	_ =	shalt  }
0x77: {  	_ =	shalt  }
0x78: {  	_ =	shalt  }
0x79: {  	_ =	shalt  }
0x7a: {  	_ =	shalt  }
0x7b: {  	_ =	shalt  }
0x7c: {  	_ =	shalt  }
0x7d: {  	_ =	shalt  }
0x7e: {  	_ =	shalt  }
0x7f: {  	_ =	shalt  }
0x80: {  	_ =	shalt  }
0x81: {  	_ =	shalt  }
0x82: {  	_ =	shalt  }
0x83: {  	_ =	shalt  }
0x84: {  	_ =	shalt  }
0x85: {  	_ =	shalt  }
0x86: {  	_ =	shalt  }
0x87: {  	_ =	shalt  }
.Lfunc_end0:
.L_simem_size_0:
called_computation.2_lowered:
.L_overlay_start_0:
0x88: {  	s2 =	sld [smem:$0x3FD9]  }
0x89: {  	s3 =	sld [smem:$0x3FFE];
	_ =	sdelay $0x1  }
0x8a: {  	s1 =	srdreg.scid  }
0x8b: {  	s0 =	sand.u32 $0x1, s1  }
0x8c: {  	s16 =	sshll.u32 s0, $0xA;
	s2 =	sadd.s32 s3, s2  }
0x8d: {  	s2 =	sadd.s32 s2, s16  }
0x8e: {  	[smem:$0x3FB3] =	sst s2  }
0x8f: {  	_ = 	snop  }
0x90: {  	(tm) =	ssettm $0x1  }
0x91: {  	s17 =	sld [smem:$0x3FFB];
	_ =	sdelay $0x3  }
0x92: {  	_ =	strace s17  }
0x93: {  	s2 =	sld [smem:$0x3FFC];
	_ =	sdelay $0x3  }
0x94: {  	_ =	strace s2  }
0x95: {  	s2 =	sld [smem:$0x3FFD];
	_ =	sdelay $0x3  }
0x96: {  	_ =	strace s2  }
0x97: {  	_ =	strace $0x8FFFFFFF  }
0x98: {  	s18 =	sld [smem:$0x3FDB];
	_ =	sdelay $0x1  }
0x99: {  	s19 =	simm.s32 $_scs_section_size  }
0x9a: {  	s4 =	simm.s32 $_size__tile_overlayer_lowered;
	s5 =	simm.s32 $_tile_overlayer_lowered  }
0x9b: {  	s22 =	simm.s32 $0x1BFF;
	s21 =	sshll.u32 s5, $0x1;
	s2 =	sadd.s32 s19, s18  }
0x9c: {  	s6 =	simm.s32 $0x0;
	s20 =	sshll.u32 s4, $0x1;
	s4 =	sadd.s32 s21, s2  }
0x9d: {  	[timem:s6], [sflag:s22] =	dma.local [hbm:s4], s20  }
0x9e: {  	_ =	swait.ge [sflag:s22], s20  }
0x9f: {  	s3 =	ssub.s32 $0x0, s20;
	[sflag:s22] =	ssyncset.done $0x0  }
0xa0: {  	[sflag:s22] =	ssyncadd.s32 s3;
	_ =	sdelay $0x1  }
0xa1: {  	s23 =	simm.s32 $0x1B8B  }
0xa2: {  	_ =	swait.ge [sflag:s23], $0x1  }
0xa3: {  	[sflag:s23] =	ssyncset.done $0x0  }
0xa4: {  	s25 =	simm.s32 $0x1B8E;
	s24 =	sld [smem:$0x3FFE];
	[sflag:s23] =	ssyncadd.s32 $0xFFFFFFFF  }
0xa5: {  	s26 =	simm.s32 $execute0_lowered;
	[smem:$0x3FD2] =	sst s25  }
0xa6: {  	s4 =	sshll.u32 s26, $0x1;
	_ =	strace $0x8000004C;
	[dreg:$0x1] =	wrdreg $0xFFFFFFFF  }
0xa7: {  	s28 =	simm.s32 $_size_execute0_lowered;
	s2 =	sadd.s32 s2, s4;
	[dreg:$0x0] =	wrdreg $0x0  }
0xa8: {  	s4 =	sshll.u32 s28, $0x1;
	[dreg:$0x2] =	wrdreg s2  }
0xa9: {  	[dreg:$0x3] =	wrdreg s4  }
0xaa: {  	[dreg:$0x4] =	wrdreg $0xC0  }
0xab: {  	_ =	task [dreg:s6], $0x5FFFF  }
0xac: {  	[dreg:$0x1] =	wrdreg $0xFFFFFFFF  }
0xad: {  	[dreg:$0x0] =	wrdreg $0x60  }
0xae: {  	[dreg:$0x2] =	wrdreg s24  }
0xaf: {  	[dreg:$0x3] =	wrdreg $0x90000  }
0xb0: {  	[dreg:$0x4] =	wrdreg $0x9  }
0xb1: {  	_ =	task.clear_ibuf [dreg:s6], $0x5FFFF;
	_ =	strace $0x9000004C  }
0xb2: {  	s29 =	simm.s32 $0x9;
	_ =	strace $0x8000004E  }
0xb3: {  	_ =	swait.ge [sflag:s29], $0x1  }
0xb4: {  	[sflag:s29] =	ssyncadd.s32 $0xFFFFFFFF  }
0xb5: {  	_ =	strace $0x9000004E  }
0xb6: {  	_ =	sfence  }
0xb7: {  	s30 =	sld [smem:$0x0];
	_ =	sdelay $0x2  }
0xb8: {  	s31 =	sshll.u32 s1, $0xD;
	s1 =	sshrl.u32 s1, $0x2  }
0xb9: {  	s3 =	sand.u32 $0x4000, s31;
	s1 =	sadd.s32 s1, s30  }
0xba: {  	s0 =	sor.u32 s3, s0;
	s1 =	sshll.u32 s1, $0x11  }
0xbb: {  	s0 =	sor.u32 s1, s0  }
0xbc: {  	s0 =	sadd.s32 $0x8F2B, s0  }
0xbd: {  	[sflag:s0] =	ssyncadd.remote.s32 $0x1  }
0xbe: {  	_ =	sfence.sel $0xFFFF  }
0xbf: {  	[dreg:$0x0] =	wrdreg $0xFFFFFFFF;
	(pc) =	sbr.abs _section_cstart, $3  }
0xc0: {  	[dreg:$0x1] =	wrdreg $0xFFFFFFFF  }
0xc1: {  	_ =	task.clear_ibuf [dreg:s6], $0x2FFFF;
	_ =	strace $0x9FFFFFFF  }
0xc2: {  	(tm) =	ssettm $0x7FFFFFFF  }
0xc3: {  	_ =	shalt  }
tec
execute0_lowered:
.L_overlay_start_1:
0x0: {  	(tag) =	ssettag $0x1  }
0x1: {  	s0 =	rddreg [dreg:$0x0]  }
0x2: {  	s2 =	rddreg [dreg:$0x1];
	s3 =	simm.s32 $0x0;
	s13 =	stileid.u32  }
0x3: {  	s1 =	srdreg.scid;
	s16 =	simm.s32 $0x9;
	s17 =	simm.s32 $0x400  }
0x4: {  	s18 =	simm.s32 $0x1;
	s28 =	simm.s32 $0x480;
	s29 =	simm.s32 $0x7  }
0x5: {  	s30 =	simm.s32 $0xC00;
	s31 =	simm.s32 $0x3;
	s5 =	smul.u32 $0x2800, s13  }
0x6: {  	[smem:$0x7FF] =	sst s3;
	s1 =	sand.u32 $0x1, s1;
	s9 =	smul.u32 $0x50000, s13  }
0x7: {  	s4 =	sadd.s32 $0x40200, s0;
	s8 =	sadd.s32 $0x4200, s0;
	s21 =	smul.u32 $0x50, s13  }
0x8: {  	s23 =	sshll.u32 s13, $0x6;
	_ =	strace $0x8000004D;
	s6 =	smul.u32 $0x28000, s1  }
0x9: {  	s7 =	sshll.u32 s1, $0x4;
	s11 =	ssub.s32 $0x2, s1;
	s1 =	smul.u32 $0x500, s1  }
0xa: {  	s7 =	sor.u32 s13, s7;
	s10 =	sadd.s32 s5, s0;
	s19 =	sshrl.u32 s11, $0x1  }
0xb: {  	s20 =	sshrl.u32 s9, $0x2;
	s9 =	simm.s32 $0x0;
	s7 =	smul.u32 $0xA00, s7  }
0xc: {  	s0 =	sadd.s32 s6, s0;
	s12 =	ssub.s32 s11, s19;
	s15 =	sadd.s32 s20, s2  }
0xd: {  	s22 =	sadd.s32 $0x18200, s10;
	s6 =	sor.u32 $0x1C09, s23;
	s1 =	sadd.s32 s21, s1  }
0xe: {  	s19 =	simm.s32 $0x80;
	s20 =	simm.s32 $0x1000;
	s21 =	simm.s32 $0x5  }
0xf: {  	s23 =	simm.s32 $0x2;
	[dreg:$0x3] =	wrdreg s22;
	s1 =	sshll.u32 s1, $0x5  }
0x10: {  	s0 =	sadd.s32 $0x67400, s0;
	s26 =	smax.u32 s12, $0x1;
	s15 =	sshrl.u32 s15, $0x3  }
0x11: {  	s22 =	simm.s32 $0x800;
	s7 =	sadd.s32 s8, s7;
	s11 =	sadd.s32 s1, s8  }
0x12: {  	[dreg:$0x8] =	wrdreg s26;
	s0 =	sadd.s32 s5, s0;
	s26 =	simm.s32 $0x6  }
0x13: {  	s1 =	simm.s32 $0x8;
	s5 =	simm.s32 $0x4;
	[dreg:$0x4] =	wrdreg s7  }
0x14: {  	s8 =	simm.s32 $0xC80;
	s24 =	sadd.s32 $0x20, s7;
	[dreg:$0x9] =	wrdreg s0  }
0x15: {  	s25 =	sadd.s32 $0x40, s7;
	s7 =	sadd.s32 $0x60, s7;
	[dreg:$0x5] =	wrdreg s24  }
0x16: {  	s13 =	sadd.s32 $0xC0, s11;
	s14 =	sadd.s32 $0x80, s11;
	[dreg:$0x6] =	wrdreg s25  }
0x17: {  	s0 =	simm.s32 $0x880;
	[dreg:$0x7] =	wrdreg s7;
	s25 =	simm.s32 $0x5000  }
.LBB2_1:
0x18: {  	s7 =	rddreg [dreg:$0x3]  }
0x19: {  	[spmem:s15], [sflag:s6] =	dma.local [hbm:s7], $0x2800  }
0x1a: {  	_ =	swait.ge [sflag:s16], $0x2800  }
0x1b: {  	[sflag:s16] =	ssyncset.done $0x0  }
0x1c: {  	[sflag:s16] =	ssyncadd.s32 $0xFFFFD800  }
0x1d: {  	[bflag:$0x0] =	sbarrier.arrive $0xFFFF  }
0x1e: {  	s24 =	rddreg [dreg:$0x4]  }
0x1f: {  	[tilespmem:s3], [sflag:$0x1] =	stream.linear.gather [hbm4b:s24+s3], $0x100, $0x38;
	[tilespmem:$0x1D000] =	vst v63  }
0x20: {  	s10 =	rddreg [dreg:$0x5]  }
0x21: {  	[tilespmem:s17], [sflag:$0x2] =	stream.linear.gather [hbm4b:s10+s3], $0x100, $0x38;
	[tilespmem:$0x1D000] =	vst v63  }
0x22: {  	_ =	swait.ge [sflag:s18], $0x100  }
0x23: {  	[sflag:s18] =	ssyncset.done $0x0  }
0x24: {  	[sflag:s18] =	ssyncadd.s32 $0xFFFFFF00  }
0x25: {  	[tilespmem:s20], [sflag:$0x5] =	stream.indirect.gather [hbm4b:s4+s19], $0x80, s3, s19, $0xb8;
	[tilespmem:$0x1D000] =	vst v63  }
0x26: {  	_ =	swait.ge [sflag:s21], $0x4000  }
0x27: {  	[sflag:s21] =	ssyncset.done $0x0  }
0x28: {  	[sflag:s21] =	ssyncadd.s32 $0xFFFFC000  }
0x29: {  	[spmem:s2] =	stream.indirect.scatter.add.f32 [tilespmem:s20], [sflag:$0x7], $0x80, s19, s19, $0xb8;
	[tilespmem:$0x1D000] =	vst v63  }
0x2a: {  	s12 =	rddreg [dreg:$0x6]  }
0x2b: {  	[tilespmem:s22], [sflag:$0x3] =	stream.linear.gather [hbm4b:s12+s3], $0x100, $0x38;
	[tilespmem:$0x1D000] =	vst v63  }
0x2c: {  	_ =	swait.ge [sflag:s23], $0x100  }
0x2d: {  	[sflag:s23] =	ssyncset.done $0x0  }
0x2e: {  	[sflag:s23] =	ssyncadd.s32 $0xFFFFFF00  }
0x2f: {  	[tilespmem:s25], [sflag:$0x6] =	stream.indirect.gather [hbm4b:s4+s19], $0x80, s17, s19, $0xb8;
	[tilespmem:$0x1D000] =	vst v63  }
0x30: {  	_ =	swait.ge [sflag:s26], $0x4000  }
0x31: {  	[sflag:s26] =	ssyncset.done $0x0  }
0x32: {  	[sflag:s26] =	ssyncadd.s32 $0xFFFFC000  }
0x33: {  	[spmem:s2] =	stream.indirect.scatter.add.f32 [tilespmem:s25], [sflag:$0x8], $0x80, s28, s19, $0xb8;
	[tilespmem:$0x1D000] =	vst v63  }
0x34: {  	_ =	swait.ge [sflag:s29], $0x4000  }
0x35: {  	[sflag:s29] =	ssyncset.done $0x0  }
0x36: {  	s24 =	rddreg [dreg:$0x7];
	[sflag:s29] =	ssyncadd.s32 $0xFFFFC000  }
0x37: {  	[tilespmem:s30], [sflag:$0x4] =	stream.linear.gather [hbm4b:s24+s3], $0x100, $0x38;
	[tilespmem:$0x1D000] =	vst v63  }
0x38: {  	_ =	swait.ge [sflag:s31], $0x100  }
0x39: {  	[sflag:s31] =	ssyncset.done $0x0  }
0x3a: {  	[sflag:s31] =	ssyncadd.s32 $0xFFFFFF00  }
0x3b: {  	[tilespmem:s20], [sflag:$0x5] =	stream.indirect.gather [hbm4b:s4+s19], $0x80, s22, s19, $0xb8;
	[tilespmem:$0x1D000] =	vst v63  }
0x3c: {  	_ =	swait.ge [sflag:s21], $0x4000  }
0x3d: {  	[sflag:s21] =	ssyncset.done $0x0  }
0x3e: {  	[sflag:s21] =	ssyncadd.s32 $0xFFFFC000  }
0x3f: {  	[spmem:s2] =	stream.indirect.scatter.add.f32 [tilespmem:s20], [sflag:$0x7], $0x80, s0, s19, $0xb8;
	[tilespmem:$0x1D000] =	vst v63  }
0x40: {  	_ =	swait.ge [sflag:s1], $0x4000  }
0x41: {  	[sflag:s1] =	ssyncset.done $0x0  }
0x42: {  	s10 =	sadd.s32 $0x0, s14;
	[sflag:s1] =	ssyncadd.s32 $0xFFFFC000  }
0x43: {  	[tilespmem:s3], [sflag:$0x1] =	stream.linear.gather [hbm4b:s10+s3], $0x100, $0x38;
	[tilespmem:$0x1D000] =	vst v63  }
0x44: {  	_ =	swait.ge [sflag:s5], $0x100  }
0x45: {  	[sflag:s5] =	ssyncset.done $0x0  }
0x46: {  	[sflag:s5] =	ssyncadd.s32 $0xFFFFFF00  }
0x47: {  	[tilespmem:s25], [sflag:$0x6] =	stream.indirect.gather [hbm4b:s4+s19], $0x80, s30, s19, $0xb8;
	[tilespmem:$0x1D000] =	vst v63  }
0x48: {  	_ =	swait.ge [sflag:s26], $0x4000  }
0x49: {  	[sflag:s26] =	ssyncset.done $0x0  }
0x4a: {  	[sflag:s26] =	ssyncadd.s32 $0xFFFFC000  }
0x4b: {  	[spmem:s2] =	stream.indirect.scatter.add.f32 [tilespmem:s25], [sflag:$0x8], $0x80, s8, s19, $0xb8;
	[tilespmem:$0x1D000] =	vst v63  }
0x4c: {  	_ =	swait.ge [sflag:s29], $0x4000  }
0x4d: {  	s7 =	sadd.s32 $0x0, s11;
	[sflag:s29] =	ssyncset.done $0x0  }
0x4e: {  	s12 =	sadd.s32 $0xA0, s7;
	[sflag:s29] =	ssyncadd.s32 $0xFFFFC000  }
0x4f: {  	[tilespmem:s17], [sflag:$0x2] =	stream.linear.gather [hbm4b:s12+s3], $0x100, $0x38;
	[tilespmem:$0x1D000] =	vst v63  }
0x50: {  	_ =	swait.ge [sflag:s18], $0x100  }
0x51: {  	[sflag:s18] =	ssyncset.done $0x0  }
0x52: {  	[sflag:s18] =	ssyncadd.s32 $0xFFFFFF00  }
0x53: {  	[tilespmem:s20], [sflag:$0x5] =	stream.indirect.gather [hbm4b:s4+s19], $0x80, s3, s19, $0xb8;
	[tilespmem:$0x1D000] =	vst v63  }
0x54: {  	_ =	swait.ge [sflag:s21], $0x4000  }
0x55: {  	[sflag:s21] =	ssyncset.done $0x0  }
0x56: {  	[sflag:s21] =	ssyncadd.s32 $0xFFFFC000  }
0x57: {  	[spmem:s2] =	stream.indirect.scatter.add.f32 [tilespmem:s20], [sflag:$0x7], $0x80, s19, s19, $0xb8;
	[tilespmem:$0x1D000] =	vst v63  }
0x58: {  	_ =	swait.ge [sflag:s1], $0x4000  }
0x59: {  	[sflag:s1] =	ssyncset.done $0x0  }
0x5a: {  	s24 =	sadd.s32 $0x0, s13;
	[sflag:s1] =	ssyncadd.s32 $0xFFFFC000  }
0x5b: {  	[tilespmem:s22], [sflag:$0x3] =	stream.linear.gather [hbm4b:s24+s3], $0x100, $0x38;
	[tilespmem:$0x1D000] =	vst v63  }
0x5c: {  	_ =	swait.ge [sflag:s23], $0x100  }
0x5d: {  	[sflag:s23] =	ssyncset.done $0x0  }
0x5e: {  	[sflag:s23] =	ssyncadd.s32 $0xFFFFFF00  }
0x5f: {  	[tilespmem:s25], [sflag:$0x6] =	stream.indirect.gather [hbm4b:s4+s19], $0x80, s17, s19, $0xb8;
	[tilespmem:$0x1D000] =	vst v63  }
0x60: {  	_ =	swait.ge [sflag:s26], $0x4000  }
0x61: {  	[sflag:s26] =	ssyncset.done $0x0  }
0x62: {  	[sflag:s26] =	ssyncadd.s32 $0xFFFFC000  }
0x63: {  	[spmem:s2] =	stream.indirect.scatter.add.f32 [tilespmem:s25], [sflag:$0x8], $0x80, s28, s19, $0xb8;
	[tilespmem:$0x1D000] =	vst v63  }
0x64: {  	_ =	swait.ge [sflag:s29], $0x4000  }
0x65: {  	[sflag:s29] =	ssyncset.done $0x0  }
0x66: {  	s10 =	sadd.s32 $0xE0, s7;
	[sflag:s29] =	ssyncadd.s32 $0xFFFFC000  }
0x67: {  	[tilespmem:s30], [sflag:$0x4] =	stream.linear.gather [hbm4b:s10+s3], $0x100, $0x38;
	[tilespmem:$0x1D000] =	vst v63  }
0x68: {  	_ =	swait.ge [sflag:s31], $0x100  }
0x69: {  	[sflag:s31] =	ssyncset.done $0x0  }
0x6a: {  	s10 =	simm.s32 $0x80;
	[sflag:s31] =	ssyncadd.s32 $0xFFFFFF00  }
.LBB2_2:
0x6b: {  	[tilespmem:s20], [sflag:$0x5] =	stream.indirect.gather [hbm4b:s4+s19], $0x80, s22, s19, $0xb8;
	[tilespmem:$0x1D000] =	vst v63  }
0x6c: {  	s12 =	smov.u32 s10  }
0x6d: {  	p0 =	sne.s32 s10, $0x900;
	s10 =	sadd.s32 $0x80, s10;
	_ =	swait.ge [sflag:s21], $0x4000  }
0x6e: {  	[sflag:s21] =	ssyncset.done $0x0  }
0x6f: {  	[sflag:s21] =	ssyncadd.s32 $0xFFFFC000  }
0x70: {  	[spmem:s2] =	stream.indirect.scatter.add.f32 [tilespmem:s20], [sflag:$0x7], $0x80, s0, s19, $0xb8;
	[tilespmem:$0x1D000] =	vst v63  }
0x71: {  	_ =	swait.ge [sflag:s1], $0x4000  }
0x72: {  	[sflag:s1] =	ssyncset.done $0x0  }
0x73: {  	s24 =	sadd.s32 s12, s14;
	[sflag:s1] =	ssyncadd.s32 $0xFFFFC000  }
0x74: {  	[tilespmem:s3], [sflag:$0x1] =	stream.linear.gather [hbm4b:s24+s3], $0x100, $0x38;
	[tilespmem:$0x1D000] =	vst v63  }
0x75: {  	_ =	swait.ge [sflag:s5], $0x100  }
0x76: {  	[sflag:s5] =	ssyncset.done $0x0  }
0x77: {  	[sflag:s5] =	ssyncadd.s32 $0xFFFFFF00  }
0x78: {  	[tilespmem:s25], [sflag:$0x6] =	stream.indirect.gather [hbm4b:s4+s19], $0x80, s30, s19, $0xb8;
	[tilespmem:$0x1D000] =	vst v63  }
0x79: {  	_ =	swait.ge [sflag:s26], $0x4000  }
0x7a: {  	[sflag:s26] =	ssyncset.done $0x0  }
0x7b: {  	[sflag:s26] =	ssyncadd.s32 $0xFFFFC000  }
0x7c: {  	[spmem:s2] =	stream.indirect.scatter.add.f32 [tilespmem:s25], [sflag:$0x8], $0x80, s8, s19, $0xb8;
	[tilespmem:$0x1D000] =	vst v63  }
0x7d: {  	_ =	swait.ge [sflag:s29], $0x4000  }
0x7e: {  	s24 =	sadd.s32 s12, s11;
	[sflag:s29] =	ssyncset.done $0x0  }
0x7f: {  	s7 =	sadd.s32 $0xA0, s24;
	[sflag:s29] =	ssyncadd.s32 $0xFFFFC000  }
0x80: {  	[tilespmem:s17], [sflag:$0x2] =	stream.linear.gather [hbm4b:s7+s3], $0x100, $0x38;
	[tilespmem:$0x1D000] =	vst v63  }
0x81: {  	_ =	swait.ge [sflag:s18], $0x100  }
0x82: {  	[sflag:s18] =	ssyncset.done $0x0  }
0x83: {  	[sflag:s18] =	ssyncadd.s32 $0xFFFFFF00  }
0x84: {  	[tilespmem:s20], [sflag:$0x5] =	stream.indirect.gather [hbm4b:s4+s19], $0x80, s3, s19, $0xb8;
	[tilespmem:$0x1D000] =	vst v63  }
0x85: {  	_ =	swait.ge [sflag:s21], $0x4000  }
0x86: {  	[sflag:s21] =	ssyncset.done $0x0  }
0x87: {  	[sflag:s21] =	ssyncadd.s32 $0xFFFFC000  }
0x88: {  	[spmem:s2] =	stream.indirect.scatter.add.f32 [tilespmem:s20], [sflag:$0x7], $0x80, s19, s19, $0xb8;
	[tilespmem:$0x1D000] =	vst v63  }
0x89: {  	_ =	swait.ge [sflag:s1], $0x4000  }
0x8a: {  	[sflag:s1] =	ssyncset.done $0x0  }
0x8b: {  	s7 =	sadd.s32 s12, s13;
	[sflag:s1] =	ssyncadd.s32 $0xFFFFC000  }
0x8c: {  	[tilespmem:s22], [sflag:$0x3] =	stream.linear.gather [hbm4b:s7+s3], $0x100, $0x38;
	[tilespmem:$0x1D000] =	vst v63  }
0x8d: {  	_ =	swait.ge [sflag:s23], $0x100  }
0x8e: {  	[sflag:s23] =	ssyncset.done $0x0  }
0x8f: {  	[sflag:s23] =	ssyncadd.s32 $0xFFFFFF00  }
0x90: {  	[tilespmem:s25], [sflag:$0x6] =	stream.indirect.gather [hbm4b:s4+s19], $0x80, s17, s19, $0xb8;
	[tilespmem:$0x1D000] =	vst v63  }
0x91: {  	_ =	swait.ge [sflag:s26], $0x4000  }
0x92: {  	[sflag:s26] =	ssyncset.done $0x0  }
0x93: {  	[sflag:s26] =	ssyncadd.s32 $0xFFFFC000  }
0x94: {  	[spmem:s2] =	stream.indirect.scatter.add.f32 [tilespmem:s25], [sflag:$0x8], $0x80, s28, s19, $0xb8;
	[tilespmem:$0x1D000] =	vst v63  }
0x95: {  	_ =	swait.ge [sflag:s29], $0x4000  }
0x96: {  	[sflag:s29] =	ssyncset.done $0x0  }
.Ltmp0:
0x97: {  	s7 =	sadd.s32 $0xE0, s24;
	[sflag:s29] =	ssyncadd.s32 $0xFFFFC000;
	(pc) =	sbr.rel @p0 .LBB2_2-.Ltmp0, $4  }
0x98: {  	[tilespmem:s30], [sflag:$0x4] =	stream.linear.gather [hbm4b:s7+s3], $0x100, $0x38;
	[tilespmem:$0x1D000] =	vst v63  }
0x99: {  	_ =	swait.ge [sflag:s31], $0x100  }
0x9a: {  	[sflag:s31] =	ssyncset.done $0x0  }
0x9b: {  	[sflag:s31] =	ssyncadd.s32 $0xFFFFFF00  }
0x9c: {  	[tilespmem:s20], [sflag:$0x5] =	stream.indirect.gather [hbm4b:s4+s19], $0x80, s22, s19, $0xb8;
	[tilespmem:$0x1D000] =	vst v63  }
0x9d: {  	_ =	swait.ge [sflag:s21], $0x4000  }
0x9e: {  	[sflag:s21] =	ssyncset.done $0x0  }
0x9f: {  	[sflag:s21] =	ssyncadd.s32 $0xFFFFC000  }
0xa0: {  	[spmem:s2] =	stream.indirect.scatter.add.f32 [tilespmem:s20], [sflag:$0x7], $0x80, s0, s19, $0xb8;
	[tilespmem:$0x1D000] =	vst v63  }
0xa1: {  	_ =	swait.ge [sflag:s1], $0x4000  }
0xa2: {  	[sflag:s1] =	ssyncset.done $0x0  }
0xa3: {  	[sflag:s1] =	ssyncadd.s32 $0xFFFFC000  }
0xa4: {  	_ =	swait.ge [sflag:s5], $0x100  }
0xa5: {  	[sflag:s5] =	ssyncset.done $0x0  }
0xa6: {  	[sflag:s5] =	ssyncadd.s32 $0xFFFFFF00  }
0xa7: {  	[tilespmem:s25], [sflag:$0x6] =	stream.indirect.gather [hbm4b:s4+s19], $0x80, s30, s19, $0xb8;
	[tilespmem:$0x1D000] =	vst v63  }
0xa8: {  	_ =	swait.ge [sflag:s26], $0x4000  }
0xa9: {  	[sflag:s26] =	ssyncset.done $0x0  }
0xaa: {  	[sflag:s26] =	ssyncadd.s32 $0xFFFFC000  }
0xab: {  	[spmem:s2] =	stream.indirect.scatter.add.f32 [tilespmem:s25], [sflag:$0x8], $0x80, s8, s19, $0xb8;
	[tilespmem:$0x1D000] =	vst v63  }
0xac: {  	_ =	swait.ge [sflag:s29], $0x4000  }
0xad: {  	[sflag:s29] =	ssyncset.done $0x0  }
0xae: {  	[sflag:s29] =	ssyncadd.s32 $0xFFFFC000  }
0xaf: {  	_ =	swait.ge [sflag:s1], $0x4000  }
0xb0: {  	[sflag:s1] =	ssyncset.done $0x0  }
0xb1: {  	[sflag:s1] =	ssyncadd.s32 $0xFFFFC000  }
0xb2: {  	[bflag:$0x0] =	sbarrier.arrive $0xFFFF  }
0xb3: {  	s7 =	rddreg [dreg:$0x9]  }
0xb4: {  	[hbm:s7], [sflag:s6] =	dma.local [spmem:s15], $0x2800  }
0xb5: {  	_ =	swait.ge [sflag:s16], $0x2800  }
0xb6: {  	s9 =	sadd.s32 $0x1, s9;
	s24 =	rddreg [dreg:$0x8]  }
0xb7: {  	p0 =	sne.s32 s9, s24  }
.Ltmp1:
0xb8: {  	_ = 	snop;
	(pc) =	sbr.rel @p0 .LBB2_1-.Ltmp1, $3  }
0xb9: {  	_ =	sdelay $0x1  }
0xba: {  	[sflag:s16] =	ssyncset.done $0x0  }
0xbb: {  	[sflag:s16] =	ssyncadd.s32 $0xFFFFD800  }
0xbc: {  	_ =	sfence.sel $0x180000  }
0xbd: {  	[bflag:$0x0] =	sbarrier.arrive $0xFFFF  }
0xbe: {  	_ =	strace $0x9000004D  }
0xbf: {  	s0 =	stileid.u32;
	[bflag:$0x2] =	sbarrier.arrive $0xFFFF  }
0xc0: {  	p0 =	sne.s32 s0, $0x0;
	s0 =	rddreg [dreg:$0x2]  }
0xc1: {  	s0 =	sadd.s32 @!p0 $0x100000, s0  }
0xc2: {  	[sflag:s0] =	ssyncadd.tile.s32 @!p0 $0x1;
	_ =	shalt  }
.Lfunc_end2:
_tile_overlayer_lowered:
.L_overlay_start_2:
0xc3: {  	(tag) =	ssettag $0x2  }
0xc4: {  	s0 =	rddreg [dreg:$0x0];
	s2 =	stileid.u32  }
0xc5: {  	s1 =	rddreg [dreg:$0x1];
	p0 =	sne.s32 s2, $0x0  }
0xc6: {  	s3 =	rddreg [dreg:$0x2];
	[bflag:$0x3] =	sbarrier.arrive $0xFFFF;
	s2 =	simm.s32 @!p0 $0x1C09  }
0xc7: {  	[timem:s3], [sflag:s2] =	dma.local @!p0 [hbm:s0], s1  }
0xc8: {  	s0 =	simm.s32 @!p0 $0x9  }
0xc9: {  	_ =	swait.ge @!p0 [sflag:s0], s1  }
0xca: {  	s1 =	ssub.s32 @!p0 $0x0, s1;
	[sflag:s0] =	ssyncset.done @!p0 $0x0  }
0xcb: {  	[sflag:s0] =	ssyncadd.s32 @!p0 s1  }
0xcc: {  	[bflag:$0x3] =	sbarrier.arrive $0xFFFF  }
0xcd: {  	_ =	shalt  }

// kernel: kernel.8.cloned.1.call-start
scs
__scs_entry_jumppad:
0x0: {  	(pc) =	sbr.rel $0x88, $3  }
0x1: {  	(tag) =	ssettag $0x0;
	lr =	simm.s32 $0x1  }
0x2: {  	[smem:$0x3F8C] =	sst lr;
	_ =	strace $0xD0000000  }
0x3: {  	_ = 	snop  }
0x4: {  	_ = 	snop  }
0x5: {  	_ = 	snop  }
0x6: {  	_ = 	snop  }
0x7: {  	_ = 	snop  }
__scs_overlays_trampoline_lowered:
0x8: {  	[smem:$0x3F9B] =	sst s0  }
0x9: {  	[smem:$0x3F9C] =	sst s1  }
0xa: {  	[smem:$0x3F9D] =	sst s2  }
0xb: {  	[smem:$0x3F9E] =	sst s3  }
0xc: {  	[smem:$0x3F9F] =	sst s4  }
0xd: {  	[smem:$0x3FA0] =	sst s5  }
0xe: {  	[smem:$0x3FA1] =	sst s6  }
0xf: {  	[smem:$0x3FA2] =	sst s7  }
0x10: {  	[smem:$0x3FA3] =	sst s8  }
0x11: {  	[smem:$0x3FA4] =	sst s9;
	s0 =	simm.s32 @!p0 $0x0  }
0x12: {  	s1 =	sld [smem:$0x3F8A];
	s0 =	simm.s32 @p0 $0x1  }
0x13: {  	[smem:$0x3FA5] =	sst s0;
	s0 =	simm.s32 @!p1 $0x0  }
0x14: {  	s2 =	sld [smem:$0x3F89];
	s0 =	simm.s32 @p1 $0x1  }
0x15: {  	[smem:$0x3FA6] =	sst s0;
	s0 =	simm.s32 @!p2 $0x0  }
0x16: {  	s3 =	sld [smem:$0x3FDB];
	s0 =	simm.s32 @p2 $0x1  }
0x17: {  	s4 =	simm.s32 $0x1BF5;
	[smem:$0x3FA8] =	sst s0  }
0x18: {  	s0 =	sld [smem:$0x3F8B];
	_ =	swait.ge [sflag:s4], $0x0  }
0x19: {  	s7 =	sld [smem:$0x3F8C]  }
0x1a: {  	s8 =	sadd.s32 $0xFFFFE003, lr  }
0x1b: {  	s9 =	sadd.s32 $0xFFFFFEF7, lr;
	s5 =	simm.s32 $0xFFFFFFFF;
	p2 =	slt.u32 s8, $0xFFFFF086  }
0x1c: {  	p1 =	slt.u32 s9, $0xF7A;
	s5 =	simm.s32 @!p2 $0x0  }
0x1d: {  	s5 =	simm.s32 @p1 $0x1;
	p0 =	seq.s32 s7, s2  }
0x1e: {  	s7 =	smul.u32 @!p0 $0xF7A, s2;
	p2 =	seq.s32 @!p0 s5, $0x0  }
0x1f: {  	s9 =	smul.u32 $0xF7A, s1;
	s8 =	simm.s32 @!p0 $0x1BF5;
	p2 =	por !p2, p0  }
0x20: {  	[sflag:s8] =	ssyncset.s32 @!p0 $0xFFFFF086;
	s6 =	sadd.s32 @!p0 s3, s7;
	s7 =	simm.s32 @!p0 $0x108  }
0x21: {  	s3 =	sadd.s32 s3, s9;
	s6 =	sadd.s32 @!p0 $0x88, s6;
	s7 =	simm.s32 @p2 $0x1082  }
0x22: {  	[simem:s7], [sflag:s8] =	dma.local @!p0 [hbm:s6], $0xF7A  }
0x23: {  	s9 =	sor.u32 $0xD0000000, s2;
	s6 =	simm.s32 $0x108;
	_ =	swait.ge @!p0 [sflag:s8], $0x0  }
0x24: {  	s3 =	sadd.s32 $0x88, s3;
	s6 =	simm.s32 @!p1 $0x1082;
	[sflag:s4] =	ssyncset.s32 $0xFFFFF086  }
0x25: {  	[simem:s6], [sflag:s4] =	dma.local [hbm:s3], $0xF7A  }
0x26: {  	[smem:$0x3F8C] =	sst s1;
	(tag) =	ssettag s2;
	_ =	strace s9  }
0x27: {  	s1 =	sld [smem:$0x3F9C]  }
0x28: {  	s2 =	sld [smem:$0x3F9D]  }
0x29: {  	s4 =	sld [smem:$0x3F9F]  }
0x2a: {  	p0 =	seq.s32 s5, $0x0;
	s5 =	sld [smem:$0x3FA0]  }
0x2b: {  	s6 =	sld [smem:$0x3FA1]  }
0x2c: {  	s7 =	sld [smem:$0x3FA2]  }
0x2d: {  	s3 =	simm.s32 $0x108;
	s8 =	sld [smem:$0x3FA3]  }
0x2e: {  	s3 =	simm.s32 @!p0 $0x1082;
	s9 =	sld [smem:$0x3FA4]  }
0x2f: {  	lr =	sadd.s32 s0, s3;
	s0 =	sld [smem:$0x3F9B]  }
0x30: {  	s3 =	sld [smem:$0x3F9E]  }
0x31: {  	[smem:$0x3FA7] =	sst s10  }
0x32: {  	s10 =	sld [smem:$0x3FA5];
	_ =	sdelay $0x3  }
0x33: {  	p0 =	seq.s32 s10, $0x1;
	s10 =	sld [smem:$0x3FA7];
	_ =	sdelay $0x3  }
0x34: {  	[smem:$0x3FA7] =	sst s10  }
0x35: {  	s10 =	sld [smem:$0x3FA6];
	_ =	sdelay $0x3  }
0x36: {  	p1 =	seq.s32 s10, $0x1;
	s10 =	sld [smem:$0x3FA7];
	_ =	sdelay $0x3  }
0x37: {  	[smem:$0x3FA7] =	sst s10  }
0x38: {  	s10 =	sld [smem:$0x3FA8]  }
0x39: {  	_ = 	snop;
	(pc) =	sbr.ind lr, $3  }
0x3a: {  	_ = 	snop  }
0x3b: {  	_ = 	snop  }
0x3c: {  	p2 =	seq.s32 s10, $0x1;
	s10 =	sld [smem:$0x3FA7]  }
0x3d: {  	_ =	shalt  }
0x3e: {  	_ =	shalt  }
0x3f: {  	_ =	shalt  }
0x40: {  	_ =	shalt  }
0x41: {  	_ =	shalt  }
0x42: {  	_ =	shalt  }
0x43: {  	_ =	shalt  }
0x44: {  	_ =	shalt  }
0x45: {  	_ =	shalt  }
0x46: {  	_ =	shalt  }
0x47: {  	_ =	shalt  }
0x48: {  	_ =	shalt  }
0x49: {  	_ =	shalt  }
0x4a: {  	_ =	shalt  }
0x4b: {  	_ =	shalt  }
0x4c: {  	_ =	shalt  }
0x4d: {  	_ =	shalt  }
0x4e: {  	_ =	shalt  }
0x4f: {  	_ =	shalt  }
0x50: {  	_ =	shalt  }
0x51: {  	_ =	shalt  }
0x52: {  	_ =	shalt  }
0x53: {  	_ =	shalt  }
0x54: {  	_ =	shalt  }
0x55: {  	_ =	shalt  }
0x56: {  	_ =	shalt  }
0x57: {  	_ =	shalt  }
0x58: {  	_ =	shalt  }
0x59: {  	_ =	shalt  }
0x5a: {  	_ =	shalt  }
0x5b: {  	_ =	shalt  }
0x5c: {  	_ =	shalt  }
0x5d: {  	_ =	shalt  }
0x5e: {  	_ =	shalt  }
0x5f: {  	_ =	shalt  }
0x60: {  	_ =	shalt  }
0x61: {  	_ =	shalt  }
0x62: {  	_ =	shalt  }
0x63: {  	_ =	shalt  }
0x64: {  	_ =	shalt  }
0x65: {  	_ =	shalt  }
0x66: {  	_ =	shalt  }
0x67: {  	_ =	shalt  }
0x68: {  	_ =	shalt  }
0x69: {  	_ =	shalt  }
0x6a: {  	_ =	shalt  }
0x6b: {  	_ =	shalt  }
0x6c: {  	_ =	shalt  }
0x6d: {  	_ =	shalt  }
0x6e: {  	_ =	shalt  }
0x6f: {  	_ =	shalt  }
0x70: {  	_ =	shalt  }
0x71: {  	_ =	shalt  }
0x72: {  	_ =	shalt  }
0x73: {  	_ =	shalt  }
0x74: {  	_ =	shalt  }
0x75: {  	_ =	shalt  }
0x76: {  	_ =	shalt  }
0x77: {  	_ =	shalt  }
0x78: {  	_ =	shalt  }
0x79: {  	_ =	shalt  }
0x7a: {  	_ =	shalt  }
0x7b: {  	_ =	shalt  }
0x7c: {  	_ =	shalt  }
0x7d: {  	_ =	shalt  }
0x7e: {  	_ =	shalt  }
0x7f: {  	_ =	shalt  }
0x80: {  	_ =	shalt  }
0x81: {  	_ =	shalt  }
0x82: {  	_ =	shalt  }
0x83: {  	_ =	shalt  }
0x84: {  	_ =	shalt  }
0x85: {  	_ =	shalt  }
0x86: {  	_ =	shalt  }
0x87: {  	_ =	shalt  }
.Lfunc_end0:
.L_simem_size_0:
called_computation_lowered:
.L_overlay_start_0:
0x88: {  	s2 =	sld [smem:$0x3FD9]  }
0x89: {  	s3 =	sld [smem:$0x3FFE];
	_ =	sdelay $0x1  }
0x8a: {  	s1 =	srdreg.scid  }
0x8b: {  	s0 =	sand.u32 $0x1, s1  }
0x8c: {  	s17 =	sshll.u32 s0, $0xA;
	s2 =	sadd.s32 s3, s2  }
0x8d: {  	s2 =	sadd.s32 s2, s17  }
0x8e: {  	[smem:$0x3FB3] =	sst s2  }
0x8f: {  	_ = 	snop  }
0x90: {  	s2 =	sld [smem:$0x3FC9];
	(tm) =	ssettm $0x1  }
0x91: {  	s18 =	sld [smem:$0x3FFB];
	_ =	sdelay $0x3  }
0x92: {  	_ =	strace s18  }
0x93: {  	s3 =	sld [smem:$0x3FFC];
	_ =	sdelay $0x3  }
0x94: {  	_ =	strace s3  }
0x95: {  	s3 =	sld [smem:$0x3FFD];
	_ =	sdelay $0x3  }
0x96: {  	_ =	strace s3  }
0x97: {  	_ =	strace $0x8FFFFFFF  }
0x98: {  	s19 =	sld [smem:$0x3FDB];
	_ =	sdelay $0x1  }
0x99: {  	s4 =	simm.s32 $_scs_section_size  }
0x9a: {  	s5 =	simm.s32 $_size__tile_overlayer_lowered;
	s6 =	simm.s32 $_tile_overlayer_lowered  }
0x9b: {  	s22 =	simm.s32 $0x1BFF;
	s21 =	sshll.u32 s6, $0x1;
	s3 =	sadd.s32 s4, s19  }
0x9c: {  	s7 =	simm.s32 $0x0;
	s20 =	sshll.u32 s5, $0x1;
	s5 =	sadd.s32 s21, s3  }
0x9d: {  	[timem:s7], [sflag:s22] =	dma.local [hbm:s5], s20  }
0x9e: {  	_ =	swait.ge [sflag:s22], s20  }
0x9f: {  	s4 =	ssub.s32 $0x0, s20;
	[sflag:s22] =	ssyncset.done $0x0  }
0xa0: {  	[sflag:s22] =	ssyncadd.s32 s4;
	_ =	sdelay $0x1  }
0xa1: {  	s23 =	simm.s32 $0x1B8B  }
0xa2: {  	_ =	swait.ge [sflag:s23], $0x1  }
0xa3: {  	[sflag:s23] =	ssyncset.done $0x0  }
0xa4: {  	s25 =	simm.s32 $0x1B8E;
	s24 =	sld [smem:$0x3FFE];
	[sflag:s23] =	ssyncadd.s32 $0xFFFFFFFF  }
0xa5: {  	s26 =	simm.s32 $execute0_lowered;
	[smem:$0x3FD2] =	sst s25  }
0xa6: {  	s5 =	sshll.u32 s26, $0x1;
	_ =	strace $0x80000046;
	[dreg:$0x1] =	wrdreg $0xFFFFFFFF  }
0xa7: {  	s28 =	simm.s32 $_size_execute0_lowered;
	s3 =	sadd.s32 s3, s5;
	[dreg:$0x0] =	wrdreg $0x0  }
0xa8: {  	s5 =	sshll.u32 s28, $0x1;
	[dreg:$0x2] =	wrdreg s3  }
0xa9: {  	[dreg:$0x3] =	wrdreg s5  }
0xaa: {  	[dreg:$0x4] =	wrdreg $0xC0  }
0xab: {  	_ =	task [dreg:s7], $0x5FFFF  }
0xac: {  	[dreg:$0x1] =	wrdreg $0xFFFFFFFF  }
0xad: {  	[dreg:$0x0] =	wrdreg $0x60  }
0xae: {  	[dreg:$0x2] =	wrdreg s2  }
0xaf: {  	[dreg:$0x3] =	wrdreg s24  }
0xb0: {  	[dreg:$0x4] =	wrdreg $0x90000  }
0xb1: {  	[dreg:$0x5] =	wrdreg $0x9  }
0xb2: {  	_ =	task.clear_ibuf [dreg:s7], $0x6FFFF;
	_ =	strace $0x90000046  }
0xb3: {  	s29 =	simm.s32 $0x9;
	_ =	strace $0x80000048  }
0xb4: {  	_ =	swait.ge [sflag:s29], $0x1  }
0xb5: {  	[sflag:s29] =	ssyncadd.s32 $0xFFFFFFFF  }
0xb6: {  	_ =	strace $0x90000048  }
0xb7: {  	_ =	sfence  }
0xb8: {  	s30 =	sld [smem:$0x0];
	_ =	sdelay $0x2  }
0xb9: {  	s31 =	sshll.u32 s1, $0xD;
	s1 =	sshrl.u32 s1, $0x2  }
0xba: {  	s3 =	sand.u32 $0x4000, s31;
	s1 =	sadd.s32 s1, s30  }
0xbb: {  	s0 =	sor.u32 s3, s0;
	s1 =	sshll.u32 s1, $0x11  }
0xbc: {  	s0 =	sor.u32 s1, s0  }
0xbd: {  	s0 =	sadd.s32 $0x8F2B, s0  }
0xbe: {  	[sflag:s0] =	ssyncadd.remote.s32 $0x1  }
0xbf: {  	_ =	sfence.sel $0xFFFF  }
0xc0: {  	[dreg:$0x0] =	wrdreg $0xFFFFFFFF;
	(pc) =	sbr.abs _section_cstart, $3  }
0xc1: {  	[dreg:$0x1] =	wrdreg $0xFFFFFFFF  }
0xc2: {  	_ =	task.clear_ibuf [dreg:s7], $0x2FFFF;
	_ =	strace $0x9FFFFFFF  }
0xc3: {  	(tm) =	ssettm $0x7FFFFFFF  }
tec
execute0_lowered:
.L_overlay_start_1:
0x0: {  	(tag) =	ssettag $0x1  }
0x1: {  	s1 =	rddreg [dreg:$0x0]  }
0x2: {  	s0 =	rddreg [dreg:$0x1]  }
0x3: {  	s3 =	rddreg [dreg:$0x2];
	s4 =	simm.s32 $0x0  }
0x4: {  	s13 =	stileid.u32;
	s2 =	srdreg.scid;
	s16 =	simm.s32 $0x9  }
0x5: {  	s17 =	simm.s32 $0x400;
	s18 =	simm.s32 $0x1;
	s28 =	simm.s32 $0x480  }
0x6: {  	s29 =	simm.s32 $0x7;
	s30 =	simm.s32 $0xC00;
	s5 =	smul.u32 $0x2800, s13  }
0x7: {  	s31 =	simm.s32 $0x3;
	[smem:$0x7FF] =	sst s4;
	s9 =	smul.u32 $0x50000, s13  }
0x8: {  	s2 =	sand.u32 $0x1, s2;
	s8 =	sadd.s32 $0x4200, s0;
	s21 =	smul.u32 $0x50, s13  }
0x9: {  	s23 =	sshll.u32 s13, $0x6;
	_ =	strace $0x80000047;
	s6 =	smul.u32 $0x28000, s2  }
0xa: {  	s7 =	sshll.u32 s2, $0x4;
	s11 =	ssub.s32 $0x2, s2;
	s2 =	smul.u32 $0x500, s2  }
0xb: {  	s7 =	sor.u32 s13, s7;
	s10 =	sadd.s32 s5, s0;
	s19 =	sshrl.u32 s11, $0x1  }
0xc: {  	s20 =	sshrl.u32 s9, $0x2;
	s9 =	simm.s32 $0x0;
	s7 =	smul.u32 $0xA00, s7  }
0xd: {  	s0 =	sadd.s32 s6, s0;
	s12 =	ssub.s32 s11, s19;
	s15 =	sadd.s32 s20, s3  }
0xe: {  	s22 =	sadd.s32 $0x18200, s10;
	s6 =	sor.u32 $0x1C09, s23;
	s2 =	sadd.s32 s21, s2  }
0xf: {  	s19 =	simm.s32 $0x80;
	s20 =	simm.s32 $0x1000;
	s21 =	simm.s32 $0x5  }
0x10: {  	s23 =	simm.s32 $0x2;
	[dreg:$0x4] =	wrdreg s22;
	s2 =	sshll.u32 s2, $0x5  }
0x11: {  	s0 =	sadd.s32 $0x40200, s0;
	s26 =	smax.u32 s12, $0x1;
	s15 =	sshrl.u32 s15, $0x3  }
0x12: {  	s22 =	simm.s32 $0x800;
	s7 =	sadd.s32 s8, s7;
	s11 =	sadd.s32 s2, s8  }
0x13: {  	[dreg:$0x9] =	wrdreg s26;
	s0 =	sadd.s32 s5, s0;
	s26 =	simm.s32 $0x6  }
0x14: {  	s2 =	simm.s32 $0x8;
	s5 =	simm.s32 $0x4;
	[dreg:$0x5] =	wrdreg s7  }
0x15: {  	s8 =	simm.s32 $0xC80;
	s24 =	sadd.s32 $0x20, s7;
	[dreg:$0xa] =	wrdreg s0  }
0x16: {  	s25 =	sadd.s32 $0x40, s7;
	s7 =	sadd.s32 $0x60, s7;
	[dreg:$0x6] =	wrdreg s24  }
0x17: {  	s13 =	sadd.s32 $0xC0, s11;
	s14 =	sadd.s32 $0x80, s11;
	[dreg:$0x7] =	wrdreg s25  }
0x18: {  	s0 =	simm.s32 $0x880;
	[dreg:$0x8] =	wrdreg s7;
	s25 =	simm.s32 $0x5000  }
.LBB2_1:
0x19: {  	s7 =	rddreg [dreg:$0x4]  }
0x1a: {  	[spmem:s15], [sflag:s6] =	dma.local [hbm:s7], $0x2800  }
0x1b: {  	_ =	swait.ge [sflag:s16], $0x2800  }
0x1c: {  	[sflag:s16] =	ssyncset.done $0x0  }
0x1d: {  	[sflag:s16] =	ssyncadd.s32 $0xFFFFD800  }
0x1e: {  	[bflag:$0x0] =	sbarrier.arrive $0xFFFF  }
0x1f: {  	s24 =	rddreg [dreg:$0x5]  }
0x20: {  	[tilespmem:s4], [sflag:$0x1] =	stream.linear.gather [hbm4b:s24+s4], $0x100, $0x38;
	[tilespmem:$0x1D000] =	vst v63  }
0x21: {  	s10 =	rddreg [dreg:$0x6]  }
0x22: {  	[tilespmem:s17], [sflag:$0x2] =	stream.linear.gather [hbm4b:s10+s4], $0x100, $0x38;
	[tilespmem:$0x1D000] =	vst v63  }
0x23: {  	_ =	swait.ge [sflag:s18], $0x100  }
0x24: {  	[sflag:s18] =	ssyncset.done $0x0  }
0x25: {  	[sflag:s18] =	ssyncadd.s32 $0xFFFFFF00  }
0x26: {  	[tilespmem:s20], [sflag:$0x5] =	stream.indirect.gather [hbm4b:s1+s19], $0x80, s4, s19, $0xb8;
	[tilespmem:$0x1D000] =	vst v63  }
0x27: {  	_ =	swait.ge [sflag:s21], $0x4000  }
0x28: {  	[sflag:s21] =	ssyncset.done $0x0  }
0x29: {  	[sflag:s21] =	ssyncadd.s32 $0xFFFFC000  }
0x2a: {  	[spmem:s3] =	stream.indirect.scatter.add.f32 [tilespmem:s20], [sflag:$0x7], $0x80, s19, s19, $0xb8;
	[tilespmem:$0x1D000] =	vst v63  }
0x2b: {  	s12 =	rddreg [dreg:$0x7]  }
0x2c: {  	[tilespmem:s22], [sflag:$0x3] =	stream.linear.gather [hbm4b:s12+s4], $0x100, $0x38;
	[tilespmem:$0x1D000] =	vst v63  }
0x2d: {  	_ =	swait.ge [sflag:s23], $0x100  }
0x2e: {  	[sflag:s23] =	ssyncset.done $0x0  }
0x2f: {  	[sflag:s23] =	ssyncadd.s32 $0xFFFFFF00  }
0x30: {  	[tilespmem:s25], [sflag:$0x6] =	stream.indirect.gather [hbm4b:s1+s19], $0x80, s17, s19, $0xb8;
	[tilespmem:$0x1D000] =	vst v63  }
0x31: {  	_ =	swait.ge [sflag:s26], $0x4000  }
0x32: {  	[sflag:s26] =	ssyncset.done $0x0  }
0x33: {  	[sflag:s26] =	ssyncadd.s32 $0xFFFFC000  }
0x34: {  	[spmem:s3] =	stream.indirect.scatter.add.f32 [tilespmem:s25], [sflag:$0x8], $0x80, s28, s19, $0xb8;
	[tilespmem:$0x1D000] =	vst v63  }
0x35: {  	_ =	swait.ge [sflag:s29], $0x4000  }
0x36: {  	[sflag:s29] =	ssyncset.done $0x0  }
0x37: {  	s24 =	rddreg [dreg:$0x8];
	[sflag:s29] =	ssyncadd.s32 $0xFFFFC000  }
0x38: {  	[tilespmem:s30], [sflag:$0x4] =	stream.linear.gather [hbm4b:s24+s4], $0x100, $0x38;
	[tilespmem:$0x1D000] =	vst v63  }
0x39: {  	_ =	swait.ge [sflag:s31], $0x100  }
0x3a: {  	[sflag:s31] =	ssyncset.done $0x0  }
0x3b: {  	[sflag:s31] =	ssyncadd.s32 $0xFFFFFF00  }
0x3c: {  	[tilespmem:s20], [sflag:$0x5] =	stream.indirect.gather [hbm4b:s1+s19], $0x80, s22, s19, $0xb8;
	[tilespmem:$0x1D000] =	vst v63  }
0x3d: {  	_ =	swait.ge [sflag:s21], $0x4000  }
0x3e: {  	[sflag:s21] =	ssyncset.done $0x0  }
0x3f: {  	[sflag:s21] =	ssyncadd.s32 $0xFFFFC000  }
0x40: {  	[spmem:s3] =	stream.indirect.scatter.add.f32 [tilespmem:s20], [sflag:$0x7], $0x80, s0, s19, $0xb8;
	[tilespmem:$0x1D000] =	vst v63  }
0x41: {  	_ =	swait.ge [sflag:s2], $0x4000  }
0x42: {  	[sflag:s2] =	ssyncset.done $0x0  }
0x43: {  	s10 =	sadd.s32 $0x0, s14;
	[sflag:s2] =	ssyncadd.s32 $0xFFFFC000  }
0x44: {  	[tilespmem:s4], [sflag:$0x1] =	stream.linear.gather [hbm4b:s10+s4], $0x100, $0x38;
	[tilespmem:$0x1D000] =	vst v63  }
0x45: {  	_ =	swait.ge [sflag:s5], $0x100  }
0x46: {  	[sflag:s5] =	ssyncset.done $0x0  }
0x47: {  	[sflag:s5] =	ssyncadd.s32 $0xFFFFFF00  }
0x48: {  	[tilespmem:s25], [sflag:$0x6] =	stream.indirect.gather [hbm4b:s1+s19], $0x80, s30, s19, $0xb8;
	[tilespmem:$0x1D000] =	vst v63  }
0x49: {  	_ =	swait.ge [sflag:s26], $0x4000  }
0x4a: {  	[sflag:s26] =	ssyncset.done $0x0  }
0x4b: {  	[sflag:s26] =	ssyncadd.s32 $0xFFFFC000  }
0x4c: {  	[spmem:s3] =	stream.indirect.scatter.add.f32 [tilespmem:s25], [sflag:$0x8], $0x80, s8, s19, $0xb8;
	[tilespmem:$0x1D000] =	vst v63  }
0x4d: {  	_ =	swait.ge [sflag:s29], $0x4000  }
0x4e: {  	s7 =	sadd.s32 $0x0, s11;
	[sflag:s29] =	ssyncset.done $0x0  }
0x4f: {  	s12 =	sadd.s32 $0xA0, s7;
	[sflag:s29] =	ssyncadd.s32 $0xFFFFC000  }
0x50: {  	[tilespmem:s17], [sflag:$0x2] =	stream.linear.gather [hbm4b:s12+s4], $0x100, $0x38;
	[tilespmem:$0x1D000] =	vst v63  }
0x51: {  	_ =	swait.ge [sflag:s18], $0x100  }
0x52: {  	[sflag:s18] =	ssyncset.done $0x0  }
0x53: {  	[sflag:s18] =	ssyncadd.s32 $0xFFFFFF00  }
0x54: {  	[tilespmem:s20], [sflag:$0x5] =	stream.indirect.gather [hbm4b:s1+s19], $0x80, s4, s19, $0xb8;
	[tilespmem:$0x1D000] =	vst v63  }
0x55: {  	_ =	swait.ge [sflag:s21], $0x4000  }
0x56: {  	[sflag:s21] =	ssyncset.done $0x0  }
0x57: {  	[sflag:s21] =	ssyncadd.s32 $0xFFFFC000  }
0x58: {  	[spmem:s3] =	stream.indirect.scatter.add.f32 [tilespmem:s20], [sflag:$0x7], $0x80, s19, s19, $0xb8;
	[tilespmem:$0x1D000] =	vst v63  }
0x59: {  	_ =	swait.ge [sflag:s2], $0x4000  }
0x5a: {  	[sflag:s2] =	ssyncset.done $0x0  }
0x5b: {  	s24 =	sadd.s32 $0x0, s13;
	[sflag:s2] =	ssyncadd.s32 $0xFFFFC000  }
0x5c: {  	[tilespmem:s22], [sflag:$0x3] =	stream.linear.gather [hbm4b:s24+s4], $0x100, $0x38;
	[tilespmem:$0x1D000] =	vst v63  }
0x5d: {  	_ =	swait.ge [sflag:s23], $0x100  }
0x5e: {  	[sflag:s23] =	ssyncset.done $0x0  }
0x5f: {  	[sflag:s23] =	ssyncadd.s32 $0xFFFFFF00  }
0x60: {  	[tilespmem:s25], [sflag:$0x6] =	stream.indirect.gather [hbm4b:s1+s19], $0x80, s17, s19, $0xb8;
	[tilespmem:$0x1D000] =	vst v63  }
0x61: {  	_ =	swait.ge [sflag:s26], $0x4000  }
0x62: {  	[sflag:s26] =	ssyncset.done $0x0  }
0x63: {  	[sflag:s26] =	ssyncadd.s32 $0xFFFFC000  }
0x64: {  	[spmem:s3] =	stream.indirect.scatter.add.f32 [tilespmem:s25], [sflag:$0x8], $0x80, s28, s19, $0xb8;
	[tilespmem:$0x1D000] =	vst v63  }
0x65: {  	_ =	swait.ge [sflag:s29], $0x4000  }
0x66: {  	[sflag:s29] =	ssyncset.done $0x0  }
0x67: {  	s10 =	sadd.s32 $0xE0, s7;
	[sflag:s29] =	ssyncadd.s32 $0xFFFFC000  }
0x68: {  	[tilespmem:s30], [sflag:$0x4] =	stream.linear.gather [hbm4b:s10+s4], $0x100, $0x38;
	[tilespmem:$0x1D000] =	vst v63  }
0x69: {  	_ =	swait.ge [sflag:s31], $0x100  }
0x6a: {  	[sflag:s31] =	ssyncset.done $0x0  }
0x6b: {  	s10 =	simm.s32 $0x80;
	[sflag:s31] =	ssyncadd.s32 $0xFFFFFF00  }
.LBB2_2:
0x6c: {  	[tilespmem:s20], [sflag:$0x5] =	stream.indirect.gather [hbm4b:s1+s19], $0x80, s22, s19, $0xb8;
	[tilespmem:$0x1D000] =	vst v63  }
0x6d: {  	s12 =	smov.u32 s10  }
0x6e: {  	p0 =	sne.s32 s10, $0x900;
	s10 =	sadd.s32 $0x80, s10;
	_ =	swait.ge [sflag:s21], $0x4000  }
0x6f: {  	[sflag:s21] =	ssyncset.done $0x0  }
0x70: {  	[sflag:s21] =	ssyncadd.s32 $0xFFFFC000  }
0x71: {  	[spmem:s3] =	stream.indirect.scatter.add.f32 [tilespmem:s20], [sflag:$0x7], $0x80, s0, s19, $0xb8;
	[tilespmem:$0x1D000] =	vst v63  }
0x72: {  	_ =	swait.ge [sflag:s2], $0x4000  }
0x73: {  	[sflag:s2] =	ssyncset.done $0x0  }
0x74: {  	s24 =	sadd.s32 s12, s14;
	[sflag:s2] =	ssyncadd.s32 $0xFFFFC000  }
0x75: {  	[tilespmem:s4], [sflag:$0x1] =	stream.linear.gather [hbm4b:s24+s4], $0x100, $0x38;
	[tilespmem:$0x1D000] =	vst v63  }
0x76: {  	_ =	swait.ge [sflag:s5], $0x100  }
0x77: {  	[sflag:s5] =	ssyncset.done $0x0  }
0x78: {  	[sflag:s5] =	ssyncadd.s32 $0xFFFFFF00  }
0x79: {  	[tilespmem:s25], [sflag:$0x6] =	stream.indirect.gather [hbm4b:s1+s19], $0x80, s30, s19, $0xb8;
	[tilespmem:$0x1D000] =	vst v63  }
0x7a: {  	_ =	swait.ge [sflag:s26], $0x4000  }
0x7b: {  	[sflag:s26] =	ssyncset.done $0x0  }
0x7c: {  	[sflag:s26] =	ssyncadd.s32 $0xFFFFC000  }
0x7d: {  	[spmem:s3] =	stream.indirect.scatter.add.f32 [tilespmem:s25], [sflag:$0x8], $0x80, s8, s19, $0xb8;
	[tilespmem:$0x1D000] =	vst v63  }
0x7e: {  	_ =	swait.ge [sflag:s29], $0x4000  }
0x7f: {  	s24 =	sadd.s32 s12, s11;
	[sflag:s29] =	ssyncset.done $0x0  }
0x80: {  	s7 =	sadd.s32 $0xA0, s24;
	[sflag:s29] =	ssyncadd.s32 $0xFFFFC000  }
0x81: {  	[tilespmem:s17], [sflag:$0x2] =	stream.linear.gather [hbm4b:s7+s4], $0x100, $0x38;
	[tilespmem:$0x1D000] =	vst v63  }
0x82: {  	_ =	swait.ge [sflag:s18], $0x100  }
0x83: {  	[sflag:s18] =	ssyncset.done $0x0  }
0x84: {  	[sflag:s18] =	ssyncadd.s32 $0xFFFFFF00  }
0x85: {  	[tilespmem:s20], [sflag:$0x5] =	stream.indirect.gather [hbm4b:s1+s19], $0x80, s4, s19, $0xb8;
	[tilespmem:$0x1D000] =	vst v63  }
0x86: {  	_ =	swait.ge [sflag:s21], $0x4000  }
0x87: {  	[sflag:s21] =	ssyncset.done $0x0  }
0x88: {  	[sflag:s21] =	ssyncadd.s32 $0xFFFFC000  }
0x89: {  	[spmem:s3] =	stream.indirect.scatter.add.f32 [tilespmem:s20], [sflag:$0x7], $0x80, s19, s19, $0xb8;
	[tilespmem:$0x1D000] =	vst v63  }
0x8a: {  	_ =	swait.ge [sflag:s2], $0x4000  }
0x8b: {  	[sflag:s2] =	ssyncset.done $0x0  }
0x8c: {  	s7 =	sadd.s32 s12, s13;
	[sflag:s2] =	ssyncadd.s32 $0xFFFFC000  }
0x8d: {  	[tilespmem:s22], [sflag:$0x3] =	stream.linear.gather [hbm4b:s7+s4], $0x100, $0x38;
	[tilespmem:$0x1D000] =	vst v63  }
0x8e: {  	_ =	swait.ge [sflag:s23], $0x100  }
0x8f: {  	[sflag:s23] =	ssyncset.done $0x0  }
0x90: {  	[sflag:s23] =	ssyncadd.s32 $0xFFFFFF00  }
0x91: {  	[tilespmem:s25], [sflag:$0x6] =	stream.indirect.gather [hbm4b:s1+s19], $0x80, s17, s19, $0xb8;
	[tilespmem:$0x1D000] =	vst v63  }
0x92: {  	_ =	swait.ge [sflag:s26], $0x4000  }
0x93: {  	[sflag:s26] =	ssyncset.done $0x0  }
0x94: {  	[sflag:s26] =	ssyncadd.s32 $0xFFFFC000  }
0x95: {  	[spmem:s3] =	stream.indirect.scatter.add.f32 [tilespmem:s25], [sflag:$0x8], $0x80, s28, s19, $0xb8;
	[tilespmem:$0x1D000] =	vst v63  }
0x96: {  	_ =	swait.ge [sflag:s29], $0x4000  }
0x97: {  	[sflag:s29] =	ssyncset.done $0x0  }
.Ltmp0:
0x98: {  	s7 =	sadd.s32 $0xE0, s24;
	[sflag:s29] =	ssyncadd.s32 $0xFFFFC000;
	(pc) =	sbr.rel @p0 .LBB2_2-.Ltmp0, $4  }
0x99: {  	[tilespmem:s30], [sflag:$0x4] =	stream.linear.gather [hbm4b:s7+s4], $0x100, $0x38;
	[tilespmem:$0x1D000] =	vst v63  }
0x9a: {  	_ =	swait.ge [sflag:s31], $0x100  }
0x9b: {  	[sflag:s31] =	ssyncset.done $0x0  }
0x9c: {  	[sflag:s31] =	ssyncadd.s32 $0xFFFFFF00  }
0x9d: {  	[tilespmem:s20], [sflag:$0x5] =	stream.indirect.gather [hbm4b:s1+s19], $0x80, s22, s19, $0xb8;
	[tilespmem:$0x1D000] =	vst v63  }
0x9e: {  	_ =	swait.ge [sflag:s21], $0x4000  }
0x9f: {  	[sflag:s21] =	ssyncset.done $0x0  }
0xa0: {  	[sflag:s21] =	ssyncadd.s32 $0xFFFFC000  }
0xa1: {  	[spmem:s3] =	stream.indirect.scatter.add.f32 [tilespmem:s20], [sflag:$0x7], $0x80, s0, s19, $0xb8;
	[tilespmem:$0x1D000] =	vst v63  }
0xa2: {  	_ =	swait.ge [sflag:s2], $0x4000  }
0xa3: {  	[sflag:s2] =	ssyncset.done $0x0  }
0xa4: {  	[sflag:s2] =	ssyncadd.s32 $0xFFFFC000  }
0xa5: {  	_ =	swait.ge [sflag:s5], $0x100  }
0xa6: {  	[sflag:s5] =	ssyncset.done $0x0  }
0xa7: {  	[sflag:s5] =	ssyncadd.s32 $0xFFFFFF00  }
0xa8: {  	[tilespmem:s25], [sflag:$0x6] =	stream.indirect.gather [hbm4b:s1+s19], $0x80, s30, s19, $0xb8;
	[tilespmem:$0x1D000] =	vst v63  }
0xa9: {  	_ =	swait.ge [sflag:s26], $0x4000  }
0xaa: {  	[sflag:s26] =	ssyncset.done $0x0  }
0xab: {  	[sflag:s26] =	ssyncadd.s32 $0xFFFFC000  }
0xac: {  	[spmem:s3] =	stream.indirect.scatter.add.f32 [tilespmem:s25], [sflag:$0x8], $0x80, s8, s19, $0xb8;
	[tilespmem:$0x1D000] =	vst v63  }
0xad: {  	_ =	swait.ge [sflag:s29], $0x4000  }
0xae: {  	[sflag:s29] =	ssyncset.done $0x0  }
0xaf: {  	[sflag:s29] =	ssyncadd.s32 $0xFFFFC000  }
0xb0: {  	_ =	swait.ge [sflag:s2], $0x4000  }
0xb1: {  	[sflag:s2] =	ssyncset.done $0x0  }
0xb2: {  	[sflag:s2] =	ssyncadd.s32 $0xFFFFC000  }
0xb3: {  	[bflag:$0x0] =	sbarrier.arrive $0xFFFF  }
0xb4: {  	s7 =	rddreg [dreg:$0xa]  }
0xb5: {  	[hbm:s7], [sflag:s6] =	dma.local [spmem:s15], $0x2800  }
0xb6: {  	_ =	swait.ge [sflag:s16], $0x2800  }
0xb7: {  	s9 =	sadd.s32 $0x1, s9;
	s24 =	rddreg [dreg:$0x9]  }
0xb8: {  	p0 =	sne.s32 s9, s24  }
.Ltmp1:
0xb9: {  	_ = 	snop;
	(pc) =	sbr.rel @p0 .LBB2_1-.Ltmp1, $3  }
0xba: {  	_ =	sdelay $0x1  }
0xbb: {  	[sflag:s16] =	ssyncset.done $0x0  }
0xbc: {  	[sflag:s16] =	ssyncadd.s32 $0xFFFFD800  }
0xbd: {  	_ =	sfence.sel $0x180000  }
0xbe: {  	[bflag:$0x0] =	sbarrier.arrive $0xFFFF  }
0xbf: {  	_ =	strace $0x90000047  }
0xc0: {  	s0 =	stileid.u32;
	[bflag:$0x2] =	sbarrier.arrive $0xFFFF  }
0xc1: {  	p0 =	sne.s32 s0, $0x0;
	s0 =	rddreg [dreg:$0x3]  }
0xc2: {  	s0 =	sadd.s32 @!p0 $0x100000, s0  }
0xc3: {  	[sflag:s0] =	ssyncadd.tile.s32 @!p0 $0x1;
	_ =	shalt  }
.Lfunc_end2:
_tile_overlayer_lowered:
.L_overlay_start_2:
0xc4: {  	(tag) =	ssettag $0x2  }
0xc5: {  	s0 =	rddreg [dreg:$0x0];
	s2 =	stileid.u32  }
0xc6: {  	s1 =	rddreg [dreg:$0x1];
	p0 =	sne.s32 s2, $0x0  }
0xc7: {  	s3 =	rddreg [dreg:$0x2];
	[bflag:$0x3] =	sbarrier.arrive $0xFFFF;
	s2 =	simm.s32 @!p0 $0x1C09  }
0xc8: {  	[timem:s3], [sflag:s2] =	dma.local @!p0 [hbm:s0], s1  }
0xc9: {  	s0 =	simm.s32 @!p0 $0x9  }
0xca: {  	_ =	swait.ge @!p0 [sflag:s0], s1  }
0xcb: {  	s1 =	ssub.s32 @!p0 $0x0, s1;
	[sflag:s0] =	ssyncset.done @!p0 $0x0  }
0xcc: {  	[sflag:s0] =	ssyncadd.s32 @!p0 s1  }
0xcd: {  	[bflag:$0x3] =	sbarrier.arrive $0xFFFF  }
0xce: {  	_ =	shalt  }

</sc_bundles>
